<compile_context>
chip_gen: v7x
topology: tpu7x:2x2x1
jax: 0.10.2.dev20260603
libtpu: 0.0.44.dev20260713+nightly
codegen_flags: <defaults>
</compile_context>

<pallas_src>
import jax
import jax.numpy as jnp
from jax import lax
from jax.experimental import pallas as pl
from jax.experimental.pallas import tpu as pltpu
from jax.experimental.pallas import tpu_sc as plsc

N = 10000
D = 128
E = 320000

NC = 2
NS = 16
NW = NC * NS

CHUNK = 64
CH = 160
EPT = CH * CHUNK
E_PAD = NW * EPT
N_PAD = 10240
RPT = N_PAD // NS

_mesh = plsc.VectorSubcoreMesh(core_axis_name="c", subcore_axis_name="s")



def _deg_body(dst_hbm, ones_hbm, zeros_hbm, out_hbm, dst_v, ones_v, acc, sem):
    c = lax.axis_index("c")
    s = lax.axis_index("s")
    w = c * NS + s
    pltpu.sync_copy(dst_hbm.at[w], dst_v)
    pltpu.sync_copy(ones_hbm, ones_v)
    r0 = s * RPT
    pltpu.sync_copy(zeros_hbm.at[pl.ds(r0, RPT)], acc.at[pl.ds(r0, RPT)])
    plsc.subcore_barrier()

    @pl.loop(0, CH)
    def _chunk(j):
        pltpu.sync_copy(ones_v, acc.at[dst_v.at[j]], add=True)

    plsc.subcore_barrier()
    pltpu.sync_copy(acc.at[pl.ds(r0, RPT)], out_hbm.at[c, pl.ds(r0, RPT)])


_deg_call = pl.kernel(
    _deg_body,
    out_type=jax.ShapeDtypeStruct((NC, N_PAD), jnp.float32),
    mesh=_mesh,
    scratch_types=[
        pltpu.VMEM((CH, CHUNK), jnp.int32),
        pltpu.VMEM((CHUNK,), jnp.float32),
        pltpu.VMEM_SHARED((N_PAD,), jnp.float32),
        pltpu.SemaphoreType.DMA,
    ],
)


def _edge_body(h_hbm, idx_hbm, zeros_hbm, out_hbm,
               i0, i1, i2, i3, i4, i5, i6, i7, g0, g1, g2, g3, acc,
               si0, si1, si2, si3, si4, si5, si6, si7,
               sg0, sg1, sg2, sg3, ss0, ss1, ss2, ss3):
    c = lax.axis_index("c")
    s = lax.axis_index("s")
    w = c * NS + s
    r0 = s * RPT
    pltpu.sync_copy(zeros_hbm.at[pl.ds(r0, RPT)], acc.at[pl.ds(r0, RPT)])

    islots = (i0, i1, i2, i3, i4, i5, i6, i7)
    isems = (si0, si1, si2, si3, si4, si5, si6, si7)
    gbufs = (g0, g1, g2, g3)
    gsems = (sg0, sg1, sg2, sg3)
    ssems = (ss0, ss1, ss2, ss3)

    for b in range(8):
        pltpu.async_copy(idx_hbm.at[w, b], islots[b], isems[b])
    plsc.subcore_barrier()
    for b in range(3):
        pltpu.make_async_copy(idx_hbm.at[w, b], islots[b], isems[b]).wait()
        pltpu.async_copy(h_hbm.at[islots[b].at[0]], gbufs[b], gsems[b])

    @pl.loop(0, CH, step=8)
    def _chunk(j):
        for b in range(8):
            jj = j + b
            q = b & 3
            pq = (b - 1) & 3
            pb = (b - 1) & 7
            nb3 = (b + 3) & 7
            pltpu.make_async_copy(h_hbm.at[islots[b].at[0]],
                                  gbufs[q], gsems[q]).wait()
            pltpu.async_copy(gbufs[q], acc.at[islots[b].at[1]],
                             ssems[q], add=True)

            @pl.when(jj >= 1)
            def _():
                pltpu.make_async_copy(gbufs[pq], acc.at[islots[pb].at[1]],
                                      ssems[pq]).wait()

                @pl.when(jj + 7 < CH)
                def _():
                    pltpu.async_copy(idx_hbm.at[w, jj + 7], islots[pb],
                                     isems[pb])

            @pl.when(jj + 3 < CH)
            def _():
                pltpu.make_async_copy(
                    idx_hbm.at[w, jj + 3], islots[nb3], isems[nb3]).wait()
                pltpu.async_copy(h_hbm.at[islots[nb3].at[0]],
                                 gbufs[pq], gsems[pq])

    pltpu.make_async_copy(gbufs[(CH - 1) & 3],
                          acc.at[islots[(CH - 1) & 7].at[1]],
                          ssems[(CH - 1) & 3]).wait()
    plsc.subcore_barrier()
    pltpu.sync_copy(acc.at[pl.ds(r0, RPT)], out_hbm.at[c, pl.ds(r0, RPT)])


_edge_call = pl.kernel(
    _edge_body,
    out_type=jax.ShapeDtypeStruct((NC, N_PAD, D), jnp.float32),
    mesh=_mesh,
    scratch_types=(
        [pltpu.VMEM((2, CHUNK), jnp.int32) for _ in range(8)]
        + [pltpu.VMEM((CHUNK, D), jnp.float32) for _ in range(4)]
        + [pltpu.VMEM_SHARED((N_PAD, D), jnp.float32)]
        + [pltpu.SemaphoreType.DMA for _ in range(16)]
    ),
)



BLK = 1024
GRID = N_PAD // BLK


def _pre_body(x_ref, w_ref, d_ref, dinv_ref, h_ref):
    deg = d_ref[0] + d_ref[1] + 1.0
    dinv = lax.rsqrt(deg)
    dinv_ref[...] = dinv
    h_ref[...] = jnp.dot(x_ref[...], w_ref[...],
                         preferred_element_type=jnp.float32) * dinv


_pre_call = pl.pallas_call(
    _pre_body,
    grid=(GRID,),
    in_specs=[
        pl.BlockSpec((BLK, D), lambda i: (i, 0)),
        pl.BlockSpec((D, D), lambda i: (0, 0)),
        pl.BlockSpec((NC, BLK, 1), lambda i: (0, i, 0)),
    ],
    out_specs=[
        pl.BlockSpec((BLK, 1), lambda i: (i, 0)),
        pl.BlockSpec((BLK, D), lambda i: (i, 0)),
    ],
    out_shape=[
        jax.ShapeDtypeStruct((N_PAD, 1), jnp.float32),
        jax.ShapeDtypeStruct((N_PAD, D), jnp.float32),
    ],
)


def _mid_body(a_ref, h_ref, dinv_ref, b_ref, w_ref, o_ref):
    dinv = dinv_ref[...]
    z = (a_ref[0] + a_ref[1] + h_ref[...]) * dinv + b_ref[...]
    z = jnp.maximum(z, 0.0)
    o_ref[...] = jnp.dot(z, w_ref[...],
                         preferred_element_type=jnp.float32) * dinv


_mid_call = pl.pallas_call(
    _mid_body,
    grid=(GRID,),
    in_specs=[
        pl.BlockSpec((NC, BLK, D), lambda i: (0, i, 0)),
        pl.BlockSpec((BLK, D), lambda i: (i, 0)),
        pl.BlockSpec((BLK, 1), lambda i: (i, 0)),
        pl.BlockSpec((1, D), lambda i: (0, 0)),
        pl.BlockSpec((D, D), lambda i: (0, 0)),
    ],
    out_specs=pl.BlockSpec((BLK, D), lambda i: (i, 0)),
    out_shape=jax.ShapeDtypeStruct((N_PAD, D), jnp.float32),
)


def _head_body(a_ref, h_ref, dinv_ref, b1_ref, wo1_ref, bo1_ref,
               wo2_ref, bo2_ref, o_ref):
    z1 = (a_ref[0] + a_ref[1] + h_ref[...]) * dinv_ref[...] + b1_ref[...]
    t = jnp.dot(z1, wo1_ref[...], preferred_element_type=jnp.float32)
    t = jnp.maximum(t + bo1_ref[...], 0.0)
    o_ref[...] = jnp.dot(t, wo2_ref[...],
                         preferred_element_type=jnp.float32) + bo2_ref[...]


_head_call = pl.pallas_call(
    _head_body,
    grid=(GRID,),
    in_specs=[
        pl.BlockSpec((NC, BLK, D), lambda i: (0, i, 0)),
        pl.BlockSpec((BLK, D), lambda i: (i, 0)),
        pl.BlockSpec((BLK, 1), lambda i: (i, 0)),
        pl.BlockSpec((1, D), lambda i: (0, 0)),
        pl.BlockSpec((D, 2 * D), lambda i: (0, 0)),
        pl.BlockSpec((1, 2 * D), lambda i: (0, 0)),
        pl.BlockSpec((2 * D, D), lambda i: (0, 0)),
        pl.BlockSpec((1, D), lambda i: (0, 0)),
    ],
    out_specs=pl.BlockSpec((BLK, D), lambda i: (i, 0)),
    out_shape=jax.ShapeDtypeStruct((N_PAD, D), jnp.float32),
)



def kernel(x, edge_index, W0, b0, W1, b1, Wo1, bo1, Wo2, bo2):
    pad = jnp.full((E_PAD - E,), N, jnp.int32)
    srcp = jnp.concatenate([edge_index[0], pad]).reshape(NW, CH, CHUNK)
    dstp = jnp.concatenate([edge_index[1], pad]).reshape(NW, CH, CHUNK)
    idxc = jnp.stack([srcp, dstp], axis=2)
    x_pad = jnp.pad(x, ((0, N_PAD - N), (0, 0)))
    zeros2d = jnp.zeros((N_PAD, D), jnp.float32)
    zeros1d = jnp.zeros((N_PAD,), jnp.float32)
    ones = jnp.ones((CHUNK,), jnp.float32)

    degp = _deg_call(dstp, ones, zeros1d)
    dinv, h0p = _pre_call(x_pad, W0, degp.reshape(NC, N_PAD, 1))
    agg0 = _edge_call(h0p, idxc, zeros2d)
    h1p = _mid_call(agg0, h0p, dinv, b0.reshape(1, D), W1)
    agg1 = _edge_call(h1p, idxc, zeros2d)
    out = _head_call(agg1, h1p, dinv, b1.reshape(1, D), Wo1,
                     bo1.reshape(1, 2 * D), Wo2, bo2.reshape(1, D))
    return out[:N]

# --- scband reference (transcript-rebuilt; emitter-appended) ---
"""Pipeline reference for scband-gcn-44744969290503 (READ-ONLY COPY).

The authoritative reference and input builder live on the scoring server;
editing this copy changes nothing except your own understanding.
"""

import jax, jax.numpy as jnp
import numpy as np

N = 10000
E = 320000
D_IN = 128
HID = 128
OUT = 128


def _glorot(key, shape):
    fan_in, fan_out = shape[0], shape[1]
    limit = float(np.sqrt(6.0 / (fan_in + fan_out)))
    return jax.random.uniform(key, shape, dtype=jnp.float32, minval=-limit, maxval=limit)


def setup_inputs(seed: int = 0) -> dict:
    key = jax.random.key(seed)
    ks = jax.random.split(key, 12)
    x = jax.random.normal(ks[0], (N, D_IN), dtype=jnp.float32)
    edge_index = jax.random.randint(ks[1], (2, E), 0, N, dtype=jnp.int32)
    W0 = _glorot(ks[2], (D_IN, HID))
    b0 = jnp.zeros((HID,), jnp.float32)
    W1 = _glorot(ks[3], (HID, HID))
    b1 = jnp.zeros((HID,), jnp.float32)
    Wo1 = _glorot(ks[4], (HID, 2 * HID))
    bo1 = jnp.zeros((2 * HID,), jnp.float32)
    Wo2 = _glorot(ks[5], (2 * HID, OUT))
    bo2 = jnp.zeros((OUT,), jnp.float32)
    return {"x": x, "edge_index": edge_index, "W0": W0, "b0": b0, "W1": W1, "b1": b1, "Wo1": Wo1, "bo1": bo1, "Wo2": Wo2, "bo2": bo2}


def _gcn_layer(x, src, dst, n, W, b):
    # GCNConv (PyG defaults): add self-loops (done by caller), symmetric norm
    h = x @ W
    deg = jnp.zeros((n,), jnp.float32).at[dst].add(1.0)
    dinv = jnp.where(deg > 0, 1.0 / jnp.sqrt(deg), 0.0)
    norm = dinv[src] * dinv[dst]
    msg = h[src] * norm[:, None]
    out = jnp.zeros((n, h.shape[1]), jnp.float32).at[dst].add(msg)
    return out + b


def reference(x, edge_index, W0, b0, W1, b1, Wo1, bo1, Wo2, bo2):
    n = x.shape[0]
    loops = jnp.arange(n, dtype=edge_index.dtype)
    src = jnp.concatenate([edge_index[0], loops])
    dst = jnp.concatenate([edge_index[1], loops])
    # layer 0 (dropout is identity in eval mode)
    h = _gcn_layer(x, src, dst, n, W0, b0)
    h = jax.nn.relu(h)
    # layer 1 (last conv: no dropout/relu)
    h = _gcn_layer(h, src, dst, n, W1, b1)
    # graph_level=False -> no pooling
    # output MLP: Linear -> ReLU -> Linear
    h = jax.nn.relu(h @ Wo1 + bo1)
    out = h @ Wo2 + bo2
    return out

if __name__ == "__main__":
    import jax
    _d = setup_inputs()
    print(jax.jit(kernel)(*tuple(_d.values())))

</pallas_src>

<mosaic_0001>
#map = affine_map<(d0, d1) -> (0, 0, 0)>
#map1 = affine_map<(d0, d1) -> (0)>
#map2 = affine_map<(d0, d1) -> (0, 0)>
module attributes {stable_mosaic.version = 14 : i64} {
  func.func @_deg_body(%arg0: i32, %arg1: i32, %arg2: memref<32x160x64xi32, #tpu.memory_space<hbm>>, %arg3: memref<64xf32, #tpu.memory_space<hbm>>, %arg4: memref<10240xf32, #tpu.memory_space<hbm>>, %arg5: memref<2x10240xf32, #tpu.memory_space<hbm>>, %arg6: memref<160x64xi32, #tpu.memory_space<vmem>>, %arg7: memref<64xf32, #tpu.memory_space<vmem>>, %arg8: memref<10240xf32, #tpu.memory_space<vmem_shared>>, %arg9: memref<!tpu.dma_semaphore, #tpu.memory_space<semaphore_mem>>) attributes {dimension_semantics = [#tpu.dimension_semantics<core_parallel>, #tpu.dimension_semantics<subcore_parallel>], iteration_bounds = array<i64: 2, 16>, scalar_prefetch = 0 : i64, scratch_operands = 4 : i64, tpu.core_type = #tpu.core_type<sc_vector_subcore>, window_params = [{transform_indices = #map}, {transform_indices = #map1}, {transform_indices = #map1}, {transform_indices = #map2}]} {
    %mul3A = arith.constant 16 : i32
    %mul3A_0 = arith.muli %arg0, %mul3A : i32
    %add3A = arith.addi %mul3A_0, %arg1 : i32
    "tpu.region"() ({
      %run_scoped3A = tpu.sem_alloc : memref<!tpu.dma_semaphore, #tpu.memory_space<semaphore_mem>>
      %dma_start3A = arith.constant 0 : i32
      %dma_start3A_8 = arith.constant 0 : i32
      %dma_start3A_9 = tpu.memref_slice %arg2[%add3A, %dma_start3A, %dma_start3A_8] : memref<32x160x64xi32, #tpu.memory_space<hbm>> -> memref<1x160x64xi32, #tpu.memory_space<hbm>>
      %dma_start3A_10 = tpu.memref_squeeze %dma_start3A_9 : memref<1x160x64xi32, #tpu.memory_space<hbm>> -> memref<160x64xi32, #tpu.memory_space<hbm>>
      %dma_start3A_11 = arith.constant 0 : i32
      %dma_start3A_12 = arith.constant 0 : i32
      %dma_start3A_13 = tpu.memref_slice %arg2[%add3A, %dma_start3A_11, %dma_start3A_12] : memref<32x160x64xi32, #tpu.memory_space<hbm>> -> memref<1x160x64xi32, #tpu.memory_space<hbm>>
      %dma_start3A_14 = tpu.memref_squeeze %dma_start3A_13 : memref<1x160x64xi32, #tpu.memory_space<hbm>> -> memref<160x64xi32, #tpu.memory_space<hbm>>
      tpu.enqueue_dma source(%dma_start3A_14 : memref<160x64xi32, #tpu.memory_space<hbm>>) target(%arg6 : memref<160x64xi32, #tpu.memory_space<vmem>>) target_semaphore(%run_scoped3A : memref<!tpu.dma_semaphore, #tpu.memory_space<semaphore_mem>>)
      %dma_wait3A = arith.constant 0 : i32
      %dma_wait3A_15 = arith.constant 0 : i32
      %dma_wait3A_16 = tpu.memref_slice %arg2[%add3A, %dma_wait3A, %dma_wait3A_15] : memref<32x160x64xi32, #tpu.memory_space<hbm>> -> memref<1x160x64xi32, #tpu.memory_space<hbm>>
      %dma_wait3A_17 = tpu.memref_squeeze %dma_wait3A_16 : memref<1x160x64xi32, #tpu.memory_space<hbm>> -> memref<160x64xi32, #tpu.memory_space<hbm>>
      %dma_wait3A_18 = arith.constant 0 : i32
      %dma_wait3A_19 = arith.constant 0 : i32
      %dma_wait3A_20 = tpu.memref_slice %arg2[%add3A, %dma_wait3A_18, %dma_wait3A_19] : memref<32x160x64xi32, #tpu.memory_space<hbm>> -> memref<1x160x64xi32, #tpu.memory_space<hbm>>
      %dma_wait3A_21 = tpu.memref_squeeze %dma_wait3A_20 : memref<1x160x64xi32, #tpu.memory_space<hbm>> -> memref<160x64xi32, #tpu.memory_space<hbm>>
      tpu.wait_dma2 semaphore(%run_scoped3A : memref<!tpu.dma_semaphore, #tpu.memory_space<semaphore_mem>>) src(%dma_wait3A_21 : memref<160x64xi32, #tpu.memory_space<hbm>>) dst(%arg6 : memref<160x64xi32, #tpu.memory_space<vmem>>)
      tpu.yield
    }) : () -> ()
    "tpu.region"() ({
      %run_scoped3A = tpu.sem_alloc : memref<!tpu.dma_semaphore, #tpu.memory_space<semaphore_mem>>
      tpu.enqueue_dma source(%arg3 : memref<64xf32, #tpu.memory_space<hbm>>) target(%arg7 : memref<64xf32, #tpu.memory_space<vmem>>) target_semaphore(%run_scoped3A : memref<!tpu.dma_semaphore, #tpu.memory_space<semaphore_mem>>)
      tpu.wait_dma2 semaphore(%run_scoped3A : memref<!tpu.dma_semaphore, #tpu.memory_space<semaphore_mem>>) src(%arg3 : memref<64xf32, #tpu.memory_space<hbm>>) dst(%arg7 : memref<64xf32, #tpu.memory_space<vmem>>)
      tpu.yield
    }) : () -> ()
    %mul3A_1 = arith.constant 640 : i32
    %mul3A_2 = arith.muli %arg1, %mul3A_1 : i32
    "tpu.region"() ({
      %run_scoped3A = tpu.sem_alloc : memref<!tpu.dma_semaphore, #tpu.memory_space<semaphore_mem>>
      %dma_start3A = tpu.memref_slice %arg8[%mul3A_2] : memref<10240xf32, #tpu.memory_space<vmem_shared>> -> memref<640xf32, #tpu.memory_space<vmem_shared>>
      %dma_start3A_8 = tpu.memref_slice %arg4[%mul3A_2] : memref<10240xf32, #tpu.memory_space<hbm>> -> memref<640xf32, #tpu.memory_space<hbm>>
      tpu.enqueue_dma source(%dma_start3A_8 : memref<640xf32, #tpu.memory_space<hbm>>) target(%dma_start3A : memref<640xf32, #tpu.memory_space<vmem_shared>>) target_semaphore(%run_scoped3A : memref<!tpu.dma_semaphore, #tpu.memory_space<semaphore_mem>>)
      %dma_wait3A = tpu.memref_slice %arg8[%mul3A_2] : memref<10240xf32, #tpu.memory_space<vmem_shared>> -> memref<640xf32, #tpu.memory_space<vmem_shared>>
      %dma_wait3A_9 = tpu.memref_slice %arg4[%mul3A_2] : memref<10240xf32, #tpu.memory_space<hbm>> -> memref<640xf32, #tpu.memory_space<hbm>>
      tpu.wait_dma2 semaphore(%run_scoped3A : memref<!tpu.dma_semaphore, #tpu.memory_space<semaphore_mem>>) src(%dma_wait3A_9 : memref<640xf32, #tpu.memory_space<hbm>>) dst(%dma_wait3A : memref<640xf32, #tpu.memory_space<vmem_shared>>)
      tpu.yield
    }) : () -> ()
    %barrier3A = arith.constant 0 : index
    tpu.barrier barrier_id(%barrier3A)
    %scan3A = arith.constant 0 : i32
    %scan3A_3 = arith.constant 160 : i32
    %scan3A_4 = arith.addi %scan3A, %scan3A_3 : i32
    %scan3A_5 = arith.constant 1 : i32
    scf.for %scan3A_8 = %scan3A to %scan3A_4 step %scan3A_5  : i32 {
      %mul3A_9 = arith.constant 1 : i32
      %mul3A_10 = arith.muli %scan3A_8, %mul3A_9 : i32
      %add3A_11 = arith.constant 0 : i32
      %add3A_12 = arith.addi %add3A_11, %mul3A_10 : i32
      "tpu.region"() ({
        %run_scoped3A = tpu.sem_alloc : memref<!tpu.dma_semaphore, #tpu.memory_space<semaphore_mem>>
        %dma_start3A = arith.constant 0 : i32
        %dma_start3A_13 = tpu.memref_slice %arg6[%add3A_12, %dma_start3A] : memref<160x64xi32, #tpu.memory_space<vmem>> -> memref<1x64xi32, #tpu.memory_space<vmem>>
        %dma_start3A_14 = tpu.memref_squeeze %dma_start3A_13 : memref<1x64xi32, #tpu.memory_space<vmem>> -> memref<64xi32, #tpu.memory_space<vmem>>
        %dma_start3A_15 = arith.constant 0 : i32
        %dma_start3A_16 = tpu.memref_slice %arg8[%dma_start3A_15] : memref<10240xf32, #tpu.memory_space<vmem_shared>> -> memref<10240xf32, #tpu.memory_space<vmem_shared>>
        tpu.enqueue_indirect_dma source(%arg7 : memref<64xf32, #tpu.memory_space<vmem>>) target(%dma_start3A_16 : memref<10240xf32, #tpu.memory_space<vmem_shared>>) offsets(%dma_start3A_14 : memref<64xi32, #tpu.memory_space<vmem>>) semaphore(%run_scoped3A : memref<!tpu.dma_semaphore, #tpu.memory_space<semaphore_mem>>) {add = true}
        %dma_wait3A = arith.constant 0 : i32
        %dma_wait3A_17 = tpu.memref_slice %arg6[%add3A_12, %dma_wait3A] : memref<160x64xi32, #tpu.memory_space<vmem>> -> memref<1x64xi32, #tpu.memory_space<vmem>>
        %dma_wait3A_18 = tpu.memref_squeeze %dma_wait3A_17 : memref<1x64xi32, #tpu.memory_space<vmem>> -> memref<64xi32, #tpu.memory_space<vmem>>
        %dma_wait3A_19 = arith.constant 0 : i32
        %dma_wait3A_20 = tpu.memref_slice %arg8[%dma_wait3A_19] : memref<10240xf32, #tpu.memory_space<vmem_shared>> -> memref<10240xf32, #tpu.memory_space<vmem_shared>>
        tpu.wait_indirect_dma semaphore(%run_scoped3A : memref<!tpu.dma_semaphore, #tpu.memory_space<semaphore_mem>>) src(%arg7 : memref<64xf32, #tpu.memory_space<vmem>>) dst(%dma_wait3A_20 : memref<10240xf32, #tpu.memory_space<vmem_shared>>)
        tpu.yield
      }) : () -> ()
    }
    %scan3A_6 = arith.constant 160 : i32
    %barrier3A_7 = arith.constant 0 : index
    tpu.barrier barrier_id(%barrier3A_7)
    "tpu.region"() ({
      %run_scoped3A = tpu.sem_alloc : memref<!tpu.dma_semaphore, #tpu.memory_space<semaphore_mem>>
      %dma_start3A = tpu.memref_slice %arg5[%arg0, %mul3A_2] : memref<2x10240xf32, #tpu.memory_space<hbm>> -> memref<1x640xf32, #tpu.memory_space<hbm>>
      %dma_start3A_8 = tpu.memref_squeeze %dma_start3A : memref<1x640xf32, #tpu.memory_space<hbm>> -> memref<640xf32, #tpu.memory_space<hbm>>
      %dma_start3A_9 = tpu.memref_slice %arg8[%mul3A_2] : memref<10240xf32, #tpu.memory_space<vmem_shared>> -> memref<640xf32, #tpu.memory_space<vmem_shared>>
      tpu.enqueue_dma source(%dma_start3A_9 : memref<640xf32, #tpu.memory_space<vmem_shared>>) target(%dma_start3A_8 : memref<640xf32, #tpu.memory_space<hbm>>) target_semaphore(%run_scoped3A : memref<!tpu.dma_semaphore, #tpu.memory_space<semaphore_mem>>)
      %dma_wait3A = tpu.memref_slice %arg5[%arg0, %mul3A_2] : memref<2x10240xf32, #tpu.memory_space<hbm>> -> memref<1x640xf32, #tpu.memory_space<hbm>>
      %dma_wait3A_10 = tpu.memref_squeeze %dma_wait3A : memref<1x640xf32, #tpu.memory_space<hbm>> -> memref<640xf32, #tpu.memory_space<hbm>>
      %dma_wait3A_11 = tpu.memref_slice %arg8[%mul3A_2] : memref<10240xf32, #tpu.memory_space<vmem_shared>> -> memref<640xf32, #tpu.memory_space<vmem_shared>>
      tpu.wait_dma2 semaphore(%run_scoped3A : memref<!tpu.dma_semaphore, #tpu.memory_space<semaphore_mem>>) src(%dma_wait3A_11 : memref<640xf32, #tpu.memory_space<vmem_shared>>) dst(%dma_wait3A_10 : memref<640xf32, #tpu.memory_space<hbm>>)
      tpu.yield
    }) : () -> ()
    return
  }
}

#map = affine_map<(d0, d1) -> (0, 0)>
#map1 = affine_map<(d0, d1) -> (0, 0, 0, 0)>
#map2 = affine_map<(d0, d1) -> (0, 0, 0)>
module attributes {stable_mosaic.version = 14 : i64} {
  func.func @_edge_body(%arg0: i32, %arg1: i32, %arg2: memref<10240x128xf32, #tpu.memory_space<hbm>>, %arg3: memref<32x160x2x64xi32, #tpu.memory_space<hbm>>, %arg4: memref<10240x128xf32, #tpu.memory_space<hbm>>, %arg5: memref<2x10240x128xf32, #tpu.memory_space<hbm>>, %arg6: memref<2x64xi32, #tpu.memory_space<vmem>>, %arg7: memref<2x64xi32, #tpu.memory_space<vmem>>, %arg8: memref<2x64xi32, #tpu.memory_space<vmem>>, %arg9: memref<2x64xi32, #tpu.memory_space<vmem>>, %arg10: memref<2x64xi32, #tpu.memory_space<vmem>>, %arg11: memref<2x64xi32, #tpu.memory_space<vmem>>, %arg12: memref<2x64xi32, #tpu.memory_space<vmem>>, %arg13: memref<2x64xi32, #tpu.memory_space<vmem>>, %arg14: memref<64x128xf32, #tpu.memory_space<vmem>>, %arg15: memref<64x128xf32, #tpu.memory_space<vmem>>, %arg16: memref<64x128xf32, #tpu.memory_space<vmem>>, %arg17: memref<64x128xf32, #tpu.memory_space<vmem>>, %arg18: memref<10240x128xf32, #tpu.memory_space<vmem_shared>>, %arg19: memref<!tpu.dma_semaphore, #tpu.memory_space<semaphore_mem>>, %arg20: memref<!tpu.dma_semaphore, #tpu.memory_space<semaphore_mem>>, %arg21: memref<!tpu.dma_semaphore, #tpu.memory_space<semaphore_mem>>, %arg22: memref<!tpu.dma_semaphore, #tpu.memory_space<semaphore_mem>>, %arg23: memref<!tpu.dma_semaphore, #tpu.memory_space<semaphore_mem>>, %arg24: memref<!tpu.dma_semaphore, #tpu.memory_space<semaphore_mem>>, %arg25: memref<!tpu.dma_semaphore, #tpu.memory_space<semaphore_mem>>, %arg26: memref<!tpu.dma_semaphore, #tpu.memory_space<semaphore_mem>>, %arg27: memref<!tpu.dma_semaphore, #tpu.memory_space<semaphore_mem>>, %arg28: memref<!tpu.dma_semaphore, #tpu.memory_space<semaphore_mem>>, %arg29: memref<!tpu.dma_semaphore, #tpu.memory_space<semaphore_mem>>, %arg30: memref<!tpu.dma_semaphore, #tpu.memory_space<semaphore_mem>>, %arg31: memref<!tpu.dma_semaphore, #tpu.memory_space<semaphore_mem>>, %arg32: memref<!tpu.dma_semaphore, #tpu.memory_space<semaphore_mem>>, %arg33: memref<!tpu.dma_semaphore, #tpu.memory_space<semaphore_mem>>, %arg34: memref<!tpu.dma_semaphore, #tpu.memory_space<semaphore_mem>>) attributes {dimension_semantics = [#tpu.dimension_semantics<core_parallel>, #tpu.dimension_semantics<subcore_parallel>], iteration_bounds = array<i64: 2, 16>, scalar_prefetch = 0 : i64, scratch_operands = 29 : i64, tpu.core_type = #tpu.core_type<sc_vector_subcore>, window_params = [{transform_indices = #map}, {transform_indices = #map1}, {transform_indices = #map}, {transform_indices = #map2}]} {
    %mul3A = arith.constant 16 : i32
    %mul3A_0 = arith.muli %arg0, %mul3A : i32
    %add3A = arith.addi %mul3A_0, %arg1 : i32
    %mul3A_1 = arith.constant 640 : i32
    %mul3A_2 = arith.muli %arg1, %mul3A_1 : i32
    "tpu.region"() ({
      %run_scoped3A = tpu.sem_alloc : memref<!tpu.dma_semaphore, #tpu.memory_space<semaphore_mem>>
      %dma_start3A_133 = arith.constant 0 : i32
      %dma_start3A_134 = tpu.memref_slice %arg18[%mul3A_2, %dma_start3A_133] : memref<10240x128xf32, #tpu.memory_space<vmem_shared>> -> memref<640x128xf32, #tpu.memory_space<vmem_shared>>
      %dma_start3A_135 = arith.constant 0 : i32
      %dma_start3A_136 = tpu.memref_slice %arg4[%mul3A_2, %dma_start3A_135] : memref<10240x128xf32, #tpu.memory_space<hbm>> -> memref<640x128xf32, #tpu.memory_space<hbm>>
      tpu.enqueue_dma source(%dma_start3A_136 : memref<640x128xf32, #tpu.memory_space<hbm>>) target(%dma_start3A_134 : memref<640x128xf32, #tpu.memory_space<vmem_shared>>) target_semaphore(%run_scoped3A : memref<!tpu.dma_semaphore, #tpu.memory_space<semaphore_mem>>)
      %dma_wait3A_137 = arith.constant 0 : i32
      %dma_wait3A_138 = tpu.memref_slice %arg18[%mul3A_2, %dma_wait3A_137] : memref<10240x128xf32, #tpu.memory_space<vmem_shared>> -> memref<640x128xf32, #tpu.memory_space<vmem_shared>>
      %dma_wait3A_139 = arith.constant 0 : i32
      %dma_wait3A_140 = tpu.memref_slice %arg4[%mul3A_2, %dma_wait3A_139] : memref<10240x128xf32, #tpu.memory_space<hbm>> -> memref<640x128xf32, #tpu.memory_space<hbm>>
      tpu.wait_dma2 semaphore(%run_scoped3A : memref<!tpu.dma_semaphore, #tpu.memory_space<semaphore_mem>>) src(%dma_wait3A_140 : memref<640x128xf32, #tpu.memory_space<hbm>>) dst(%dma_wait3A_138 : memref<640x128xf32, #tpu.memory_space<vmem_shared>>)
      tpu.yield
    }) : () -> ()
    %dma_start3A = arith.constant 0 : i32
    %dma_start3A_3 = arith.constant 0 : i32
    %dma_start3A_4 = arith.constant 0 : i32
    %dma_start3A_5 = tpu.memref_slice %arg3[%add3A, %dma_start3A, %dma_start3A_3, %dma_start3A_4] : memref<32x160x2x64xi32, #tpu.memory_space<hbm>> -> memref<1x1x2x64xi32, #tpu.memory_space<hbm>>
    %dma_start3A_6 = tpu.memref_squeeze %dma_start3A_5 : memref<1x1x2x64xi32, #tpu.memory_space<hbm>> -> memref<2x64xi32, #tpu.memory_space<hbm>>
    %dma_start3A_7 = arith.constant 0 : i32
    %dma_start3A_8 = arith.constant 0 : i32
    %dma_start3A_9 = tpu.memref_slice %arg3[%add3A, %dma_start3A, %dma_start3A_7, %dma_start3A_8] : memref<32x160x2x64xi32, #tpu.memory_space<hbm>> -> memref<1x1x2x64xi32, #tpu.memory_space<hbm>>
    %dma_start3A_10 = tpu.memref_squeeze %dma_start3A_9 : memref<1x1x2x64xi32, #tpu.memory_space<hbm>> -> memref<2x64xi32, #tpu.memory_space<hbm>>
    tpu.enqueue_dma source(%dma_start3A_10 : memref<2x64xi32, #tpu.memory_space<hbm>>) target(%arg6 : memref<2x64xi32, #tpu.memory_space<vmem>>) target_semaphore(%arg19 : memref<!tpu.dma_semaphore, #tpu.memory_space<semaphore_mem>>)
    %dma_start3A_11 = arith.constant 1 : i32
    %dma_start3A_12 = arith.constant 0 : i32
    %dma_start3A_13 = arith.constant 0 : i32
    %dma_start3A_14 = tpu.memref_slice %arg3[%add3A, %dma_start3A_11, %dma_start3A_12, %dma_start3A_13] : memref<32x160x2x64xi32, #tpu.memory_space<hbm>> -> memref<1x1x2x64xi32, #tpu.memory_space<hbm>>
    %dma_start3A_15 = tpu.memref_squeeze %dma_start3A_14 : memref<1x1x2x64xi32, #tpu.memory_space<hbm>> -> memref<2x64xi32, #tpu.memory_space<hbm>>
    %dma_start3A_16 = arith.constant 0 : i32
    %dma_start3A_17 = arith.constant 0 : i32
    %dma_start3A_18 = tpu.memref_slice %arg3[%add3A, %dma_start3A_11, %dma_start3A_16, %dma_start3A_17] : memref<32x160x2x64xi32, #tpu.memory_space<hbm>> -> memref<1x1x2x64xi32, #tpu.memory_space<hbm>>
    %dma_start3A_19 = tpu.memref_squeeze %dma_start3A_18 : memref<1x1x2x64xi32, #tpu.memory_space<hbm>> -> memref<2x64xi32, #tpu.memory_space<hbm>>
    tpu.enqueue_dma source(%dma_start3A_19 : memref<2x64xi32, #tpu.memory_space<hbm>>) target(%arg7 : memref<2x64xi32, #tpu.memory_space<vmem>>) target_semaphore(%arg20 : memref<!tpu.dma_semaphore, #tpu.memory_space<semaphore_mem>>)
    %dma_start3A_20 = arith.constant 2 : i32
    %dma_start3A_21 = arith.constant 0 : i32
    %dma_start3A_22 = arith.constant 0 : i32
    %dma_start3A_23 = tpu.memref_slice %arg3[%add3A, %dma_start3A_20, %dma_start3A_21, %dma_start3A_22] : memref<32x160x2x64xi32, #tpu.memory_space<hbm>> -> memref<1x1x2x64xi32, #tpu.memory_space<hbm>>
    %dma_start3A_24 = tpu.memref_squeeze %dma_start3A_23 : memref<1x1x2x64xi32, #tpu.memory_space<hbm>> -> memref<2x64xi32, #tpu.memory_space<hbm>>
    %dma_start3A_25 = arith.constant 0 : i32
    %dma_start3A_26 = arith.constant 0 : i32
    %dma_start3A_27 = tpu.memref_slice %arg3[%add3A, %dma_start3A_20, %dma_start3A_25, %dma_start3A_26] : memref<32x160x2x64xi32, #tpu.memory_space<hbm>> -> memref<1x1x2x64xi32, #tpu.memory_space<hbm>>
    %dma_start3A_28 = tpu.memref_squeeze %dma_start3A_27 : memref<1x1x2x64xi32, #tpu.memory_space<hbm>> -> memref<2x64xi32, #tpu.memory_space<hbm>>
    tpu.enqueue_dma source(%dma_start3A_28 : memref<2x64xi32, #tpu.memory_space<hbm>>) target(%arg8 : memref<2x64xi32, #tpu.memory_space<vmem>>) target_semaphore(%arg21 : memref<!tpu.dma_semaphore, #tpu.memory_space<semaphore_mem>>)
    %dma_start3A_29 = arith.constant 3 : i32
    %dma_start3A_30 = arith.constant 0 : i32
    %dma_start3A_31 = arith.constant 0 : i32
    %dma_start3A_32 = tpu.memref_slice %arg3[%add3A, %dma_start3A_29, %dma_start3A_30, %dma_start3A_31] : memref<32x160x2x64xi32, #tpu.memory_space<hbm>> -> memref<1x1x2x64xi32, #tpu.memory_space<hbm>>
    %dma_start3A_33 = tpu.memref_squeeze %dma_start3A_32 : memref<1x1x2x64xi32, #tpu.memory_space<hbm>> -> memref<2x64xi32, #tpu.memory_space<hbm>>
    %dma_start3A_34 = arith.constant 0 : i32
    %dma_start3A_35 = arith.constant 0 : i32
    %dma_start3A_36 = tpu.memref_slice %arg3[%add3A, %dma_start3A_29, %dma_start3A_34, %dma_start3A_35] : memref<32x160x2x64xi32, #tpu.memory_space<hbm>> -> memref<1x1x2x64xi32, #tpu.memory_space<hbm>>
    %dma_start3A_37 = tpu.memref_squeeze %dma_start3A_36 : memref<1x1x2x64xi32, #tpu.memory_space<hbm>> -> memref<2x64xi32, #tpu.memory_space<hbm>>
    tpu.enqueue_dma source(%dma_start3A_37 : memref<2x64xi32, #tpu.memory_space<hbm>>) target(%arg9 : memref<2x64xi32, #tpu.memory_space<vmem>>) target_semaphore(%arg22 : memref<!tpu.dma_semaphore, #tpu.memory_space<semaphore_mem>>)
    %dma_start3A_38 = arith.constant 4 : i32
    %dma_start3A_39 = arith.constant 0 : i32
    %dma_start3A_40 = arith.constant 0 : i32
    %dma_start3A_41 = tpu.memref_slice %arg3[%add3A, %dma_start3A_38, %dma_start3A_39, %dma_start3A_40] : memref<32x160x2x64xi32, #tpu.memory_space<hbm>> -> memref<1x1x2x64xi32, #tpu.memory_space<hbm>>
    %dma_start3A_42 = tpu.memref_squeeze %dma_start3A_41 : memref<1x1x2x64xi32, #tpu.memory_space<hbm>> -> memref<2x64xi32, #tpu.memory_space<hbm>>
    %dma_start3A_43 = arith.constant 0 : i32
    %dma_start3A_44 = arith.constant 0 : i32
    %dma_start3A_45 = tpu.memref_slice %arg3[%add3A, %dma_start3A_38, %dma_start3A_43, %dma_start3A_44] : memref<32x160x2x64xi32, #tpu.memory_space<hbm>> -> memref<1x1x2x64xi32, #tpu.memory_space<hbm>>
    %dma_start3A_46 = tpu.memref_squeeze %dma_start3A_45 : memref<1x1x2x64xi32, #tpu.memory_space<hbm>> -> memref<2x64xi32, #tpu.memory_space<hbm>>
    tpu.enqueue_dma source(%dma_start3A_46 : memref<2x64xi32, #tpu.memory_space<hbm>>) target(%arg10 : memref<2x64xi32, #tpu.memory_space<vmem>>) target_semaphore(%arg23 : memref<!tpu.dma_semaphore, #tpu.memory_space<semaphore_mem>>)
    %dma_start3A_47 = arith.constant 5 : i32
    %dma_start3A_48 = arith.constant 0 : i32
    %dma_start3A_49 = arith.constant 0 : i32
    %dma_start3A_50 = tpu.memref_slice %arg3[%add3A, %dma_start3A_47, %dma_start3A_48, %dma_start3A_49] : memref<32x160x2x64xi32, #tpu.memory_space<hbm>> -> memref<1x1x2x64xi32, #tpu.memory_space<hbm>>
    %dma_start3A_51 = tpu.memref_squeeze %dma_start3A_50 : memref<1x1x2x64xi32, #tpu.memory_space<hbm>> -> memref<2x64xi32, #tpu.memory_space<hbm>>
    %dma_start3A_52 = arith.constant 0 : i32
    %dma_start3A_53 = arith.constant 0 : i32
    %dma_start3A_54 = tpu.memref_slice %arg3[%add3A, %dma_start3A_47, %dma_start3A_52, %dma_start3A_53] : memref<32x160x2x64xi32, #tpu.memory_space<hbm>> -> memref<1x1x2x64xi32, #tpu.memory_space<hbm>>
    %dma_start3A_55 = tpu.memref_squeeze %dma_start3A_54 : memref<1x1x2x64xi32, #tpu.memory_space<hbm>> -> memref<2x64xi32, #tpu.memory_space<hbm>>
    tpu.enqueue_dma source(%dma_start3A_55 : memref<2x64xi32, #tpu.memory_space<hbm>>) target(%arg11 : memref<2x64xi32, #tpu.memory_space<vmem>>) target_semaphore(%arg24 : memref<!tpu.dma_semaphore, #tpu.memory_space<semaphore_mem>>)
    %dma_start3A_56 = arith.constant 6 : i32
    %dma_start3A_57 = arith.constant 0 : i32
    %dma_start3A_58 = arith.constant 0 : i32
    %dma_start3A_59 = tpu.memref_slice %arg3[%add3A, %dma_start3A_56, %dma_start3A_57, %dma_start3A_58] : memref<32x160x2x64xi32, #tpu.memory_space<hbm>> -> memref<1x1x2x64xi32, #tpu.memory_space<hbm>>
    %dma_start3A_60 = tpu.memref_squeeze %dma_start3A_59 : memref<1x1x2x64xi32, #tpu.memory_space<hbm>> -> memref<2x64xi32, #tpu.memory_space<hbm>>
    %dma_start3A_61 = arith.constant 0 : i32
    %dma_start3A_62 = arith.constant 0 : i32
    %dma_start3A_63 = tpu.memref_slice %arg3[%add3A, %dma_start3A_56, %dma_start3A_61, %dma_start3A_62] : memref<32x160x2x64xi32, #tpu.memory_space<hbm>> -> memref<1x1x2x64xi32, #tpu.memory_space<hbm>>
    %dma_start3A_64 = tpu.memref_squeeze %dma_start3A_63 : memref<1x1x2x64xi32, #tpu.memory_space<hbm>> -> memref<2x64xi32, #tpu.memory_space<hbm>>
    tpu.enqueue_dma source(%dma_start3A_64 : memref<2x64xi32, #tpu.memory_space<hbm>>) target(%arg12 : memref<2x64xi32, #tpu.memory_space<vmem>>) target_semaphore(%arg25 : memref<!tpu.dma_semaphore, #tpu.memory_space<semaphore_mem>>)
    %dma_start3A_65 = arith.constant 7 : i32
    %dma_start3A_66 = arith.constant 0 : i32
    %dma_start3A_67 = arith.constant 0 : i32
    %dma_start3A_68 = tpu.memref_slice %arg3[%add3A, %dma_start3A_65, %dma_start3A_66, %dma_start3A_67] : memref<32x160x2x64xi32, #tpu.memory_space<hbm>> -> memref<1x1x2x64xi32, #tpu.memory_space<hbm>>
    %dma_start3A_69 = tpu.memref_squeeze %dma_start3A_68 : memref<1x1x2x64xi32, #tpu.memory_space<hbm>> -> memref<2x64xi32, #tpu.memory_space<hbm>>
    %dma_start3A_70 = arith.constant 0 : i32
    %dma_start3A_71 = arith.constant 0 : i32
    %dma_start3A_72 = tpu.memref_slice %arg3[%add3A, %dma_start3A_65, %dma_start3A_70, %dma_start3A_71] : memref<32x160x2x64xi32, #tpu.memory_space<hbm>> -> memref<1x1x2x64xi32, #tpu.memory_space<hbm>>
    %dma_start3A_73 = tpu.memref_squeeze %dma_start3A_72 : memref<1x1x2x64xi32, #tpu.memory_space<hbm>> -> memref<2x64xi32, #tpu.memory_space<hbm>>
    tpu.enqueue_dma source(%dma_start3A_73 : memref<2x64xi32, #tpu.memory_space<hbm>>) target(%arg13 : memref<2x64xi32, #tpu.memory_space<vmem>>) target_semaphore(%arg26 : memref<!tpu.dma_semaphore, #tpu.memory_space<semaphore_mem>>)
    %barrier3A = arith.constant 0 : index
    tpu.barrier barrier_id(%barrier3A)
    %dma_wait3A = arith.constant 0 : i32
    %dma_wait3A_74 = arith.constant 0 : i32
    %dma_wait3A_75 = arith.constant 0 : i32
    %dma_wait3A_76 = tpu.memref_slice %arg3[%add3A, %dma_wait3A, %dma_wait3A_74, %dma_wait3A_75] : memref<32x160x2x64xi32, #tpu.memory_space<hbm>> -> memref<1x1x2x64xi32, #tpu.memory_space<hbm>>
    %dma_wait3A_77 = tpu.memref_squeeze %dma_wait3A_76 : memref<1x1x2x64xi32, #tpu.memory_space<hbm>> -> memref<2x64xi32, #tpu.memory_space<hbm>>
    %dma_wait3A_78 = arith.constant 0 : i32
    %dma_wait3A_79 = arith.constant 0 : i32
    %dma_wait3A_80 = tpu.memref_slice %arg3[%add3A, %dma_wait3A, %dma_wait3A_78, %dma_wait3A_79] : memref<32x160x2x64xi32, #tpu.memory_space<hbm>> -> memref<1x1x2x64xi32, #tpu.memory_space<hbm>>
    %dma_wait3A_81 = tpu.memref_squeeze %dma_wait3A_80 : memref<1x1x2x64xi32, #tpu.memory_space<hbm>> -> memref<2x64xi32, #tpu.memory_space<hbm>>
    tpu.wait_dma2 semaphore(%arg19 : memref<!tpu.dma_semaphore, #tpu.memory_space<semaphore_mem>>) src(%dma_wait3A_81 : memref<2x64xi32, #tpu.memory_space<hbm>>) dst(%arg6 : memref<2x64xi32, #tpu.memory_space<vmem>>)
    %dma_start3A_82 = arith.constant 0 : i32
    %dma_start3A_83 = arith.constant 0 : i32
    %dma_start3A_84 = tpu.memref_slice %arg6[%dma_start3A_82, %dma_start3A_83] : memref<2x64xi32, #tpu.memory_space<vmem>> -> memref<1x64xi32, #tpu.memory_space<vmem>>
    %dma_start3A_85 = tpu.memref_squeeze %dma_start3A_84 : memref<1x64xi32, #tpu.memory_space<vmem>> -> memref<64xi32, #tpu.memory_space<vmem>>
    %dma_start3A_86 = arith.constant 0 : i32
    %dma_start3A_87 = arith.constant 0 : i32
    %dma_start3A_88 = tpu.memref_slice %arg2[%dma_start3A_86, %dma_start3A_87] : memref<10240x128xf32, #tpu.memory_space<hbm>> -> memref<10240x128xf32, #tpu.memory_space<hbm>>
    tpu.enqueue_indirect_dma source(%dma_start3A_88 : memref<10240x128xf32, #tpu.memory_space<hbm>>) target(%arg14 : memref<64x128xf32, #tpu.memory_space<vmem>>) offsets(%dma_start3A_85 : memref<64xi32, #tpu.memory_space<vmem>>) semaphore(%arg27 : memref<!tpu.dma_semaphore, #tpu.memory_space<semaphore_mem>>)
    %dma_wait3A_89 = arith.constant 1 : i32
    %dma_wait3A_90 = arith.constant 0 : i32
    %dma_wait3A_91 = arith.constant 0 : i32
    %dma_wait3A_92 = tpu.memref_slice %arg3[%add3A, %dma_wait3A_89, %dma_wait3A_90, %dma_wait3A_91] : memref<32x160x2x64xi32, #tpu.memory_space<hbm>> -> memref<1x1x2x64xi32, #tpu.memory_space<hbm>>
    %dma_wait3A_93 = tpu.memref_squeeze %dma_wait3A_92 : memref<1x1x2x64xi32, #tpu.memory_space<hbm>> -> memref<2x64xi32, #tpu.memory_space<hbm>>
    %dma_wait3A_94 = arith.constant 0 : i32
    %dma_wait3A_95 = arith.constant 0 : i32
    %dma_wait3A_96 = tpu.memref_slice %arg3[%add3A, %dma_wait3A_89, %dma_wait3A_94, %dma_wait3A_95] : memref<32x160x2x64xi32, #tpu.memory_space<hbm>> -> memref<1x1x2x64xi32, #tpu.memory_space<hbm>>
    %dma_wait3A_97 = tpu.memref_squeeze %dma_wait3A_96 : memref<1x1x2x64xi32, #tpu.memory_space<hbm>> -> memref<2x64xi32, #tpu.memory_space<hbm>>
    tpu.wait_dma2 semaphore(%arg20 : memref<!tpu.dma_semaphore, #tpu.memory_space<semaphore_mem>>) src(%dma_wait3A_97 : memref<2x64xi32, #tpu.memory_space<hbm>>) dst(%arg7 : memref<2x64xi32, #tpu.memory_space<vmem>>)
    %dma_start3A_98 = arith.constant 0 : i32
    %dma_start3A_99 = arith.constant 0 : i32
    %dma_start3A_100 = tpu.memref_slice %arg7[%dma_start3A_98, %dma_start3A_99] : memref<2x64xi32, #tpu.memory_space<vmem>> -> memref<1x64xi32, #tpu.memory_space<vmem>>
    %dma_start3A_101 = tpu.memref_squeeze %dma_start3A_100 : memref<1x64xi32, #tpu.memory_space<vmem>> -> memref<64xi32, #tpu.memory_space<vmem>>
    %dma_start3A_102 = arith.constant 0 : i32
    %dma_start3A_103 = arith.constant 0 : i32
    %dma_start3A_104 = tpu.memref_slice %arg2[%dma_start3A_102, %dma_start3A_103] : memref<10240x128xf32, #tpu.memory_space<hbm>> -> memref<10240x128xf32, #tpu.memory_space<hbm>>
    tpu.enqueue_indirect_dma source(%dma_start3A_104 : memref<10240x128xf32, #tpu.memory_space<hbm>>) target(%arg15 : memref<64x128xf32, #tpu.memory_space<vmem>>) offsets(%dma_start3A_101 : memref<64xi32, #tpu.memory_space<vmem>>) semaphore(%arg28 : memref<!tpu.dma_semaphore, #tpu.memory_space<semaphore_mem>>)
    %dma_wait3A_105 = arith.constant 2 : i32
    %dma_wait3A_106 = arith.constant 0 : i32
    %dma_wait3A_107 = arith.constant 0 : i32
    %dma_wait3A_108 = tpu.memref_slice %arg3[%add3A, %dma_wait3A_105, %dma_wait3A_106, %dma_wait3A_107] : memref<32x160x2x64xi32, #tpu.memory_space<hbm>> -> memref<1x1x2x64xi32, #tpu.memory_space<hbm>>
    %dma_wait3A_109 = tpu.memref_squeeze %dma_wait3A_108 : memref<1x1x2x64xi32, #tpu.memory_space<hbm>> -> memref<2x64xi32, #tpu.memory_space<hbm>>
    %dma_wait3A_110 = arith.constant 0 : i32
    %dma_wait3A_111 = arith.constant 0 : i32
    %dma_wait3A_112 = tpu.memref_slice %arg3[%add3A, %dma_wait3A_105, %dma_wait3A_110, %dma_wait3A_111] : memref<32x160x2x64xi32, #tpu.memory_space<hbm>> -> memref<1x1x2x64xi32, #tpu.memory_space<hbm>>
    %dma_wait3A_113 = tpu.memref_squeeze %dma_wait3A_112 : memref<1x1x2x64xi32, #tpu.memory_space<hbm>> -> memref<2x64xi32, #tpu.memory_space<hbm>>
    tpu.wait_dma2 semaphore(%arg21 : memref<!tpu.dma_semaphore, #tpu.memory_space<semaphore_mem>>) src(%dma_wait3A_113 : memref<2x64xi32, #tpu.memory_space<hbm>>) dst(%arg8 : memref<2x64xi32, #tpu.memory_space<vmem>>)
    %dma_start3A_114 = arith.constant 0 : i32
    %dma_start3A_115 = arith.constant 0 : i32
    %dma_start3A_116 = tpu.memref_slice %arg8[%dma_start3A_114, %dma_start3A_115] : memref<2x64xi32, #tpu.memory_space<vmem>> -> memref<1x64xi32, #tpu.memory_space<vmem>>
    %dma_start3A_117 = tpu.memref_squeeze %dma_start3A_116 : memref<1x64xi32, #tpu.memory_space<vmem>> -> memref<64xi32, #tpu.memory_space<vmem>>
    %dma_start3A_118 = arith.constant 0 : i32
    %dma_start3A_119 = arith.constant 0 : i32
    %dma_start3A_120 = tpu.memref_slice %arg2[%dma_start3A_118, %dma_start3A_119] : memref<10240x128xf32, #tpu.memory_space<hbm>> -> memref<10240x128xf32, #tpu.memory_space<hbm>>
    tpu.enqueue_indirect_dma source(%dma_start3A_120 : memref<10240x128xf32, #tpu.memory_space<hbm>>) target(%arg16 : memref<64x128xf32, #tpu.memory_space<vmem>>) offsets(%dma_start3A_117 : memref<64xi32, #tpu.memory_space<vmem>>) semaphore(%arg29 : memref<!tpu.dma_semaphore, #tpu.memory_space<semaphore_mem>>)
    %scan3A = arith.constant 0 : i32
    %scan3A_121 = arith.constant 20 : i32
    %scan3A_122 = arith.addi %scan3A, %scan3A_121 : i32
    %scan3A_123 = arith.constant 1 : i32
    scf.for %scan3A_133 = %scan3A to %scan3A_122 step %scan3A_123  : i32 {
      %mul3A_134 = arith.constant 8 : i32
      %mul3A_135 = arith.muli %scan3A_133, %mul3A_134 : i32
      %add3A_136 = arith.constant 0 : i32
      %add3A_137 = arith.addi %add3A_136, %mul3A_135 : i32
      %add3A_138 = arith.constant 0 : i32
      %add3A_139 = arith.addi %add3A_137, %add3A_138 : i32
      %dma_wait3A_140 = arith.constant 0 : i32
      %dma_wait3A_141 = arith.constant 0 : i32
      %dma_wait3A_142 = tpu.memref_slice %arg6[%dma_wait3A_140, %dma_wait3A_141] : memref<2x64xi32, #tpu.memory_space<vmem>> -> memref<1x64xi32, #tpu.memory_space<vmem>>
      %dma_wait3A_143 = tpu.memref_squeeze %dma_wait3A_142 : memref<1x64xi32, #tpu.memory_space<vmem>> -> memref<64xi32, #tpu.memory_space<vmem>>
      %dma_wait3A_144 = arith.constant 0 : i32
      %dma_wait3A_145 = arith.constant 0 : i32
      %dma_wait3A_146 = tpu.memref_slice %arg2[%dma_wait3A_144, %dma_wait3A_145] : memref<10240x128xf32, #tpu.memory_space<hbm>> -> memref<10240x128xf32, #tpu.memory_space<hbm>>
      tpu.wait_indirect_dma semaphore(%arg27 : memref<!tpu.dma_semaphore, #tpu.memory_space<semaphore_mem>>) src(%dma_wait3A_146 : memref<10240x128xf32, #tpu.memory_space<hbm>>) dst(%arg14 : memref<64x128xf32, #tpu.memory_space<vmem>>)
      %dma_start3A_147 = arith.constant 1 : i32
      %dma_start3A_148 = arith.constant 0 : i32
      %dma_start3A_149 = tpu.memref_slice %arg6[%dma_start3A_147, %dma_start3A_148] : memref<2x64xi32, #tpu.memory_space<vmem>> -> memref<1x64xi32, #tpu.memory_space<vmem>>
      %dma_start3A_150 = tpu.memref_squeeze %dma_start3A_149 : memref<1x64xi32, #tpu.memory_space<vmem>> -> memref<64xi32, #tpu.memory_space<vmem>>
      %dma_start3A_151 = arith.constant 0 : i32
      %dma_start3A_152 = arith.constant 0 : i32
      %dma_start3A_153 = tpu.memref_slice %arg18[%dma_start3A_151, %dma_start3A_152] : memref<10240x128xf32, #tpu.memory_space<vmem_shared>> -> memref<10240x128xf32, #tpu.memory_space<vmem_shared>>
      tpu.enqueue_indirect_dma source(%arg14 : memref<64x128xf32, #tpu.memory_space<vmem>>) target(%dma_start3A_153 : memref<10240x128xf32, #tpu.memory_space<vmem_shared>>) offsets(%dma_start3A_150 : memref<64xi32, #tpu.memory_space<vmem>>) semaphore(%arg31 : memref<!tpu.dma_semaphore, #tpu.memory_space<semaphore_mem>>) {add = true}
      %ge3A = arith.constant 1 : i32
      %ge3A_154 = arith.cmpi sge, %add3A_139, %ge3A : i32
      %convert_element_type3A = arith.extui %ge3A_154 : i1 to i32
      %cond3A = arith.constant 0 : i32
      %cond3A_155 = arith.cmpi ne, %convert_element_type3A, %cond3A : i32
      scf.if %cond3A_155 {
        %dma_wait3A_358 = arith.constant 1 : i32
        %dma_wait3A_359 = arith.constant 0 : i32
        %dma_wait3A_360 = tpu.memref_slice %arg13[%dma_wait3A_358, %dma_wait3A_359] : memref<2x64xi32, #tpu.memory_space<vmem>> -> memref<1x64xi32, #tpu.memory_space<vmem>>
        %dma_wait3A_361 = tpu.memref_squeeze %dma_wait3A_360 : memref<1x64xi32, #tpu.memory_space<vmem>> -> memref<64xi32, #tpu.memory_space<vmem>>
        %dma_wait3A_362 = arith.constant 0 : i32
        %dma_wait3A_363 = arith.constant 0 : i32
        %dma_wait3A_364 = tpu.memref_slice %arg18[%dma_wait3A_362, %dma_wait3A_363] : memref<10240x128xf32, #tpu.memory_space<vmem_shared>> -> memref<10240x128xf32, #tpu.memory_space<vmem_shared>>
        tpu.wait_indirect_dma semaphore(%arg34 : memref<!tpu.dma_semaphore, #tpu.memory_space<semaphore_mem>>) src(%arg17 : memref<64x128xf32, #tpu.memory_space<vmem>>) dst(%dma_wait3A_364 : memref<10240x128xf32, #tpu.memory_space<vmem_shared>>)
        %add3A_365 = arith.constant 7 : i32
        %add3A_366 = arith.addi %add3A_139, %add3A_365 : i32
        %lt3A_367 = arith.constant 160 : i32
        %lt3A_368 = arith.cmpi slt, %add3A_366, %lt3A_367 : i32
        %convert_element_type3A_369 = arith.extui %lt3A_368 : i1 to i32
        %cond3A_370 = arith.constant 0 : i32
        %cond3A_371 = arith.cmpi ne, %convert_element_type3A_369, %cond3A_370 : i32
        scf.if %cond3A_371 {
          %add3A_372 = arith.constant 7 : i32
          %add3A_373 = arith.addi %add3A_139, %add3A_372 : i32
          %dma_start3A_374 = arith.constant 0 : i32
          %dma_start3A_375 = arith.constant 0 : i32
          %dma_start3A_376 = tpu.memref_slice %arg3[%add3A, %add3A_373, %dma_start3A_374, %dma_start3A_375] : memref<32x160x2x64xi32, #tpu.memory_space<hbm>> -> memref<1x1x2x64xi32, #tpu.memory_space<hbm>>
          %dma_start3A_377 = tpu.memref_squeeze %dma_start3A_376 : memref<1x1x2x64xi32, #tpu.memory_space<hbm>> -> memref<2x64xi32, #tpu.memory_space<hbm>>
          %dma_start3A_378 = arith.constant 0 : i32
          %dma_start3A_379 = arith.constant 0 : i32
          %dma_start3A_380 = tpu.memref_slice %arg3[%add3A, %add3A_373, %dma_start3A_378, %dma_start3A_379] : memref<32x160x2x64xi32, #tpu.memory_space<hbm>> -> memref<1x1x2x64xi32, #tpu.memory_space<hbm>>
          %dma_start3A_381 = tpu.memref_squeeze %dma_start3A_380 : memref<1x1x2x64xi32, #tpu.memory_space<hbm>> -> memref<2x64xi32, #tpu.memory_space<hbm>>
          tpu.enqueue_dma source(%dma_start3A_381 : memref<2x64xi32, #tpu.memory_space<hbm>>) target(%arg13 : memref<2x64xi32, #tpu.memory_space<vmem>>) target_semaphore(%arg26 : memref<!tpu.dma_semaphore, #tpu.memory_space<semaphore_mem>>)
        } else {
        }
      } else {
      }
      %add3A_156 = arith.constant 3 : i32
      %add3A_157 = arith.addi %add3A_139, %add3A_156 : i32
      %lt3A = arith.constant 160 : i32
      %lt3A_158 = arith.cmpi slt, %add3A_157, %lt3A : i32
      %convert_element_type3A_159 = arith.extui %lt3A_158 : i1 to i32
      %cond3A_160 = arith.constant 0 : i32
      %cond3A_161 = arith.cmpi ne, %convert_element_type3A_159, %cond3A_160 : i32
      scf.if %cond3A_161 {
        %add3A_358 = arith.constant 3 : i32
        %add3A_359 = arith.addi %add3A_139, %add3A_358 : i32
        %dma_wait3A_360 = arith.constant 0 : i32
        %dma_wait3A_361 = arith.constant 0 : i32
        %dma_wait3A_362 = tpu.memref_slice %arg3[%add3A, %add3A_359, %dma_wait3A_360, %dma_wait3A_361] : memref<32x160x2x64xi32, #tpu.memory_space<hbm>> -> memref<1x1x2x64xi32, #tpu.memory_space<hbm>>
        %dma_wait3A_363 = tpu.memref_squeeze %dma_wait3A_362 : memref<1x1x2x64xi32, #tpu.memory_space<hbm>> -> memref<2x64xi32, #tpu.memory_space<hbm>>
        %dma_wait3A_364 = arith.constant 0 : i32
        %dma_wait3A_365 = arith.constant 0 : i32
        %dma_wait3A_366 = tpu.memref_slice %arg3[%add3A, %add3A_359, %dma_wait3A_364, %dma_wait3A_365] : memref<32x160x2x64xi32, #tpu.memory_space<hbm>> -> memref<1x1x2x64xi32, #tpu.memory_space<hbm>>
        %dma_wait3A_367 = tpu.memref_squeeze %dma_wait3A_366 : memref<1x1x2x64xi32, #tpu.memory_space<hbm>> -> memref<2x64xi32, #tpu.memory_space<hbm>>
        tpu.wait_dma2 semaphore(%arg22 : memref<!tpu.dma_semaphore, #tpu.memory_space<semaphore_mem>>) src(%dma_wait3A_367 : memref<2x64xi32, #tpu.memory_space<hbm>>) dst(%arg9 : memref<2x64xi32, #tpu.memory_space<vmem>>)
        %dma_start3A_368 = arith.constant 0 : i32
        %dma_start3A_369 = arith.constant 0 : i32
        %dma_start3A_370 = tpu.memref_slice %arg9[%dma_start3A_368, %dma_start3A_369] : memref<2x64xi32, #tpu.memory_space<vmem>> -> memref<1x64xi32, #tpu.memory_space<vmem>>
        %dma_start3A_371 = tpu.memref_squeeze %dma_start3A_370 : memref<1x64xi32, #tpu.memory_space<vmem>> -> memref<64xi32, #tpu.memory_space<vmem>>
        %dma_start3A_372 = arith.constant 0 : i32
        %dma_start3A_373 = arith.constant 0 : i32
        %dma_start3A_374 = tpu.memref_slice %arg2[%dma_start3A_372, %dma_start3A_373] : memref<10240x128xf32, #tpu.memory_space<hbm>> -> memref<10240x128xf32, #tpu.memory_space<hbm>>
        tpu.enqueue_indirect_dma source(%dma_start3A_374 : memref<10240x128xf32, #tpu.memory_space<hbm>>) target(%arg17 : memref<64x128xf32, #tpu.memory_space<vmem>>) offsets(%dma_start3A_371 : memref<64xi32, #tpu.memory_space<vmem>>) semaphore(%arg30 : memref<!tpu.dma_semaphore, #tpu.memory_space<semaphore_mem>>)
      } else {
      }
      %add3A_162 = arith.constant 1 : i32
      %add3A_163 = arith.addi %add3A_137, %add3A_162 : i32
      %dma_wait3A_164 = arith.constant 0 : i32
      %dma_wait3A_165 = arith.constant 0 : i32
      %dma_wait3A_166 = tpu.memref_slice %arg7[%dma_wait3A_164, %dma_wait3A_165] : memref<2x64xi32, #tpu.memory_space<vmem>> -> memref<1x64xi32, #tpu.memory_space<vmem>>
      %dma_wait3A_167 = tpu.memref_squeeze %dma_wait3A_166 : memref<1x64xi32, #tpu.memory_space<vmem>> -> memref<64xi32, #tpu.memory_space<vmem>>
      %dma_wait3A_168 = arith.constant 0 : i32
      %dma_wait3A_169 = arith.constant 0 : i32
      %dma_wait3A_170 = tpu.memref_slice %arg2[%dma_wait3A_168, %dma_wait3A_169] : memref<10240x128xf32, #tpu.memory_space<hbm>> -> memref<10240x128xf32, #tpu.memory_space<hbm>>
      tpu.wait_indirect_dma semaphore(%arg28 : memref<!tpu.dma_semaphore, #tpu.memory_space<semaphore_mem>>) src(%dma_wait3A_170 : memref<10240x128xf32, #tpu.memory_space<hbm>>) dst(%arg15 : memref<64x128xf32, #tpu.memory_space<vmem>>)
      %dma_start3A_171 = arith.constant 1 : i32
      %dma_start3A_172 = arith.constant 0 : i32
      %dma_start3A_173 = tpu.memref_slice %arg7[%dma_start3A_171, %dma_start3A_172] : memref<2x64xi32, #tpu.memory_space<vmem>> -> memref<1x64xi32, #tpu.memory_space<vmem>>
      %dma_start3A_174 = tpu.memref_squeeze %dma_start3A_173 : memref<1x64xi32, #tpu.memory_space<vmem>> -> memref<64xi32, #tpu.memory_space<vmem>>
      %dma_start3A_175 = arith.constant 0 : i32
      %dma_start3A_176 = arith.constant 0 : i32
      %dma_start3A_177 = tpu.memref_slice %arg18[%dma_start3A_175, %dma_start3A_176] : memref<10240x128xf32, #tpu.memory_space<vmem_shared>> -> memref<10240x128xf32, #tpu.memory_space<vmem_shared>>
      tpu.enqueue_indirect_dma source(%arg15 : memref<64x128xf32, #tpu.memory_space<vmem>>) target(%dma_start3A_177 : memref<10240x128xf32, #tpu.memory_space<vmem_shared>>) offsets(%dma_start3A_174 : memref<64xi32, #tpu.memory_space<vmem>>) semaphore(%arg32 : memref<!tpu.dma_semaphore, #tpu.memory_space<semaphore_mem>>) {add = true}
      %ge3A_178 = arith.constant 1 : i32
      %ge3A_179 = arith.cmpi sge, %add3A_163, %ge3A_178 : i32
      %convert_element_type3A_180 = arith.extui %ge3A_179 : i1 to i32
      %cond3A_181 = arith.constant 0 : i32
      %cond3A_182 = arith.cmpi ne, %convert_element_type3A_180, %cond3A_181 : i32
      scf.if %cond3A_182 {
        %dma_wait3A_358 = arith.constant 1 : i32
        %dma_wait3A_359 = arith.constant 0 : i32
        %dma_wait3A_360 = tpu.memref_slice %arg6[%dma_wait3A_358, %dma_wait3A_359] : memref<2x64xi32, #tpu.memory_space<vmem>> -> memref<1x64xi32, #tpu.memory_space<vmem>>
        %dma_wait3A_361 = tpu.memref_squeeze %dma_wait3A_360 : memref<1x64xi32, #tpu.memory_space<vmem>> -> memref<64xi32, #tpu.memory_space<vmem>>
        %dma_wait3A_362 = arith.constant 0 : i32
        %dma_wait3A_363 = arith.constant 0 : i32
        %dma_wait3A_364 = tpu.memref_slice %arg18[%dma_wait3A_362, %dma_wait3A_363] : memref<10240x128xf32, #tpu.memory_space<vmem_shared>> -> memref<10240x128xf32, #tpu.memory_space<vmem_shared>>
        tpu.wait_indirect_dma semaphore(%arg31 : memref<!tpu.dma_semaphore, #tpu.memory_space<semaphore_mem>>) src(%arg14 : memref<64x128xf32, #tpu.memory_space<vmem>>) dst(%dma_wait3A_364 : memref<10240x128xf32, #tpu.memory_space<vmem_shared>>)
        %add3A_365 = arith.constant 7 : i32
        %add3A_366 = arith.addi %add3A_163, %add3A_365 : i32
        %lt3A_367 = arith.constant 160 : i32
        %lt3A_368 = arith.cmpi slt, %add3A_366, %lt3A_367 : i32
        %convert_element_type3A_369 = arith.extui %lt3A_368 : i1 to i32
        %cond3A_370 = arith.constant 0 : i32
        %cond3A_371 = arith.cmpi ne, %convert_element_type3A_369, %cond3A_370 : i32
        scf.if %cond3A_371 {
          %add3A_372 = arith.constant 7 : i32
          %add3A_373 = arith.addi %add3A_163, %add3A_372 : i32
          %dma_start3A_374 = arith.constant 0 : i32
          %dma_start3A_375 = arith.constant 0 : i32
          %dma_start3A_376 = tpu.memref_slice %arg3[%add3A, %add3A_373, %dma_start3A_374, %dma_start3A_375] : memref<32x160x2x64xi32, #tpu.memory_space<hbm>> -> memref<1x1x2x64xi32, #tpu.memory_space<hbm>>
          %dma_start3A_377 = tpu.memref_squeeze %dma_start3A_376 : memref<1x1x2x64xi32, #tpu.memory_space<hbm>> -> memref<2x64xi32, #tpu.memory_space<hbm>>
          %dma_start3A_378 = arith.constant 0 : i32
          %dma_start3A_379 = arith.constant 0 : i32
          %dma_start3A_380 = tpu.memref_slice %arg3[%add3A, %add3A_373, %dma_start3A_378, %dma_start3A_379] : memref<32x160x2x64xi32, #tpu.memory_space<hbm>> -> memref<1x1x2x64xi32, #tpu.memory_space<hbm>>
          %dma_start3A_381 = tpu.memref_squeeze %dma_start3A_380 : memref<1x1x2x64xi32, #tpu.memory_space<hbm>> -> memref<2x64xi32, #tpu.memory_space<hbm>>
          tpu.enqueue_dma source(%dma_start3A_381 : memref<2x64xi32, #tpu.memory_space<hbm>>) target(%arg6 : memref<2x64xi32, #tpu.memory_space<vmem>>) target_semaphore(%arg19 : memref<!tpu.dma_semaphore, #tpu.memory_space<semaphore_mem>>)
        } else {
        }
      } else {
      }
      %add3A_183 = arith.constant 3 : i32
      %add3A_184 = arith.addi %add3A_163, %add3A_183 : i32
      %lt3A_185 = arith.constant 160 : i32
      %lt3A_186 = arith.cmpi slt, %add3A_184, %lt3A_185 : i32
      %convert_element_type3A_187 = arith.extui %lt3A_186 : i1 to i32
      %cond3A_188 = arith.constant 0 : i32
      %cond3A_189 = arith.cmpi ne, %convert_element_type3A_187, %cond3A_188 : i32
      scf.if %cond3A_189 {
        %add3A_358 = arith.constant 3 : i32
        %add3A_359 = arith.addi %add3A_163, %add3A_358 : i32
        %dma_wait3A_360 = arith.constant 0 : i32
        %dma_wait3A_361 = arith.constant 0 : i32
        %dma_wait3A_362 = tpu.memref_slice %arg3[%add3A, %add3A_359, %dma_wait3A_360, %dma_wait3A_361] : memref<32x160x2x64xi32, #tpu.memory_space<hbm>> -> memref<1x1x2x64xi32, #tpu.memory_space<hbm>>
        %dma_wait3A_363 = tpu.memref_squeeze %dma_wait3A_362 : memref<1x1x2x64xi32, #tpu.memory_space<hbm>> -> memref<2x64xi32, #tpu.memory_space<hbm>>
        %dma_wait3A_364 = arith.constant 0 : i32
        %dma_wait3A_365 = arith.constant 0 : i32
        %dma_wait3A_366 = tpu.memref_slice %arg3[%add3A, %add3A_359, %dma_wait3A_364, %dma_wait3A_365] : memref<32x160x2x64xi32, #tpu.memory_space<hbm>> -> memref<1x1x2x64xi32, #tpu.memory_space<hbm>>
        %dma_wait3A_367 = tpu.memref_squeeze %dma_wait3A_366 : memref<1x1x2x64xi32, #tpu.memory_space<hbm>> -> memref<2x64xi32, #tpu.memory_space<hbm>>
        tpu.wait_dma2 semaphore(%arg23 : memref<!tpu.dma_semaphore, #tpu.memory_space<semaphore_mem>>) src(%dma_wait3A_367 : memref<2x64xi32, #tpu.memory_space<hbm>>) dst(%arg10 : memref<2x64xi32, #tpu.memory_space<vmem>>)
        %dma_start3A_368 = arith.constant 0 : i32
        %dma_start3A_369 = arith.constant 0 : i32
        %dma_start3A_370 = tpu.memref_slice %arg10[%dma_start3A_368, %dma_start3A_369] : memref<2x64xi32, #tpu.memory_space<vmem>> -> memref<1x64xi32, #tpu.memory_space<vmem>>
        %dma_start3A_371 = tpu.memref_squeeze %dma_start3A_370 : memref<1x64xi32, #tpu.memory_space<vmem>> -> memref<64xi32, #tpu.memory_space<vmem>>
        %dma_start3A_372 = arith.constant 0 : i32
        %dma_start3A_373 = arith.constant 0 : i32
        %dma_start3A_374 = tpu.memref_slice %arg2[%dma_start3A_372, %dma_start3A_373] : memref<10240x128xf32, #tpu.memory_space<hbm>> -> memref<10240x128xf32, #tpu.memory_space<hbm>>
        tpu.enqueue_indirect_dma source(%dma_start3A_374 : memref<10240x128xf32, #tpu.memory_space<hbm>>) target(%arg14 : memref<64x128xf32, #tpu.memory_space<vmem>>) offsets(%dma_start3A_371 : memref<64xi32, #tpu.memory_space<vmem>>) semaphore(%arg27 : memref<!tpu.dma_semaphore, #tpu.memory_space<semaphore_mem>>)
      } else {
      }
      %add3A_190 = arith.constant 2 : i32
      %add3A_191 = arith.addi %add3A_137, %add3A_190 : i32
      %dma_wait3A_192 = arith.constant 0 : i32
      %dma_wait3A_193 = arith.constant 0 : i32
      %dma_wait3A_194 = tpu.memref_slice %arg8[%dma_wait3A_192, %dma_wait3A_193] : memref<2x64xi32, #tpu.memory_space<vmem>> -> memref<1x64xi32, #tpu.memory_space<vmem>>
      %dma_wait3A_195 = tpu.memref_squeeze %dma_wait3A_194 : memref<1x64xi32, #tpu.memory_space<vmem>> -> memref<64xi32, #tpu.memory_space<vmem>>
      %dma_wait3A_196 = arith.constant 0 : i32
      %dma_wait3A_197 = arith.constant 0 : i32
      %dma_wait3A_198 = tpu.memref_slice %arg2[%dma_wait3A_196, %dma_wait3A_197] : memref<10240x128xf32, #tpu.memory_space<hbm>> -> memref<10240x128xf32, #tpu.memory_space<hbm>>
      tpu.wait_indirect_dma semaphore(%arg29 : memref<!tpu.dma_semaphore, #tpu.memory_space<semaphore_mem>>) src(%dma_wait3A_198 : memref<10240x128xf32, #tpu.memory_space<hbm>>) dst(%arg16 : memref<64x128xf32, #tpu.memory_space<vmem>>)
      %dma_start3A_199 = arith.constant 1 : i32
      %dma_start3A_200 = arith.constant 0 : i32
      %dma_start3A_201 = tpu.memref_slice %arg8[%dma_start3A_199, %dma_start3A_200] : memref<2x64xi32, #tpu.memory_space<vmem>> -> memref<1x64xi32, #tpu.memory_space<vmem>>
      %dma_start3A_202 = tpu.memref_squeeze %dma_start3A_201 : memref<1x64xi32, #tpu.memory_space<vmem>> -> memref<64xi32, #tpu.memory_space<vmem>>
      %dma_start3A_203 = arith.constant 0 : i32
      %dma_start3A_204 = arith.constant 0 : i32
      %dma_start3A_205 = tpu.memref_slice %arg18[%dma_start3A_203, %dma_start3A_204] : memref<10240x128xf32, #tpu.memory_space<vmem_shared>> -> memref<10240x128xf32, #tpu.memory_space<vmem_shared>>
      tpu.enqueue_indirect_dma source(%arg16 : memref<64x128xf32, #tpu.memory_space<vmem>>) target(%dma_start3A_205 : memref<10240x128xf32, #tpu.memory_space<vmem_shared>>) offsets(%dma_start3A_202 : memref<64xi32, #tpu.memory_space<vmem>>) semaphore(%arg33 : memref<!tpu.dma_semaphore, #tpu.memory_space<semaphore_mem>>) {add = true}
      %ge3A_206 = arith.constant 1 : i32
      %ge3A_207 = arith.cmpi sge, %add3A_191, %ge3A_206 : i32
      %convert_element_type3A_208 = arith.extui %ge3A_207 : i1 to i32
      %cond3A_209 = arith.constant 0 : i32
      %cond3A_210 = arith.cmpi ne, %convert_element_type3A_208, %cond3A_209 : i32
      scf.if %cond3A_210 {
        %dma_wait3A_358 = arith.constant 1 : i32
        %dma_wait3A_359 = arith.constant 0 : i32
        %dma_wait3A_360 = tpu.memref_slice %arg7[%dma_wait3A_358, %dma_wait3A_359] : memref<2x64xi32, #tpu.memory_space<vmem>> -> memref<1x64xi32, #tpu.memory_space<vmem>>
        %dma_wait3A_361 = tpu.memref_squeeze %dma_wait3A_360 : memref<1x64xi32, #tpu.memory_space<vmem>> -> memref<64xi32, #tpu.memory_space<vmem>>
        %dma_wait3A_362 = arith.constant 0 : i32
        %dma_wait3A_363 = arith.constant 0 : i32
        %dma_wait3A_364 = tpu.memref_slice %arg18[%dma_wait3A_362, %dma_wait3A_363] : memref<10240x128xf32, #tpu.memory_space<vmem_shared>> -> memref<10240x128xf32, #tpu.memory_space<vmem_shared>>
        tpu.wait_indirect_dma semaphore(%arg32 : memref<!tpu.dma_semaphore, #tpu.memory_space<semaphore_mem>>) src(%arg15 : memref<64x128xf32, #tpu.memory_space<vmem>>) dst(%dma_wait3A_364 : memref<10240x128xf32, #tpu.memory_space<vmem_shared>>)
        %add3A_365 = arith.constant 7 : i32
        %add3A_366 = arith.addi %add3A_191, %add3A_365 : i32
        %lt3A_367 = arith.constant 160 : i32
        %lt3A_368 = arith.cmpi slt, %add3A_366, %lt3A_367 : i32
        %convert_element_type3A_369 = arith.extui %lt3A_368 : i1 to i32
        %cond3A_370 = arith.constant 0 : i32
        %cond3A_371 = arith.cmpi ne, %convert_element_type3A_369, %cond3A_370 : i32
        scf.if %cond3A_371 {
          %add3A_372 = arith.constant 7 : i32
          %add3A_373 = arith.addi %add3A_191, %add3A_372 : i32
          %dma_start3A_374 = arith.constant 0 : i32
          %dma_start3A_375 = arith.constant 0 : i32
          %dma_start3A_376 = tpu.memref_slice %arg3[%add3A, %add3A_373, %dma_start3A_374, %dma_start3A_375] : memref<32x160x2x64xi32, #tpu.memory_space<hbm>> -> memref<1x1x2x64xi32, #tpu.memory_space<hbm>>
          %dma_start3A_377 = tpu.memref_squeeze %dma_start3A_376 : memref<1x1x2x64xi32, #tpu.memory_space<hbm>> -> memref<2x64xi32, #tpu.memory_space<hbm>>
          %dma_start3A_378 = arith.constant 0 : i32
          %dma_start3A_379 = arith.constant 0 : i32
          %dma_start3A_380 = tpu.memref_slice %arg3[%add3A, %add3A_373, %dma_start3A_378, %dma_start3A_379] : memref<32x160x2x64xi32, #tpu.memory_space<hbm>> -> memref<1x1x2x64xi32, #tpu.memory_space<hbm>>
          %dma_start3A_381 = tpu.memref_squeeze %dma_start3A_380 : memref<1x1x2x64xi32, #tpu.memory_space<hbm>> -> memref<2x64xi32, #tpu.memory_space<hbm>>
          tpu.enqueue_dma source(%dma_start3A_381 : memref<2x64xi32, #tpu.memory_space<hbm>>) target(%arg7 : memref<2x64xi32, #tpu.memory_space<vmem>>) target_semaphore(%arg20 : memref<!tpu.dma_semaphore, #tpu.memory_space<semaphore_mem>>)
        } else {
        }
      } else {
      }
      %add3A_211 = arith.constant 3 : i32
      %add3A_212 = arith.addi %add3A_191, %add3A_211 : i32
      %lt3A_213 = arith.constant 160 : i32
      %lt3A_214 = arith.cmpi slt, %add3A_212, %lt3A_213 : i32
      %convert_element_type3A_215 = arith.extui %lt3A_214 : i1 to i32
      %cond3A_216 = arith.constant 0 : i32
      %cond3A_217 = arith.cmpi ne, %convert_element_type3A_215, %cond3A_216 : i32
      scf.if %cond3A_217 {
        %add3A_358 = arith.constant 3 : i32
        %add3A_359 = arith.addi %add3A_191, %add3A_358 : i32
        %dma_wait3A_360 = arith.constant 0 : i32
        %dma_wait3A_361 = arith.constant 0 : i32
        %dma_wait3A_362 = tpu.memref_slice %arg3[%add3A, %add3A_359, %dma_wait3A_360, %dma_wait3A_361] : memref<32x160x2x64xi32, #tpu.memory_space<hbm>> -> memref<1x1x2x64xi32, #tpu.memory_space<hbm>>
        %dma_wait3A_363 = tpu.memref_squeeze %dma_wait3A_362 : memref<1x1x2x64xi32, #tpu.memory_space<hbm>> -> memref<2x64xi32, #tpu.memory_space<hbm>>
        %dma_wait3A_364 = arith.constant 0 : i32
        %dma_wait3A_365 = arith.constant 0 : i32
        %dma_wait3A_366 = tpu.memref_slice %arg3[%add3A, %add3A_359, %dma_wait3A_364, %dma_wait3A_365] : memref<32x160x2x64xi32, #tpu.memory_space<hbm>> -> memref<1x1x2x64xi32, #tpu.memory_space<hbm>>
        %dma_wait3A_367 = tpu.memref_squeeze %dma_wait3A_366 : memref<1x1x2x64xi32, #tpu.memory_space<hbm>> -> memref<2x64xi32, #tpu.memory_space<hbm>>
        tpu.wait_dma2 semaphore(%arg24 : memref<!tpu.dma_semaphore, #tpu.memory_space<semaphore_mem>>) src(%dma_wait3A_367 : memref<2x64xi32, #tpu.memory_space<hbm>>) dst(%arg11 : memref<2x64xi32, #tpu.memory_space<vmem>>)
        %dma_start3A_368 = arith.constant 0 : i32
        %dma_start3A_369 = arith.constant 0 : i32
        %dma_start3A_370 = tpu.memref_slice %arg11[%dma_start3A_368, %dma_start3A_369] : memref<2x64xi32, #tpu.memory_space<vmem>> -> memref<1x64xi32, #tpu.memory_space<vmem>>
        %dma_start3A_371 = tpu.memref_squeeze %dma_start3A_370 : memref<1x64xi32, #tpu.memory_space<vmem>> -> memref<64xi32, #tpu.memory_space<vmem>>
        %dma_start3A_372 = arith.constant 0 : i32
        %dma_start3A_373 = arith.constant 0 : i32
        %dma_start3A_374 = tpu.memref_slice %arg2[%dma_start3A_372, %dma_start3A_373] : memref<10240x128xf32, #tpu.memory_space<hbm>> -> memref<10240x128xf32, #tpu.memory_space<hbm>>
        tpu.enqueue_indirect_dma source(%dma_start3A_374 : memref<10240x128xf32, #tpu.memory_space<hbm>>) target(%arg15 : memref<64x128xf32, #tpu.memory_space<vmem>>) offsets(%dma_start3A_371 : memref<64xi32, #tpu.memory_space<vmem>>) semaphore(%arg28 : memref<!tpu.dma_semaphore, #tpu.memory_space<semaphore_mem>>)
      } else {
      }
      %add3A_218 = arith.constant 3 : i32
      %add3A_219 = arith.addi %add3A_137, %add3A_218 : i32
      %dma_wait3A_220 = arith.constant 0 : i32
      %dma_wait3A_221 = arith.constant 0 : i32
      %dma_wait3A_222 = tpu.memref_slice %arg9[%dma_wait3A_220, %dma_wait3A_221] : memref<2x64xi32, #tpu.memory_space<vmem>> -> memref<1x64xi32, #tpu.memory_space<vmem>>
      %dma_wait3A_223 = tpu.memref_squeeze %dma_wait3A_222 : memref<1x64xi32, #tpu.memory_space<vmem>> -> memref<64xi32, #tpu.memory_space<vmem>>
      %dma_wait3A_224 = arith.constant 0 : i32
      %dma_wait3A_225 = arith.constant 0 : i32
      %dma_wait3A_226 = tpu.memref_slice %arg2[%dma_wait3A_224, %dma_wait3A_225] : memref<10240x128xf32, #tpu.memory_space<hbm>> -> memref<10240x128xf32, #tpu.memory_space<hbm>>
      tpu.wait_indirect_dma semaphore(%arg30 : memref<!tpu.dma_semaphore, #tpu.memory_space<semaphore_mem>>) src(%dma_wait3A_226 : memref<10240x128xf32, #tpu.memory_space<hbm>>) dst(%arg17 : memref<64x128xf32, #tpu.memory_space<vmem>>)
      %dma_start3A_227 = arith.constant 1 : i32
      %dma_start3A_228 = arith.constant 0 : i32
      %dma_start3A_229 = tpu.memref_slice %arg9[%dma_start3A_227, %dma_start3A_228] : memref<2x64xi32, #tpu.memory_space<vmem>> -> memref<1x64xi32, #tpu.memory_space<vmem>>
      %dma_start3A_230 = tpu.memref_squeeze %dma_start3A_229 : memref<1x64xi32, #tpu.memory_space<vmem>> -> memref<64xi32, #tpu.memory_space<vmem>>
      %dma_start3A_231 = arith.constant 0 : i32
      %dma_start3A_232 = arith.constant 0 : i32
      %dma_start3A_233 = tpu.memref_slice %arg18[%dma_start3A_231, %dma_start3A_232] : memref<10240x128xf32, #tpu.memory_space<vmem_shared>> -> memref<10240x128xf32, #tpu.memory_space<vmem_shared>>
      tpu.enqueue_indirect_dma source(%arg17 : memref<64x128xf32, #tpu.memory_space<vmem>>) target(%dma_start3A_233 : memref<10240x128xf32, #tpu.memory_space<vmem_shared>>) offsets(%dma_start3A_230 : memref<64xi32, #tpu.memory_space<vmem>>) semaphore(%arg34 : memref<!tpu.dma_semaphore, #tpu.memory_space<semaphore_mem>>) {add = true}
      %ge3A_234 = arith.constant 1 : i32
      %ge3A_235 = arith.cmpi sge, %add3A_219, %ge3A_234 : i32
      %convert_element_type3A_236 = arith.extui %ge3A_235 : i1 to i32
      %cond3A_237 = arith.constant 0 : i32
      %cond3A_238 = arith.cmpi ne, %convert_element_type3A_236, %cond3A_237 : i32
      scf.if %cond3A_238 {
        %dma_wait3A_358 = arith.constant 1 : i32
        %dma_wait3A_359 = arith.constant 0 : i32
        %dma_wait3A_360 = tpu.memref_slice %arg8[%dma_wait3A_358, %dma_wait3A_359] : memref<2x64xi32, #tpu.memory_space<vmem>> -> memref<1x64xi32, #tpu.memory_space<vmem>>
        %dma_wait3A_361 = tpu.memref_squeeze %dma_wait3A_360 : memref<1x64xi32, #tpu.memory_space<vmem>> -> memref<64xi32, #tpu.memory_space<vmem>>
        %dma_wait3A_362 = arith.constant 0 : i32
        %dma_wait3A_363 = arith.constant 0 : i32
        %dma_wait3A_364 = tpu.memref_slice %arg18[%dma_wait3A_362, %dma_wait3A_363] : memref<10240x128xf32, #tpu.memory_space<vmem_shared>> -> memref<10240x128xf32, #tpu.memory_space<vmem_shared>>
        tpu.wait_indirect_dma semaphore(%arg33 : memref<!tpu.dma_semaphore, #tpu.memory_space<semaphore_mem>>) src(%arg16 : memref<64x128xf32, #tpu.memory_space<vmem>>) dst(%dma_wait3A_364 : memref<10240x128xf32, #tpu.memory_space<vmem_shared>>)
        %add3A_365 = arith.constant 7 : i32
        %add3A_366 = arith.addi %add3A_219, %add3A_365 : i32
        %lt3A_367 = arith.constant 160 : i32
        %lt3A_368 = arith.cmpi slt, %add3A_366, %lt3A_367 : i32
        %convert_element_type3A_369 = arith.extui %lt3A_368 : i1 to i32
        %cond3A_370 = arith.constant 0 : i32
        %cond3A_371 = arith.cmpi ne, %convert_element_type3A_369, %cond3A_370 : i32
        scf.if %cond3A_371 {
          %add3A_372 = arith.constant 7 : i32
          %add3A_373 = arith.addi %add3A_219, %add3A_372 : i32
          %dma_start3A_374 = arith.constant 0 : i32
          %dma_start3A_375 = arith.constant 0 : i32
          %dma_start3A_376 = tpu.memref_slice %arg3[%add3A, %add3A_373, %dma_start3A_374, %dma_start3A_375] : memref<32x160x2x64xi32, #tpu.memory_space<hbm>> -> memref<1x1x2x64xi32, #tpu.memory_space<hbm>>
          %dma_start3A_377 = tpu.memref_squeeze %dma_start3A_376 : memref<1x1x2x64xi32, #tpu.memory_space<hbm>> -> memref<2x64xi32, #tpu.memory_space<hbm>>
          %dma_start3A_378 = arith.constant 0 : i32
          %dma_start3A_379 = arith.constant 0 : i32
          %dma_start3A_380 = tpu.memref_slice %arg3[%add3A, %add3A_373, %dma_start3A_378, %dma_start3A_379] : memref<32x160x2x64xi32, #tpu.memory_space<hbm>> -> memref<1x1x2x64xi32, #tpu.memory_space<hbm>>
          %dma_start3A_381 = tpu.memref_squeeze %dma_start3A_380 : memref<1x1x2x64xi32, #tpu.memory_space<hbm>> -> memref<2x64xi32, #tpu.memory_space<hbm>>
          tpu.enqueue_dma source(%dma_start3A_381 : memref<2x64xi32, #tpu.memory_space<hbm>>) target(%arg8 : memref<2x64xi32, #tpu.memory_space<vmem>>) target_semaphore(%arg21 : memref<!tpu.dma_semaphore, #tpu.memory_space<semaphore_mem>>)
        } else {
        }
      } else {
      }
      %add3A_239 = arith.constant 3 : i32
      %add3A_240 = arith.addi %add3A_219, %add3A_239 : i32
      %lt3A_241 = arith.constant 160 : i32
      %lt3A_242 = arith.cmpi slt, %add3A_240, %lt3A_241 : i32
      %convert_element_type3A_243 = arith.extui %lt3A_242 : i1 to i32
      %cond3A_244 = arith.constant 0 : i32
      %cond3A_245 = arith.cmpi ne, %convert_element_type3A_243, %cond3A_244 : i32
      scf.if %cond3A_245 {
        %add3A_358 = arith.constant 3 : i32
        %add3A_359 = arith.addi %add3A_219, %add3A_358 : i32
        %dma_wait3A_360 = arith.constant 0 : i32
        %dma_wait3A_361 = arith.constant 0 : i32
        %dma_wait3A_362 = tpu.memref_slice %arg3[%add3A, %add3A_359, %dma_wait3A_360, %dma_wait3A_361] : memref<32x160x2x64xi32, #tpu.memory_space<hbm>> -> memref<1x1x2x64xi32, #tpu.memory_space<hbm>>
        %dma_wait3A_363 = tpu.memref_squeeze %dma_wait3A_362 : memref<1x1x2x64xi32, #tpu.memory_space<hbm>> -> memref<2x64xi32, #tpu.memory_space<hbm>>
        %dma_wait3A_364 = arith.constant 0 : i32
        %dma_wait3A_365 = arith.constant 0 : i32
        %dma_wait3A_366 = tpu.memref_slice %arg3[%add3A, %add3A_359, %dma_wait3A_364, %dma_wait3A_365] : memref<32x160x2x64xi32, #tpu.memory_space<hbm>> -> memref<1x1x2x64xi32, #tpu.memory_space<hbm>>
        %dma_wait3A_367 = tpu.memref_squeeze %dma_wait3A_366 : memref<1x1x2x64xi32, #tpu.memory_space<hbm>> -> memref<2x64xi32, #tpu.memory_space<hbm>>
        tpu.wait_dma2 semaphore(%arg25 : memref<!tpu.dma_semaphore, #tpu.memory_space<semaphore_mem>>) src(%dma_wait3A_367 : memref<2x64xi32, #tpu.memory_space<hbm>>) dst(%arg12 : memref<2x64xi32, #tpu.memory_space<vmem>>)
        %dma_start3A_368 = arith.constant 0 : i32
        %dma_start3A_369 = arith.constant 0 : i32
        %dma_start3A_370 = tpu.memref_slice %arg12[%dma_start3A_368, %dma_start3A_369] : memref<2x64xi32, #tpu.memory_space<vmem>> -> memref<1x64xi32, #tpu.memory_space<vmem>>
        %dma_start3A_371 = tpu.memref_squeeze %dma_start3A_370 : memref<1x64xi32, #tpu.memory_space<vmem>> -> memref<64xi32, #tpu.memory_space<vmem>>
        %dma_start3A_372 = arith.constant 0 : i32
        %dma_start3A_373 = arith.constant 0 : i32
        %dma_start3A_374 = tpu.memref_slice %arg2[%dma_start3A_372, %dma_start3A_373] : memref<10240x128xf32, #tpu.memory_space<hbm>> -> memref<10240x128xf32, #tpu.memory_space<hbm>>
        tpu.enqueue_indirect_dma source(%dma_start3A_374 : memref<10240x128xf32, #tpu.memory_space<hbm>>) target(%arg16 : memref<64x128xf32, #tpu.memory_space<vmem>>) offsets(%dma_start3A_371 : memref<64xi32, #tpu.memory_space<vmem>>) semaphore(%arg29 : memref<!tpu.dma_semaphore, #tpu.memory_space<semaphore_mem>>)
      } else {
      }
      %add3A_246 = arith.constant 4 : i32
      %add3A_247 = arith.addi %add3A_137, %add3A_246 : i32
      %dma_wait3A_248 = arith.constant 0 : i32
      %dma_wait3A_249 = arith.constant 0 : i32
      %dma_wait3A_250 = tpu.memref_slice %arg10[%dma_wait3A_248, %dma_wait3A_249] : memref<2x64xi32, #tpu.memory_space<vmem>> -> memref<1x64xi32, #tpu.memory_space<vmem>>
      %dma_wait3A_251 = tpu.memref_squeeze %dma_wait3A_250 : memref<1x64xi32, #tpu.memory_space<vmem>> -> memref<64xi32, #tpu.memory_space<vmem>>
      %dma_wait3A_252 = arith.constant 0 : i32
      %dma_wait3A_253 = arith.constant 0 : i32
      %dma_wait3A_254 = tpu.memref_slice %arg2[%dma_wait3A_252, %dma_wait3A_253] : memref<10240x128xf32, #tpu.memory_space<hbm>> -> memref<10240x128xf32, #tpu.memory_space<hbm>>
      tpu.wait_indirect_dma semaphore(%arg27 : memref<!tpu.dma_semaphore, #tpu.memory_space<semaphore_mem>>) src(%dma_wait3A_254 : memref<10240x128xf32, #tpu.memory_space<hbm>>) dst(%arg14 : memref<64x128xf32, #tpu.memory_space<vmem>>)
      %dma_start3A_255 = arith.constant 1 : i32
      %dma_start3A_256 = arith.constant 0 : i32
      %dma_start3A_257 = tpu.memref_slice %arg10[%dma_start3A_255, %dma_start3A_256] : memref<2x64xi32, #tpu.memory_space<vmem>> -> memref<1x64xi32, #tpu.memory_space<vmem>>
      %dma_start3A_258 = tpu.memref_squeeze %dma_start3A_257 : memref<1x64xi32, #tpu.memory_space<vmem>> -> memref<64xi32, #tpu.memory_space<vmem>>
      %dma_start3A_259 = arith.constant 0 : i32
      %dma_start3A_260 = arith.constant 0 : i32
      %dma_start3A_261 = tpu.memref_slice %arg18[%dma_start3A_259, %dma_start3A_260] : memref<10240x128xf32, #tpu.memory_space<vmem_shared>> -> memref<10240x128xf32, #tpu.memory_space<vmem_shared>>
      tpu.enqueue_indirect_dma source(%arg14 : memref<64x128xf32, #tpu.memory_space<vmem>>) target(%dma_start3A_261 : memref<10240x128xf32, #tpu.memory_space<vmem_shared>>) offsets(%dma_start3A_258 : memref<64xi32, #tpu.memory_space<vmem>>) semaphore(%arg31 : memref<!tpu.dma_semaphore, #tpu.memory_space<semaphore_mem>>) {add = true}
      %ge3A_262 = arith.constant 1 : i32
      %ge3A_263 = arith.cmpi sge, %add3A_247, %ge3A_262 : i32
      %convert_element_type3A_264 = arith.extui %ge3A_263 : i1 to i32
      %cond3A_265 = arith.constant 0 : i32
      %cond3A_266 = arith.cmpi ne, %convert_element_type3A_264, %cond3A_265 : i32
      scf.if %cond3A_266 {
        %dma_wait3A_358 = arith.constant 1 : i32
        %dma_wait3A_359 = arith.constant 0 : i32
        %dma_wait3A_360 = tpu.memref_slice %arg9[%dma_wait3A_358, %dma_wait3A_359] : memref<2x64xi32, #tpu.memory_space<vmem>> -> memref<1x64xi32, #tpu.memory_space<vmem>>
        %dma_wait3A_361 = tpu.memref_squeeze %dma_wait3A_360 : memref<1x64xi32, #tpu.memory_space<vmem>> -> memref<64xi32, #tpu.memory_space<vmem>>
        %dma_wait3A_362 = arith.constant 0 : i32
        %dma_wait3A_363 = arith.constant 0 : i32
        %dma_wait3A_364 = tpu.memref_slice %arg18[%dma_wait3A_362, %dma_wait3A_363] : memref<10240x128xf32, #tpu.memory_space<vmem_shared>> -> memref<10240x128xf32, #tpu.memory_space<vmem_shared>>
        tpu.wait_indirect_dma semaphore(%arg34 : memref<!tpu.dma_semaphore, #tpu.memory_space<semaphore_mem>>) src(%arg17 : memref<64x128xf32, #tpu.memory_space<vmem>>) dst(%dma_wait3A_364 : memref<10240x128xf32, #tpu.memory_space<vmem_shared>>)
        %add3A_365 = arith.constant 7 : i32
        %add3A_366 = arith.addi %add3A_247, %add3A_365 : i32
        %lt3A_367 = arith.constant 160 : i32
        %lt3A_368 = arith.cmpi slt, %add3A_366, %lt3A_367 : i32
        %convert_element_type3A_369 = arith.extui %lt3A_368 : i1 to i32
        %cond3A_370 = arith.constant 0 : i32
        %cond3A_371 = arith.cmpi ne, %convert_element_type3A_369, %cond3A_370 : i32
        scf.if %cond3A_371 {
          %add3A_372 = arith.constant 7 : i32
          %add3A_373 = arith.addi %add3A_247, %add3A_372 : i32
          %dma_start3A_374 = arith.constant 0 : i32
          %dma_start3A_375 = arith.constant 0 : i32
          %dma_start3A_376 = tpu.memref_slice %arg3[%add3A, %add3A_373, %dma_start3A_374, %dma_start3A_375] : memref<32x160x2x64xi32, #tpu.memory_space<hbm>> -> memref<1x1x2x64xi32, #tpu.memory_space<hbm>>
          %dma_start3A_377 = tpu.memref_squeeze %dma_start3A_376 : memref<1x1x2x64xi32, #tpu.memory_space<hbm>> -> memref<2x64xi32, #tpu.memory_space<hbm>>
          %dma_start3A_378 = arith.constant 0 : i32
          %dma_start3A_379 = arith.constant 0 : i32
          %dma_start3A_380 = tpu.memref_slice %arg3[%add3A, %add3A_373, %dma_start3A_378, %dma_start3A_379] : memref<32x160x2x64xi32, #tpu.memory_space<hbm>> -> memref<1x1x2x64xi32, #tpu.memory_space<hbm>>
          %dma_start3A_381 = tpu.memref_squeeze %dma_start3A_380 : memref<1x1x2x64xi32, #tpu.memory_space<hbm>> -> memref<2x64xi32, #tpu.memory_space<hbm>>
          tpu.enqueue_dma source(%dma_start3A_381 : memref<2x64xi32, #tpu.memory_space<hbm>>) target(%arg9 : memref<2x64xi32, #tpu.memory_space<vmem>>) target_semaphore(%arg22 : memref<!tpu.dma_semaphore, #tpu.memory_space<semaphore_mem>>)
        } else {
        }
      } else {
      }
      %add3A_267 = arith.constant 3 : i32
      %add3A_268 = arith.addi %add3A_247, %add3A_267 : i32
      %lt3A_269 = arith.constant 160 : i32
      %lt3A_270 = arith.cmpi slt, %add3A_268, %lt3A_269 : i32
      %convert_element_type3A_271 = arith.extui %lt3A_270 : i1 to i32
      %cond3A_272 = arith.constant 0 : i32
      %cond3A_273 = arith.cmpi ne, %convert_element_type3A_271, %cond3A_272 : i32
      scf.if %cond3A_273 {
        %add3A_358 = arith.constant 3 : i32
        %add3A_359 = arith.addi %add3A_247, %add3A_358 : i32
        %dma_wait3A_360 = arith.constant 0 : i32
        %dma_wait3A_361 = arith.constant 0 : i32
        %dma_wait3A_362 = tpu.memref_slice %arg3[%add3A, %add3A_359, %dma_wait3A_360, %dma_wait3A_361] : memref<32x160x2x64xi32, #tpu.memory_space<hbm>> -> memref<1x1x2x64xi32, #tpu.memory_space<hbm>>
        %dma_wait3A_363 = tpu.memref_squeeze %dma_wait3A_362 : memref<1x1x2x64xi32, #tpu.memory_space<hbm>> -> memref<2x64xi32, #tpu.memory_space<hbm>>
        %dma_wait3A_364 = arith.constant 0 : i32
        %dma_wait3A_365 = arith.constant 0 : i32
        %dma_wait3A_366 = tpu.memref_slice %arg3[%add3A, %add3A_359, %dma_wait3A_364, %dma_wait3A_365] : memref<32x160x2x64xi32, #tpu.memory_space<hbm>> -> memref<1x1x2x64xi32, #tpu.memory_space<hbm>>
        %dma_wait3A_367 = tpu.memref_squeeze %dma_wait3A_366 : memref<1x1x2x64xi32, #tpu.memory_space<hbm>> -> memref<2x64xi32, #tpu.memory_space<hbm>>
        tpu.wait_dma2 semaphore(%arg26 : memref<!tpu.dma_semaphore, #tpu.memory_space<semaphore_mem>>) src(%dma_wait3A_367 : memref<2x64xi32, #tpu.memory_space<hbm>>) dst(%arg13 : memref<2x64xi32, #tpu.memory_space<vmem>>)
        %dma_start3A_368 = arith.constant 0 : i32
        %dma_start3A_369 = arith.constant 0 : i32
        %dma_start3A_370 = tpu.memref_slice %arg13[%dma_start3A_368, %dma_start3A_369] : memref<2x64xi32, #tpu.memory_space<vmem>> -> memref<1x64xi32, #tpu.memory_space<vmem>>
        %dma_start3A_371 = tpu.memref_squeeze %dma_start3A_370 : memref<1x64xi32, #tpu.memory_space<vmem>> -> memref<64xi32, #tpu.memory_space<vmem>>
        %dma_start3A_372 = arith.constant 0 : i32
        %dma_start3A_373 = arith.constant 0 : i32
        %dma_start3A_374 = tpu.memref_slice %arg2[%dma_start3A_372, %dma_start3A_373] : memref<10240x128xf32, #tpu.memory_space<hbm>> -> memref<10240x128xf32, #tpu.memory_space<hbm>>
        tpu.enqueue_indirect_dma source(%dma_start3A_374 : memref<10240x128xf32, #tpu.memory_space<hbm>>) target(%arg17 : memref<64x128xf32, #tpu.memory_space<vmem>>) offsets(%dma_start3A_371 : memref<64xi32, #tpu.memory_space<vmem>>) semaphore(%arg30 : memref<!tpu.dma_semaphore, #tpu.memory_space<semaphore_mem>>)
      } else {
      }
      %add3A_274 = arith.constant 5 : i32
      %add3A_275 = arith.addi %add3A_137, %add3A_274 : i32
      %dma_wait3A_276 = arith.constant 0 : i32
      %dma_wait3A_277 = arith.constant 0 : i32
      %dma_wait3A_278 = tpu.memref_slice %arg11[%dma_wait3A_276, %dma_wait3A_277] : memref<2x64xi32, #tpu.memory_space<vmem>> -> memref<1x64xi32, #tpu.memory_space<vmem>>
      %dma_wait3A_279 = tpu.memref_squeeze %dma_wait3A_278 : memref<1x64xi32, #tpu.memory_space<vmem>> -> memref<64xi32, #tpu.memory_space<vmem>>
      %dma_wait3A_280 = arith.constant 0 : i32
      %dma_wait3A_281 = arith.constant 0 : i32
      %dma_wait3A_282 = tpu.memref_slice %arg2[%dma_wait3A_280, %dma_wait3A_281] : memref<10240x128xf32, #tpu.memory_space<hbm>> -> memref<10240x128xf32, #tpu.memory_space<hbm>>
      tpu.wait_indirect_dma semaphore(%arg28 : memref<!tpu.dma_semaphore, #tpu.memory_space<semaphore_mem>>) src(%dma_wait3A_282 : memref<10240x128xf32, #tpu.memory_space<hbm>>) dst(%arg15 : memref<64x128xf32, #tpu.memory_space<vmem>>)
      %dma_start3A_283 = arith.constant 1 : i32
      %dma_start3A_284 = arith.constant 0 : i32
      %dma_start3A_285 = tpu.memref_slice %arg11[%dma_start3A_283, %dma_start3A_284] : memref<2x64xi32, #tpu.memory_space<vmem>> -> memref<1x64xi32, #tpu.memory_space<vmem>>
      %dma_start3A_286 = tpu.memref_squeeze %dma_start3A_285 : memref<1x64xi32, #tpu.memory_space<vmem>> -> memref<64xi32, #tpu.memory_space<vmem>>
      %dma_start3A_287 = arith.constant 0 : i32
      %dma_start3A_288 = arith.constant 0 : i32
      %dma_start3A_289 = tpu.memref_slice %arg18[%dma_start3A_287, %dma_start3A_288] : memref<10240x128xf32, #tpu.memory_space<vmem_shared>> -> memref<10240x128xf32, #tpu.memory_space<vmem_shared>>
      tpu.enqueue_indirect_dma source(%arg15 : memref<64x128xf32, #tpu.memory_space<vmem>>) target(%dma_start3A_289 : memref<10240x128xf32, #tpu.memory_space<vmem_shared>>) offsets(%dma_start3A_286 : memref<64xi32, #tpu.memory_space<vmem>>) semaphore(%arg32 : memref<!tpu.dma_semaphore, #tpu.memory_space<semaphore_mem>>) {add = true}
      %ge3A_290 = arith.constant 1 : i32
      %ge3A_291 = arith.cmpi sge, %add3A_275, %ge3A_290 : i32
      %convert_element_type3A_292 = arith.extui %ge3A_291 : i1 to i32
      %cond3A_293 = arith.constant 0 : i32
      %cond3A_294 = arith.cmpi ne, %convert_element_type3A_292, %cond3A_293 : i32
      scf.if %cond3A_294 {
        %dma_wait3A_358 = arith.constant 1 : i32
        %dma_wait3A_359 = arith.constant 0 : i32
        %dma_wait3A_360 = tpu.memref_slice %arg10[%dma_wait3A_358, %dma_wait3A_359] : memref<2x64xi32, #tpu.memory_space<vmem>> -> memref<1x64xi32, #tpu.memory_space<vmem>>
        %dma_wait3A_361 = tpu.memref_squeeze %dma_wait3A_360 : memref<1x64xi32, #tpu.memory_space<vmem>> -> memref<64xi32, #tpu.memory_space<vmem>>
        %dma_wait3A_362 = arith.constant 0 : i32
        %dma_wait3A_363 = arith.constant 0 : i32
        %dma_wait3A_364 = tpu.memref_slice %arg18[%dma_wait3A_362, %dma_wait3A_363] : memref<10240x128xf32, #tpu.memory_space<vmem_shared>> -> memref<10240x128xf32, #tpu.memory_space<vmem_shared>>
        tpu.wait_indirect_dma semaphore(%arg31 : memref<!tpu.dma_semaphore, #tpu.memory_space<semaphore_mem>>) src(%arg14 : memref<64x128xf32, #tpu.memory_space<vmem>>) dst(%dma_wait3A_364 : memref<10240x128xf32, #tpu.memory_space<vmem_shared>>)
        %add3A_365 = arith.constant 7 : i32
        %add3A_366 = arith.addi %add3A_275, %add3A_365 : i32
        %lt3A_367 = arith.constant 160 : i32
        %lt3A_368 = arith.cmpi slt, %add3A_366, %lt3A_367 : i32
        %convert_element_type3A_369 = arith.extui %lt3A_368 : i1 to i32
        %cond3A_370 = arith.constant 0 : i32
        %cond3A_371 = arith.cmpi ne, %convert_element_type3A_369, %cond3A_370 : i32
        scf.if %cond3A_371 {
          %add3A_372 = arith.constant 7 : i32
          %add3A_373 = arith.addi %add3A_275, %add3A_372 : i32
          %dma_start3A_374 = arith.constant 0 : i32
          %dma_start3A_375 = arith.constant 0 : i32
          %dma_start3A_376 = tpu.memref_slice %arg3[%add3A, %add3A_373, %dma_start3A_374, %dma_start3A_375] : memref<32x160x2x64xi32, #tpu.memory_space<hbm>> -> memref<1x1x2x64xi32, #tpu.memory_space<hbm>>
          %dma_start3A_377 = tpu.memref_squeeze %dma_start3A_376 : memref<1x1x2x64xi32, #tpu.memory_space<hbm>> -> memref<2x64xi32, #tpu.memory_space<hbm>>
          %dma_start3A_378 = arith.constant 0 : i32
          %dma_start3A_379 = arith.constant 0 : i32
          %dma_start3A_380 = tpu.memref_slice %arg3[%add3A, %add3A_373, %dma_start3A_378, %dma_start3A_379] : memref<32x160x2x64xi32, #tpu.memory_space<hbm>> -> memref<1x1x2x64xi32, #tpu.memory_space<hbm>>
          %dma_start3A_381 = tpu.memref_squeeze %dma_start3A_380 : memref<1x1x2x64xi32, #tpu.memory_space<hbm>> -> memref<2x64xi32, #tpu.memory_space<hbm>>
          tpu.enqueue_dma source(%dma_start3A_381 : memref<2x64xi32, #tpu.memory_space<hbm>>) target(%arg10 : memref<2x64xi32, #tpu.memory_space<vmem>>) target_semaphore(%arg23 : memref<!tpu.dma_semaphore, #tpu.memory_space<semaphore_mem>>)
        } else {
        }
      } else {
      }
      %add3A_295 = arith.constant 3 : i32
      %add3A_296 = arith.addi %add3A_275, %add3A_295 : i32
      %lt3A_297 = arith.constant 160 : i32
      %lt3A_298 = arith.cmpi slt, %add3A_296, %lt3A_297 : i32
      %convert_element_type3A_299 = arith.extui %lt3A_298 : i1 to i32
      %cond3A_300 = arith.constant 0 : i32
      %cond3A_301 = arith.cmpi ne, %convert_element_type3A_299, %cond3A_300 : i32
      scf.if %cond3A_301 {
        %add3A_358 = arith.constant 3 : i32
        %add3A_359 = arith.addi %add3A_275, %add3A_358 : i32
        %dma_wait3A_360 = arith.constant 0 : i32
        %dma_wait3A_361 = arith.constant 0 : i32
        %dma_wait3A_362 = tpu.memref_slice %arg3[%add3A, %add3A_359, %dma_wait3A_360, %dma_wait3A_361] : memref<32x160x2x64xi32, #tpu.memory_space<hbm>> -> memref<1x1x2x64xi32, #tpu.memory_space<hbm>>
        %dma_wait3A_363 = tpu.memref_squeeze %dma_wait3A_362 : memref<1x1x2x64xi32, #tpu.memory_space<hbm>> -> memref<2x64xi32, #tpu.memory_space<hbm>>
        %dma_wait3A_364 = arith.constant 0 : i32
        %dma_wait3A_365 = arith.constant 0 : i32
        %dma_wait3A_366 = tpu.memref_slice %arg3[%add3A, %add3A_359, %dma_wait3A_364, %dma_wait3A_365] : memref<32x160x2x64xi32, #tpu.memory_space<hbm>> -> memref<1x1x2x64xi32, #tpu.memory_space<hbm>>
        %dma_wait3A_367 = tpu.memref_squeeze %dma_wait3A_366 : memref<1x1x2x64xi32, #tpu.memory_space<hbm>> -> memref<2x64xi32, #tpu.memory_space<hbm>>
        tpu.wait_dma2 semaphore(%arg19 : memref<!tpu.dma_semaphore, #tpu.memory_space<semaphore_mem>>) src(%dma_wait3A_367 : memref<2x64xi32, #tpu.memory_space<hbm>>) dst(%arg6 : memref<2x64xi32, #tpu.memory_space<vmem>>)
        %dma_start3A_368 = arith.constant 0 : i32
        %dma_start3A_369 = arith.constant 0 : i32
        %dma_start3A_370 = tpu.memref_slice %arg6[%dma_start3A_368, %dma_start3A_369] : memref<2x64xi32, #tpu.memory_space<vmem>> -> memref<1x64xi32, #tpu.memory_space<vmem>>
        %dma_start3A_371 = tpu.memref_squeeze %dma_start3A_370 : memref<1x64xi32, #tpu.memory_space<vmem>> -> memref<64xi32, #tpu.memory_space<vmem>>
        %dma_start3A_372 = arith.constant 0 : i32
        %dma_start3A_373 = arith.constant 0 : i32
        %dma_start3A_374 = tpu.memref_slice %arg2[%dma_start3A_372, %dma_start3A_373] : memref<10240x128xf32, #tpu.memory_space<hbm>> -> memref<10240x128xf32, #tpu.memory_space<hbm>>
        tpu.enqueue_indirect_dma source(%dma_start3A_374 : memref<10240x128xf32, #tpu.memory_space<hbm>>) target(%arg14 : memref<64x128xf32, #tpu.memory_space<vmem>>) offsets(%dma_start3A_371 : memref<64xi32, #tpu.memory_space<vmem>>) semaphore(%arg27 : memref<!tpu.dma_semaphore, #tpu.memory_space<semaphore_mem>>)
      } else {
      }
      %add3A_302 = arith.constant 6 : i32
      %add3A_303 = arith.addi %add3A_137, %add3A_302 : i32
      %dma_wait3A_304 = arith.constant 0 : i32
      %dma_wait3A_305 = arith.constant 0 : i32
      %dma_wait3A_306 = tpu.memref_slice %arg12[%dma_wait3A_304, %dma_wait3A_305] : memref<2x64xi32, #tpu.memory_space<vmem>> -> memref<1x64xi32, #tpu.memory_space<vmem>>
      %dma_wait3A_307 = tpu.memref_squeeze %dma_wait3A_306 : memref<1x64xi32, #tpu.memory_space<vmem>> -> memref<64xi32, #tpu.memory_space<vmem>>
      %dma_wait3A_308 = arith.constant 0 : i32
      %dma_wait3A_309 = arith.constant 0 : i32
      %dma_wait3A_310 = tpu.memref_slice %arg2[%dma_wait3A_308, %dma_wait3A_309] : memref<10240x128xf32, #tpu.memory_space<hbm>> -> memref<10240x128xf32, #tpu.memory_space<hbm>>
      tpu.wait_indirect_dma semaphore(%arg29 : memref<!tpu.dma_semaphore, #tpu.memory_space<semaphore_mem>>) src(%dma_wait3A_310 : memref<10240x128xf32, #tpu.memory_space<hbm>>) dst(%arg16 : memref<64x128xf32, #tpu.memory_space<vmem>>)
      %dma_start3A_311 = arith.constant 1 : i32
      %dma_start3A_312 = arith.constant 0 : i32
      %dma_start3A_313 = tpu.memref_slice %arg12[%dma_start3A_311, %dma_start3A_312] : memref<2x64xi32, #tpu.memory_space<vmem>> -> memref<1x64xi32, #tpu.memory_space<vmem>>
      %dma_start3A_314 = tpu.memref_squeeze %dma_start3A_313 : memref<1x64xi32, #tpu.memory_space<vmem>> -> memref<64xi32, #tpu.memory_space<vmem>>
      %dma_start3A_315 = arith.constant 0 : i32
      %dma_start3A_316 = arith.constant 0 : i32
      %dma_start3A_317 = tpu.memref_slice %arg18[%dma_start3A_315, %dma_start3A_316] : memref<10240x128xf32, #tpu.memory_space<vmem_shared>> -> memref<10240x128xf32, #tpu.memory_space<vmem_shared>>
      tpu.enqueue_indirect_dma source(%arg16 : memref<64x128xf32, #tpu.memory_space<vmem>>) target(%dma_start3A_317 : memref<10240x128xf32, #tpu.memory_space<vmem_shared>>) offsets(%dma_start3A_314 : memref<64xi32, #tpu.memory_space<vmem>>) semaphore(%arg33 : memref<!tpu.dma_semaphore, #tpu.memory_space<semaphore_mem>>) {add = true}
      %ge3A_318 = arith.constant 1 : i32
      %ge3A_319 = arith.cmpi sge, %add3A_303, %ge3A_318 : i32
      %convert_element_type3A_320 = arith.extui %ge3A_319 : i1 to i32
      %cond3A_321 = arith.constant 0 : i32
      %cond3A_322 = arith.cmpi ne, %convert_element_type3A_320, %cond3A_321 : i32
      scf.if %cond3A_322 {
        %dma_wait3A_358 = arith.constant 1 : i32
        %dma_wait3A_359 = arith.constant 0 : i32
        %dma_wait3A_360 = tpu.memref_slice %arg11[%dma_wait3A_358, %dma_wait3A_359] : memref<2x64xi32, #tpu.memory_space<vmem>> -> memref<1x64xi32, #tpu.memory_space<vmem>>
        %dma_wait3A_361 = tpu.memref_squeeze %dma_wait3A_360 : memref<1x64xi32, #tpu.memory_space<vmem>> -> memref<64xi32, #tpu.memory_space<vmem>>
        %dma_wait3A_362 = arith.constant 0 : i32
        %dma_wait3A_363 = arith.constant 0 : i32
        %dma_wait3A_364 = tpu.memref_slice %arg18[%dma_wait3A_362, %dma_wait3A_363] : memref<10240x128xf32, #tpu.memory_space<vmem_shared>> -> memref<10240x128xf32, #tpu.memory_space<vmem_shared>>
        tpu.wait_indirect_dma semaphore(%arg32 : memref<!tpu.dma_semaphore, #tpu.memory_space<semaphore_mem>>) src(%arg15 : memref<64x128xf32, #tpu.memory_space<vmem>>) dst(%dma_wait3A_364 : memref<10240x128xf32, #tpu.memory_space<vmem_shared>>)
        %add3A_365 = arith.constant 7 : i32
        %add3A_366 = arith.addi %add3A_303, %add3A_365 : i32
        %lt3A_367 = arith.constant 160 : i32
        %lt3A_368 = arith.cmpi slt, %add3A_366, %lt3A_367 : i32
        %convert_element_type3A_369 = arith.extui %lt3A_368 : i1 to i32
        %cond3A_370 = arith.constant 0 : i32
        %cond3A_371 = arith.cmpi ne, %convert_element_type3A_369, %cond3A_370 : i32
        scf.if %cond3A_371 {
          %add3A_372 = arith.constant 7 : i32
          %add3A_373 = arith.addi %add3A_303, %add3A_372 : i32
          %dma_start3A_374 = arith.constant 0 : i32
          %dma_start3A_375 = arith.constant 0 : i32
          %dma_start3A_376 = tpu.memref_slice %arg3[%add3A, %add3A_373, %dma_start3A_374, %dma_start3A_375] : memref<32x160x2x64xi32, #tpu.memory_space<hbm>> -> memref<1x1x2x64xi32, #tpu.memory_space<hbm>>
          %dma_start3A_377 = tpu.memref_squeeze %dma_start3A_376 : memref<1x1x2x64xi32, #tpu.memory_space<hbm>> -> memref<2x64xi32, #tpu.memory_space<hbm>>
          %dma_start3A_378 = arith.constant 0 : i32
          %dma_start3A_379 = arith.constant 0 : i32
          %dma_start3A_380 = tpu.memref_slice %arg3[%add3A, %add3A_373, %dma_start3A_378, %dma_start3A_379] : memref<32x160x2x64xi32, #tpu.memory_space<hbm>> -> memref<1x1x2x64xi32, #tpu.memory_space<hbm>>
          %dma_start3A_381 = tpu.memref_squeeze %dma_start3A_380 : memref<1x1x2x64xi32, #tpu.memory_space<hbm>> -> memref<2x64xi32, #tpu.memory_space<hbm>>
          tpu.enqueue_dma source(%dma_start3A_381 : memref<2x64xi32, #tpu.memory_space<hbm>>) target(%arg11 : memref<2x64xi32, #tpu.memory_space<vmem>>) target_semaphore(%arg24 : memref<!tpu.dma_semaphore, #tpu.memory_space<semaphore_mem>>)
        } else {
        }
      } else {
      }
      %add3A_323 = arith.constant 3 : i32
      %add3A_324 = arith.addi %add3A_303, %add3A_323 : i32
      %lt3A_325 = arith.constant 160 : i32
      %lt3A_326 = arith.cmpi slt, %add3A_324, %lt3A_325 : i32
      %convert_element_type3A_327 = arith.extui %lt3A_326 : i1 to i32
      %cond3A_328 = arith.constant 0 : i32
      %cond3A_329 = arith.cmpi ne, %convert_element_type3A_327, %cond3A_328 : i32
      scf.if %cond3A_329 {
        %add3A_358 = arith.constant 3 : i32
        %add3A_359 = arith.addi %add3A_303, %add3A_358 : i32
        %dma_wait3A_360 = arith.constant 0 : i32
        %dma_wait3A_361 = arith.constant 0 : i32
        %dma_wait3A_362 = tpu.memref_slice %arg3[%add3A, %add3A_359, %dma_wait3A_360, %dma_wait3A_361] : memref<32x160x2x64xi32, #tpu.memory_space<hbm>> -> memref<1x1x2x64xi32, #tpu.memory_space<hbm>>
        %dma_wait3A_363 = tpu.memref_squeeze %dma_wait3A_362 : memref<1x1x2x64xi32, #tpu.memory_space<hbm>> -> memref<2x64xi32, #tpu.memory_space<hbm>>
        %dma_wait3A_364 = arith.constant 0 : i32
        %dma_wait3A_365 = arith.constant 0 : i32
        %dma_wait3A_366 = tpu.memref_slice %arg3[%add3A, %add3A_359, %dma_wait3A_364, %dma_wait3A_365] : memref<32x160x2x64xi32, #tpu.memory_space<hbm>> -> memref<1x1x2x64xi32, #tpu.memory_space<hbm>>
        %dma_wait3A_367 = tpu.memref_squeeze %dma_wait3A_366 : memref<1x1x2x64xi32, #tpu.memory_space<hbm>> -> memref<2x64xi32, #tpu.memory_space<hbm>>
        tpu.wait_dma2 semaphore(%arg20 : memref<!tpu.dma_semaphore, #tpu.memory_space<semaphore_mem>>) src(%dma_wait3A_367 : memref<2x64xi32, #tpu.memory_space<hbm>>) dst(%arg7 : memref<2x64xi32, #tpu.memory_space<vmem>>)
        %dma_start3A_368 = arith.constant 0 : i32
        %dma_start3A_369 = arith.constant 0 : i32
        %dma_start3A_370 = tpu.memref_slice %arg7[%dma_start3A_368, %dma_start3A_369] : memref<2x64xi32, #tpu.memory_space<vmem>> -> memref<1x64xi32, #tpu.memory_space<vmem>>
        %dma_start3A_371 = tpu.memref_squeeze %dma_start3A_370 : memref<1x64xi32, #tpu.memory_space<vmem>> -> memref<64xi32, #tpu.memory_space<vmem>>
        %dma_start3A_372 = arith.constant 0 : i32
        %dma_start3A_373 = arith.constant 0 : i32
        %dma_start3A_374 = tpu.memref_slice %arg2[%dma_start3A_372, %dma_start3A_373] : memref<10240x128xf32, #tpu.memory_space<hbm>> -> memref<10240x128xf32, #tpu.memory_space<hbm>>
        tpu.enqueue_indirect_dma source(%dma_start3A_374 : memref<10240x128xf32, #tpu.memory_space<hbm>>) target(%arg15 : memref<64x128xf32, #tpu.memory_space<vmem>>) offsets(%dma_start3A_371 : memref<64xi32, #tpu.memory_space<vmem>>) semaphore(%arg28 : memref<!tpu.dma_semaphore, #tpu.memory_space<semaphore_mem>>)
      } else {
      }
      %add3A_330 = arith.constant 7 : i32
      %add3A_331 = arith.addi %add3A_137, %add3A_330 : i32
      %dma_wait3A_332 = arith.constant 0 : i32
      %dma_wait3A_333 = arith.constant 0 : i32
      %dma_wait3A_334 = tpu.memref_slice %arg13[%dma_wait3A_332, %dma_wait3A_333] : memref<2x64xi32, #tpu.memory_space<vmem>> -> memref<1x64xi32, #tpu.memory_space<vmem>>
      %dma_wait3A_335 = tpu.memref_squeeze %dma_wait3A_334 : memref<1x64xi32, #tpu.memory_space<vmem>> -> memref<64xi32, #tpu.memory_space<vmem>>
      %dma_wait3A_336 = arith.constant 0 : i32
      %dma_wait3A_337 = arith.constant 0 : i32
      %dma_wait3A_338 = tpu.memref_slice %arg2[%dma_wait3A_336, %dma_wait3A_337] : memref<10240x128xf32, #tpu.memory_space<hbm>> -> memref<10240x128xf32, #tpu.memory_space<hbm>>
      tpu.wait_indirect_dma semaphore(%arg30 : memref<!tpu.dma_semaphore, #tpu.memory_space<semaphore_mem>>) src(%dma_wait3A_338 : memref<10240x128xf32, #tpu.memory_space<hbm>>) dst(%arg17 : memref<64x128xf32, #tpu.memory_space<vmem>>)
      %dma_start3A_339 = arith.constant 1 : i32
      %dma_start3A_340 = arith.constant 0 : i32
      %dma_start3A_341 = tpu.memref_slice %arg13[%dma_start3A_339, %dma_start3A_340] : memref<2x64xi32, #tpu.memory_space<vmem>> -> memref<1x64xi32, #tpu.memory_space<vmem>>
      %dma_start3A_342 = tpu.memref_squeeze %dma_start3A_341 : memref<1x64xi32, #tpu.memory_space<vmem>> -> memref<64xi32, #tpu.memory_space<vmem>>
      %dma_start3A_343 = arith.constant 0 : i32
      %dma_start3A_344 = arith.constant 0 : i32
      %dma_start3A_345 = tpu.memref_slice %arg18[%dma_start3A_343, %dma_start3A_344] : memref<10240x128xf32, #tpu.memory_space<vmem_shared>> -> memref<10240x128xf32, #tpu.memory_space<vmem_shared>>
      tpu.enqueue_indirect_dma source(%arg17 : memref<64x128xf32, #tpu.memory_space<vmem>>) target(%dma_start3A_345 : memref<10240x128xf32, #tpu.memory_space<vmem_shared>>) offsets(%dma_start3A_342 : memref<64xi32, #tpu.memory_space<vmem>>) semaphore(%arg34 : memref<!tpu.dma_semaphore, #tpu.memory_space<semaphore_mem>>) {add = true}
      %ge3A_346 = arith.constant 1 : i32
      %ge3A_347 = arith.cmpi sge, %add3A_331, %ge3A_346 : i32
      %convert_element_type3A_348 = arith.extui %ge3A_347 : i1 to i32
      %cond3A_349 = arith.constant 0 : i32
      %cond3A_350 = arith.cmpi ne, %convert_element_type3A_348, %cond3A_349 : i32
      scf.if %cond3A_350 {
        %dma_wait3A_358 = arith.constant 1 : i32
        %dma_wait3A_359 = arith.constant 0 : i32
        %dma_wait3A_360 = tpu.memref_slice %arg12[%dma_wait3A_358, %dma_wait3A_359] : memref<2x64xi32, #tpu.memory_space<vmem>> -> memref<1x64xi32, #tpu.memory_space<vmem>>
        %dma_wait3A_361 = tpu.memref_squeeze %dma_wait3A_360 : memref<1x64xi32, #tpu.memory_space<vmem>> -> memref<64xi32, #tpu.memory_space<vmem>>
        %dma_wait3A_362 = arith.constant 0 : i32
        %dma_wait3A_363 = arith.constant 0 : i32
        %dma_wait3A_364 = tpu.memref_slice %arg18[%dma_wait3A_362, %dma_wait3A_363] : memref<10240x128xf32, #tpu.memory_space<vmem_shared>> -> memref<10240x128xf32, #tpu.memory_space<vmem_shared>>
        tpu.wait_indirect_dma semaphore(%arg33 : memref<!tpu.dma_semaphore, #tpu.memory_space<semaphore_mem>>) src(%arg16 : memref<64x128xf32, #tpu.memory_space<vmem>>) dst(%dma_wait3A_364 : memref<10240x128xf32, #tpu.memory_space<vmem_shared>>)
        %add3A_365 = arith.constant 7 : i32
        %add3A_366 = arith.addi %add3A_331, %add3A_365 : i32
        %lt3A_367 = arith.constant 160 : i32
        %lt3A_368 = arith.cmpi slt, %add3A_366, %lt3A_367 : i32
        %convert_element_type3A_369 = arith.extui %lt3A_368 : i1 to i32
        %cond3A_370 = arith.constant 0 : i32
        %cond3A_371 = arith.cmpi ne, %convert_element_type3A_369, %cond3A_370 : i32
        scf.if %cond3A_371 {
          %add3A_372 = arith.constant 7 : i32
          %add3A_373 = arith.addi %add3A_331, %add3A_372 : i32
          %dma_start3A_374 = arith.constant 0 : i32
          %dma_start3A_375 = arith.constant 0 : i32
          %dma_start3A_376 = tpu.memref_slice %arg3[%add3A, %add3A_373, %dma_start3A_374, %dma_start3A_375] : memref<32x160x2x64xi32, #tpu.memory_space<hbm>> -> memref<1x1x2x64xi32, #tpu.memory_space<hbm>>
          %dma_start3A_377 = tpu.memref_squeeze %dma_start3A_376 : memref<1x1x2x64xi32, #tpu.memory_space<hbm>> -> memref<2x64xi32, #tpu.memory_space<hbm>>
          %dma_start3A_378 = arith.constant 0 : i32
          %dma_start3A_379 = arith.constant 0 : i32
          %dma_start3A_380 = tpu.memref_slice %arg3[%add3A, %add3A_373, %dma_start3A_378, %dma_start3A_379] : memref<32x160x2x64xi32, #tpu.memory_space<hbm>> -> memref<1x1x2x64xi32, #tpu.memory_space<hbm>>
          %dma_start3A_381 = tpu.memref_squeeze %dma_start3A_380 : memref<1x1x2x64xi32, #tpu.memory_space<hbm>> -> memref<2x64xi32, #tpu.memory_space<hbm>>
          tpu.enqueue_dma source(%dma_start3A_381 : memref<2x64xi32, #tpu.memory_space<hbm>>) target(%arg12 : memref<2x64xi32, #tpu.memory_space<vmem>>) target_semaphore(%arg25 : memref<!tpu.dma_semaphore, #tpu.memory_space<semaphore_mem>>)
        } else {
        }
      } else {
      }
      %add3A_351 = arith.constant 3 : i32
      %add3A_352 = arith.addi %add3A_331, %add3A_351 : i32
      %lt3A_353 = arith.constant 160 : i32
      %lt3A_354 = arith.cmpi slt, %add3A_352, %lt3A_353 : i32
      %convert_element_type3A_355 = arith.extui %lt3A_354 : i1 to i32
      %cond3A_356 = arith.constant 0 : i32
      %cond3A_357 = arith.cmpi ne, %convert_element_type3A_355, %cond3A_356 : i32
      scf.if %cond3A_357 {
        %add3A_358 = arith.constant 3 : i32
        %add3A_359 = arith.addi %add3A_331, %add3A_358 : i32
        %dma_wait3A_360 = arith.constant 0 : i32
        %dma_wait3A_361 = arith.constant 0 : i32
        %dma_wait3A_362 = tpu.memref_slice %arg3[%add3A, %add3A_359, %dma_wait3A_360, %dma_wait3A_361] : memref<32x160x2x64xi32, #tpu.memory_space<hbm>> -> memref<1x1x2x64xi32, #tpu.memory_space<hbm>>
        %dma_wait3A_363 = tpu.memref_squeeze %dma_wait3A_362 : memref<1x1x2x64xi32, #tpu.memory_space<hbm>> -> memref<2x64xi32, #tpu.memory_space<hbm>>
        %dma_wait3A_364 = arith.constant 0 : i32
        %dma_wait3A_365 = arith.constant 0 : i32
        %dma_wait3A_366 = tpu.memref_slice %arg3[%add3A, %add3A_359, %dma_wait3A_364, %dma_wait3A_365] : memref<32x160x2x64xi32, #tpu.memory_space<hbm>> -> memref<1x1x2x64xi32, #tpu.memory_space<hbm>>
        %dma_wait3A_367 = tpu.memref_squeeze %dma_wait3A_366 : memref<1x1x2x64xi32, #tpu.memory_space<hbm>> -> memref<2x64xi32, #tpu.memory_space<hbm>>
        tpu.wait_dma2 semaphore(%arg21 : memref<!tpu.dma_semaphore, #tpu.memory_space<semaphore_mem>>) src(%dma_wait3A_367 : memref<2x64xi32, #tpu.memory_space<hbm>>) dst(%arg8 : memref<2x64xi32, #tpu.memory_space<vmem>>)
        %dma_start3A_368 = arith.constant 0 : i32
        %dma_start3A_369 = arith.constant 0 : i32
        %dma_start3A_370 = tpu.memref_slice %arg8[%dma_start3A_368, %dma_start3A_369] : memref<2x64xi32, #tpu.memory_space<vmem>> -> memref<1x64xi32, #tpu.memory_space<vmem>>
        %dma_start3A_371 = tpu.memref_squeeze %dma_start3A_370 : memref<1x64xi32, #tpu.memory_space<vmem>> -> memref<64xi32, #tpu.memory_space<vmem>>
        %dma_start3A_372 = arith.constant 0 : i32
        %dma_start3A_373 = arith.constant 0 : i32
        %dma_start3A_374 = tpu.memref_slice %arg2[%dma_start3A_372, %dma_start3A_373] : memref<10240x128xf32, #tpu.memory_space<hbm>> -> memref<10240x128xf32, #tpu.memory_space<hbm>>
        tpu.enqueue_indirect_dma source(%dma_start3A_374 : memref<10240x128xf32, #tpu.memory_space<hbm>>) target(%arg16 : memref<64x128xf32, #tpu.memory_space<vmem>>) offsets(%dma_start3A_371 : memref<64xi32, #tpu.memory_space<vmem>>) semaphore(%arg29 : memref<!tpu.dma_semaphore, #tpu.memory_space<semaphore_mem>>)
      } else {
      }
    }
    %scan3A_124 = arith.constant 20 : i32
    %dma_wait3A_125 = arith.constant 1 : i32
    %dma_wait3A_126 = arith.constant 0 : i32
    %dma_wait3A_127 = tpu.memref_slice %arg13[%dma_wait3A_125, %dma_wait3A_126] : memref<2x64xi32, #tpu.memory_space<vmem>> -> memref<1x64xi32, #tpu.memory_space<vmem>>
    %dma_wait3A_128 = tpu.memref_squeeze %dma_wait3A_127 : memref<1x64xi32, #tpu.memory_space<vmem>> -> memref<64xi32, #tpu.memory_space<vmem>>
    %dma_wait3A_129 = arith.constant 0 : i32
    %dma_wait3A_130 = arith.constant 0 : i32
    %dma_wait3A_131 = tpu.memref_slice %arg18[%dma_wait3A_129, %dma_wait3A_130] : memref<10240x128xf32, #tpu.memory_space<vmem_shared>> -> memref<10240x128xf32, #tpu.memory_space<vmem_shared>>
    tpu.wait_indirect_dma semaphore(%arg34 : memref<!tpu.dma_semaphore, #tpu.memory_space<semaphore_mem>>) src(%arg17 : memref<64x128xf32, #tpu.memory_space<vmem>>) dst(%dma_wait3A_131 : memref<10240x128xf32, #tpu.memory_space<vmem_shared>>)
    %barrier3A_132 = arith.constant 0 : index
    tpu.barrier barrier_id(%barrier3A_132)
    "tpu.region"() ({
      %run_scoped3A = tpu.sem_alloc : memref<!tpu.dma_semaphore, #tpu.memory_space<semaphore_mem>>
      %dma_start3A_133 = arith.constant 0 : i32
      %dma_start3A_134 = tpu.memref_slice %arg5[%arg0, %mul3A_2, %dma_start3A_133] : memref<2x10240x128xf32, #tpu.memory_space<hbm>> -> memref<1x640x128xf32, #tpu.memory_space<hbm>>
      %dma_start3A_135 = tpu.memref_squeeze %dma_start3A_134 : memref<1x640x128xf32, #tpu.memory_space<hbm>> -> memref<640x128xf32, #tpu.memory_space<hbm>>
      %dma_start3A_136 = arith.constant 0 : i32
      %dma_start3A_137 = tpu.memref_slice %arg18[%mul3A_2, %dma_start3A_136] : memref<10240x128xf32, #tpu.memory_space<vmem_shared>> -> memref<640x128xf32, #tpu.memory_space<vmem_shared>>
      tpu.enqueue_dma source(%dma_start3A_137 : memref<640x128xf32, #tpu.memory_space<vmem_shared>>) target(%dma_start3A_135 : memref<640x128xf32, #tpu.memory_space<hbm>>) target_semaphore(%run_scoped3A : memref<!tpu.dma_semaphore, #tpu.memory_space<semaphore_mem>>)
      %dma_wait3A_138 = arith.constant 0 : i32
      %dma_wait3A_139 = tpu.memref_slice %arg5[%arg0, %mul3A_2, %dma_wait3A_138] : memref<2x10240x128xf32, #tpu.memory_space<hbm>> -> memref<1x640x128xf32, #tpu.memory_space<hbm>>
      %dma_wait3A_140 = tpu.memref_squeeze %dma_wait3A_139 : memref<1x640x128xf32, #tpu.memory_space<hbm>> -> memref<640x128xf32, #tpu.memory_space<hbm>>
      %dma_wait3A_141 = arith.constant 0 : i32
      %dma_wait3A_142 = tpu.memref_slice %arg18[%mul3A_2, %dma_wait3A_141] : memref<10240x128xf32, #tpu.memory_space<vmem_shared>> -> memref<640x128xf32, #tpu.memory_space<vmem_shared>>
      tpu.wait_dma2 semaphore(%run_scoped3A : memref<!tpu.dma_semaphore, #tpu.memory_space<semaphore_mem>>) src(%dma_wait3A_142 : memref<640x128xf32, #tpu.memory_space<vmem_shared>>) dst(%dma_wait3A_140 : memref<640x128xf32, #tpu.memory_space<hbm>>)
      tpu.yield
    }) : () -> ()
    return
  }
}

#map = affine_map<(d0, d1) -> (0, 0)>
#map1 = affine_map<(d0, d1) -> (0, 0, 0, 0)>
#map2 = affine_map<(d0, d1) -> (0, 0, 0)>
module attributes {stable_mosaic.version = 14 : i64} {
  func.func @_edge_body(%arg0: i32, %arg1: i32, %arg2: memref<10240x128xf32, #tpu.memory_space<hbm>>, %arg3: memref<32x160x2x64xi32, #tpu.memory_space<hbm>>, %arg4: memref<10240x128xf32, #tpu.memory_space<hbm>>, %arg5: memref<2x10240x128xf32, #tpu.memory_space<hbm>>, %arg6: memref<2x64xi32, #tpu.memory_space<vmem>>, %arg7: memref<2x64xi32, #tpu.memory_space<vmem>>, %arg8: memref<2x64xi32, #tpu.memory_space<vmem>>, %arg9: memref<2x64xi32, #tpu.memory_space<vmem>>, %arg10: memref<2x64xi32, #tpu.memory_space<vmem>>, %arg11: memref<2x64xi32, #tpu.memory_space<vmem>>, %arg12: memref<2x64xi32, #tpu.memory_space<vmem>>, %arg13: memref<2x64xi32, #tpu.memory_space<vmem>>, %arg14: memref<64x128xf32, #tpu.memory_space<vmem>>, %arg15: memref<64x128xf32, #tpu.memory_space<vmem>>, %arg16: memref<64x128xf32, #tpu.memory_space<vmem>>, %arg17: memref<64x128xf32, #tpu.memory_space<vmem>>, %arg18: memref<10240x128xf32, #tpu.memory_space<vmem_shared>>, %arg19: memref<!tpu.dma_semaphore, #tpu.memory_space<semaphore_mem>>, %arg20: memref<!tpu.dma_semaphore, #tpu.memory_space<semaphore_mem>>, %arg21: memref<!tpu.dma_semaphore, #tpu.memory_space<semaphore_mem>>, %arg22: memref<!tpu.dma_semaphore, #tpu.memory_space<semaphore_mem>>, %arg23: memref<!tpu.dma_semaphore, #tpu.memory_space<semaphore_mem>>, %arg24: memref<!tpu.dma_semaphore, #tpu.memory_space<semaphore_mem>>, %arg25: memref<!tpu.dma_semaphore, #tpu.memory_space<semaphore_mem>>, %arg26: memref<!tpu.dma_semaphore, #tpu.memory_space<semaphore_mem>>, %arg27: memref<!tpu.dma_semaphore, #tpu.memory_space<semaphore_mem>>, %arg28: memref<!tpu.dma_semaphore, #tpu.memory_space<semaphore_mem>>, %arg29: memref<!tpu.dma_semaphore, #tpu.memory_space<semaphore_mem>>, %arg30: memref<!tpu.dma_semaphore, #tpu.memory_space<semaphore_mem>>, %arg31: memref<!tpu.dma_semaphore, #tpu.memory_space<semaphore_mem>>, %arg32: memref<!tpu.dma_semaphore, #tpu.memory_space<semaphore_mem>>, %arg33: memref<!tpu.dma_semaphore, #tpu.memory_space<semaphore_mem>>, %arg34: memref<!tpu.dma_semaphore, #tpu.memory_space<semaphore_mem>>) attributes {dimension_semantics = [#tpu.dimension_semantics<core_parallel>, #tpu.dimension_semantics<subcore_parallel>], iteration_bounds = array<i64: 2, 16>, scalar_prefetch = 0 : i64, scratch_operands = 29 : i64, tpu.core_type = #tpu.core_type<sc_vector_subcore>, window_params = [{transform_indices = #map}, {transform_indices = #map1}, {transform_indices = #map}, {transform_indices = #map2}]} {
    %mul3A = arith.constant 16 : i32
    %mul3A_0 = arith.muli %arg0, %mul3A : i32
    %add3A = arith.addi %mul3A_0, %arg1 : i32
    %mul3A_1 = arith.constant 640 : i32
    %mul3A_2 = arith.muli %arg1, %mul3A_1 : i32
    "tpu.region"() ({
      %run_scoped3A = tpu.sem_alloc : memref<!tpu.dma_semaphore, #tpu.memory_space<semaphore_mem>>
      %dma_start3A_133 = arith.constant 0 : i32
      %dma_start3A_134 = tpu.memref_slice %arg18[%mul3A_2, %dma_start3A_133] : memref<10240x128xf32, #tpu.memory_space<vmem_shared>> -> memref<640x128xf32, #tpu.memory_space<vmem_shared>>
      %dma_start3A_135 = arith.constant 0 : i32
      %dma_start3A_136 = tpu.memref_slice %arg4[%mul3A_2, %dma_start3A_135] : memref<10240x128xf32, #tpu.memory_space<hbm>> -> memref<640x128xf32, #tpu.memory_space<hbm>>
      tpu.enqueue_dma source(%dma_start3A_136 : memref<640x128xf32, #tpu.memory_space<hbm>>) target(%dma_start3A_134 : memref<640x128xf32, #tpu.memory_space<vmem_shared>>) target_semaphore(%run_scoped3A : memref<!tpu.dma_semaphore, #tpu.memory_space<semaphore_mem>>)
      %dma_wait3A_137 = arith.constant 0 : i32
      %dma_wait3A_138 = tpu.memref_slice %arg18[%mul3A_2, %dma_wait3A_137] : memref<10240x128xf32, #tpu.memory_space<vmem_shared>> -> memref<640x128xf32, #tpu.memory_space<vmem_shared>>
      %dma_wait3A_139 = arith.constant 0 : i32
      %dma_wait3A_140 = tpu.memref_slice %arg4[%mul3A_2, %dma_wait3A_139] : memref<10240x128xf32, #tpu.memory_space<hbm>> -> memref<640x128xf32, #tpu.memory_space<hbm>>
      tpu.wait_dma2 semaphore(%run_scoped3A : memref<!tpu.dma_semaphore, #tpu.memory_space<semaphore_mem>>) src(%dma_wait3A_140 : memref<640x128xf32, #tpu.memory_space<hbm>>) dst(%dma_wait3A_138 : memref<640x128xf32, #tpu.memory_space<vmem_shared>>)
      tpu.yield
    }) : () -> ()
    %dma_start3A = arith.constant 0 : i32
    %dma_start3A_3 = arith.constant 0 : i32
    %dma_start3A_4 = arith.constant 0 : i32
    %dma_start3A_5 = tpu.memref_slice %arg3[%add3A, %dma_start3A, %dma_start3A_3, %dma_start3A_4] : memref<32x160x2x64xi32, #tpu.memory_space<hbm>> -> memref<1x1x2x64xi32, #tpu.memory_space<hbm>>
    %dma_start3A_6 = tpu.memref_squeeze %dma_start3A_5 : memref<1x1x2x64xi32, #tpu.memory_space<hbm>> -> memref<2x64xi32, #tpu.memory_space<hbm>>
    %dma_start3A_7 = arith.constant 0 : i32
    %dma_start3A_8 = arith.constant 0 : i32
    %dma_start3A_9 = tpu.memref_slice %arg3[%add3A, %dma_start3A, %dma_start3A_7, %dma_start3A_8] : memref<32x160x2x64xi32, #tpu.memory_space<hbm>> -> memref<1x1x2x64xi32, #tpu.memory_space<hbm>>
    %dma_start3A_10 = tpu.memref_squeeze %dma_start3A_9 : memref<1x1x2x64xi32, #tpu.memory_space<hbm>> -> memref<2x64xi32, #tpu.memory_space<hbm>>
    tpu.enqueue_dma source(%dma_start3A_10 : memref<2x64xi32, #tpu.memory_space<hbm>>) target(%arg6 : memref<2x64xi32, #tpu.memory_space<vmem>>) target_semaphore(%arg19 : memref<!tpu.dma_semaphore, #tpu.memory_space<semaphore_mem>>)
    %dma_start3A_11 = arith.constant 1 : i32
    %dma_start3A_12 = arith.constant 0 : i32
    %dma_start3A_13 = arith.constant 0 : i32
    %dma_start3A_14 = tpu.memref_slice %arg3[%add3A, %dma_start3A_11, %dma_start3A_12, %dma_start3A_13] : memref<32x160x2x64xi32, #tpu.memory_space<hbm>> -> memref<1x1x2x64xi32, #tpu.memory_space<hbm>>
    %dma_start3A_15 = tpu.memref_squeeze %dma_start3A_14 : memref<1x1x2x64xi32, #tpu.memory_space<hbm>> -> memref<2x64xi32, #tpu.memory_space<hbm>>
    %dma_start3A_16 = arith.constant 0 : i32
    %dma_start3A_17 = arith.constant 0 : i32
    %dma_start3A_18 = tpu.memref_slice %arg3[%add3A, %dma_start3A_11, %dma_start3A_16, %dma_start3A_17] : memref<32x160x2x64xi32, #tpu.memory_space<hbm>> -> memref<1x1x2x64xi32, #tpu.memory_space<hbm>>
    %dma_start3A_19 = tpu.memref_squeeze %dma_start3A_18 : memref<1x1x2x64xi32, #tpu.memory_space<hbm>> -> memref<2x64xi32, #tpu.memory_space<hbm>>
    tpu.enqueue_dma source(%dma_start3A_19 : memref<2x64xi32, #tpu.memory_space<hbm>>) target(%arg7 : memref<2x64xi32, #tpu.memory_space<vmem>>) target_semaphore(%arg20 : memref<!tpu.dma_semaphore, #tpu.memory_space<semaphore_mem>>)
    %dma_start3A_20 = arith.constant 2 : i32
    %dma_start3A_21 = arith.constant 0 : i32
    %dma_start3A_22 = arith.constant 0 : i32
    %dma_start3A_23 = tpu.memref_slice %arg3[%add3A, %dma_start3A_20, %dma_start3A_21, %dma_start3A_22] : memref<32x160x2x64xi32, #tpu.memory_space<hbm>> -> memref<1x1x2x64xi32, #tpu.memory_space<hbm>>
    %dma_start3A_24 = tpu.memref_squeeze %dma_start3A_23 : memref<1x1x2x64xi32, #tpu.memory_space<hbm>> -> memref<2x64xi32, #tpu.memory_space<hbm>>
    %dma_start3A_25 = arith.constant 0 : i32
    %dma_start3A_26 = arith.constant 0 : i32
    %dma_start3A_27 = tpu.memref_slice %arg3[%add3A, %dma_start3A_20, %dma_start3A_25, %dma_start3A_26] : memref<32x160x2x64xi32, #tpu.memory_space<hbm>> -> memref<1x1x2x64xi32, #tpu.memory_space<hbm>>
    %dma_start3A_28 = tpu.memref_squeeze %dma_start3A_27 : memref<1x1x2x64xi32, #tpu.memory_space<hbm>> -> memref<2x64xi32, #tpu.memory_space<hbm>>
    tpu.enqueue_dma source(%dma_start3A_28 : memref<2x64xi32, #tpu.memory_space<hbm>>) target(%arg8 : memref<2x64xi32, #tpu.memory_space<vmem>>) target_semaphore(%arg21 : memref<!tpu.dma_semaphore, #tpu.memory_space<semaphore_mem>>)
    %dma_start3A_29 = arith.constant 3 : i32
    %dma_start3A_30 = arith.constant 0 : i32
    %dma_start3A_31 = arith.constant 0 : i32
    %dma_start3A_32 = tpu.memref_slice %arg3[%add3A, %dma_start3A_29, %dma_start3A_30, %dma_start3A_31] : memref<32x160x2x64xi32, #tpu.memory_space<hbm>> -> memref<1x1x2x64xi32, #tpu.memory_space<hbm>>
    %dma_start3A_33 = tpu.memref_squeeze %dma_start3A_32 : memref<1x1x2x64xi32, #tpu.memory_space<hbm>> -> memref<2x64xi32, #tpu.memory_space<hbm>>
    %dma_start3A_34 = arith.constant 0 : i32
    %dma_start3A_35 = arith.constant 0 : i32
    %dma_start3A_36 = tpu.memref_slice %arg3[%add3A, %dma_start3A_29, %dma_start3A_34, %dma_start3A_35] : memref<32x160x2x64xi32, #tpu.memory_space<hbm>> -> memref<1x1x2x64xi32, #tpu.memory_space<hbm>>
    %dma_start3A_37 = tpu.memref_squeeze %dma_start3A_36 : memref<1x1x2x64xi32, #tpu.memory_space<hbm>> -> memref<2x64xi32, #tpu.memory_space<hbm>>
    tpu.enqueue_dma source(%dma_start3A_37 : memref<2x64xi32, #tpu.memory_space<hbm>>) target(%arg9 : memref<2x64xi32, #tpu.memory_space<vmem>>) target_semaphore(%arg22 : memref<!tpu.dma_semaphore, #tpu.memory_space<semaphore_mem>>)
    %dma_start3A_38 = arith.constant 4 : i32
    %dma_start3A_39 = arith.constant 0 : i32
    %dma_start3A_40 = arith.constant 0 : i32
    %dma_start3A_41 = tpu.memref_slice %arg3[%add3A, %dma_start3A_38, %dma_start3A_39, %dma_start3A_40] : memref<32x160x2x64xi32, #tpu.memory_space<hbm>> -> memref<1x1x2x64xi32, #tpu.memory_space<hbm>>
    %dma_start3A_42 = tpu.memref_squeeze %dma_start3A_41 : memref<1x1x2x64xi32, #tpu.memory_space<hbm>> -> memref<2x64xi32, #tpu.memory_space<hbm>>
    %dma_start3A_43 = arith.constant 0 : i32
    %dma_start3A_44 = arith.constant 0 : i32
    %dma_start3A_45 = tpu.memref_slice %arg3[%add3A, %dma_start3A_38, %dma_start3A_43, %dma_start3A_44] : memref<32x160x2x64xi32, #tpu.memory_space<hbm>> -> memref<1x1x2x64xi32, #tpu.memory_space<hbm>>
    %dma_start3A_46 = tpu.memref_squeeze %dma_start3A_45 : memref<1x1x2x64xi32, #tpu.memory_space<hbm>> -> memref<2x64xi32, #tpu.memory_space<hbm>>
    tpu.enqueue_dma source(%dma_start3A_46 : memref<2x64xi32, #tpu.memory_space<hbm>>) target(%arg10 : memref<2x64xi32, #tpu.memory_space<vmem>>) target_semaphore(%arg23 : memref<!tpu.dma_semaphore, #tpu.memory_space<semaphore_mem>>)
    %dma_start3A_47 = arith.constant 5 : i32
    %dma_start3A_48 = arith.constant 0 : i32
    %dma_start3A_49 = arith.constant 0 : i32
    %dma_start3A_50 = tpu.memref_slice %arg3[%add3A, %dma_start3A_47, %dma_start3A_48, %dma_start3A_49] : memref<32x160x2x64xi32, #tpu.memory_space<hbm>> -> memref<1x1x2x64xi32, #tpu.memory_space<hbm>>
    %dma_start3A_51 = tpu.memref_squeeze %dma_start3A_50 : memref<1x1x2x64xi32, #tpu.memory_space<hbm>> -> memref<2x64xi32, #tpu.memory_space<hbm>>
    %dma_start3A_52 = arith.constant 0 : i32
    %dma_start3A_53 = arith.constant 0 : i32
    %dma_start3A_54 = tpu.memref_slice %arg3[%add3A, %dma_start3A_47, %dma_start3A_52, %dma_start3A_53] : memref<32x160x2x64xi32, #tpu.memory_space<hbm>> -> memref<1x1x2x64xi32, #tpu.memory_space<hbm>>
    %dma_start3A_55 = tpu.memref_squeeze %dma_start3A_54 : memref<1x1x2x64xi32, #tpu.memory_space<hbm>> -> memref<2x64xi32, #tpu.memory_space<hbm>>
    tpu.enqueue_dma source(%dma_start3A_55 : memref<2x64xi32, #tpu.memory_space<hbm>>) target(%arg11 : memref<2x64xi32, #tpu.memory_space<vmem>>) target_semaphore(%arg24 : memref<!tpu.dma_semaphore, #tpu.memory_space<semaphore_mem>>)
    %dma_start3A_56 = arith.constant 6 : i32
    %dma_start3A_57 = arith.constant 0 : i32
    %dma_start3A_58 = arith.constant 0 : i32
    %dma_start3A_59 = tpu.memref_slice %arg3[%add3A, %dma_start3A_56, %dma_start3A_57, %dma_start3A_58] : memref<32x160x2x64xi32, #tpu.memory_space<hbm>> -> memref<1x1x2x64xi32, #tpu.memory_space<hbm>>
    %dma_start3A_60 = tpu.memref_squeeze %dma_start3A_59 : memref<1x1x2x64xi32, #tpu.memory_space<hbm>> -> memref<2x64xi32, #tpu.memory_space<hbm>>
    %dma_start3A_61 = arith.constant 0 : i32
    %dma_start3A_62 = arith.constant 0 : i32
    %dma_start3A_63 = tpu.memref_slice %arg3[%add3A, %dma_start3A_56, %dma_start3A_61, %dma_start3A_62] : memref<32x160x2x64xi32, #tpu.memory_space<hbm>> -> memref<1x1x2x64xi32, #tpu.memory_space<hbm>>
    %dma_start3A_64 = tpu.memref_squeeze %dma_start3A_63 : memref<1x1x2x64xi32, #tpu.memory_space<hbm>> -> memref<2x64xi32, #tpu.memory_space<hbm>>
    tpu.enqueue_dma source(%dma_start3A_64 : memref<2x64xi32, #tpu.memory_space<hbm>>) target(%arg12 : memref<2x64xi32, #tpu.memory_space<vmem>>) target_semaphore(%arg25 : memref<!tpu.dma_semaphore, #tpu.memory_space<semaphore_mem>>)
    %dma_start3A_65 = arith.constant 7 : i32
    %dma_start3A_66 = arith.constant 0 : i32
    %dma_start3A_67 = arith.constant 0 : i32
    %dma_start3A_68 = tpu.memref_slice %arg3[%add3A, %dma_start3A_65, %dma_start3A_66, %dma_start3A_67] : memref<32x160x2x64xi32, #tpu.memory_space<hbm>> -> memref<1x1x2x64xi32, #tpu.memory_space<hbm>>
    %dma_start3A_69 = tpu.memref_squeeze %dma_start3A_68 : memref<1x1x2x64xi32, #tpu.memory_space<hbm>> -> memref<2x64xi32, #tpu.memory_space<hbm>>
    %dma_start3A_70 = arith.constant 0 : i32
    %dma_start3A_71 = arith.constant 0 : i32
    %dma_start3A_72 = tpu.memref_slice %arg3[%add3A, %dma_start3A_65, %dma_start3A_70, %dma_start3A_71] : memref<32x160x2x64xi32, #tpu.memory_space<hbm>> -> memref<1x1x2x64xi32, #tpu.memory_space<hbm>>
    %dma_start3A_73 = tpu.memref_squeeze %dma_start3A_72 : memref<1x1x2x64xi32, #tpu.memory_space<hbm>> -> memref<2x64xi32, #tpu.memory_space<hbm>>
    tpu.enqueue_dma source(%dma_start3A_73 : memref<2x64xi32, #tpu.memory_space<hbm>>) target(%arg13 : memref<2x64xi32, #tpu.memory_space<vmem>>) target_semaphore(%arg26 : memref<!tpu.dma_semaphore, #tpu.memory_space<semaphore_mem>>)
    %barrier3A = arith.constant 0 : index
    tpu.barrier barrier_id(%barrier3A)
    %dma_wait3A = arith.constant 0 : i32
    %dma_wait3A_74 = arith.constant 0 : i32
    %dma_wait3A_75 = arith.constant 0 : i32
    %dma_wait3A_76 = tpu.memref_slice %arg3[%add3A, %dma_wait3A, %dma_wait3A_74, %dma_wait3A_75] : memref<32x160x2x64xi32, #tpu.memory_space<hbm>> -> memref<1x1x2x64xi32, #tpu.memory_space<hbm>>
    %dma_wait3A_77 = tpu.memref_squeeze %dma_wait3A_76 : memref<1x1x2x64xi32, #tpu.memory_space<hbm>> -> memref<2x64xi32, #tpu.memory_space<hbm>>
    %dma_wait3A_78 = arith.constant 0 : i32
    %dma_wait3A_79 = arith.constant 0 : i32
    %dma_wait3A_80 = tpu.memref_slice %arg3[%add3A, %dma_wait3A, %dma_wait3A_78, %dma_wait3A_79] : memref<32x160x2x64xi32, #tpu.memory_space<hbm>> -> memref<1x1x2x64xi32, #tpu.memory_space<hbm>>
    %dma_wait3A_81 = tpu.memref_squeeze %dma_wait3A_80 : memref<1x1x2x64xi32, #tpu.memory_space<hbm>> -> memref<2x64xi32, #tpu.memory_space<hbm>>
    tpu.wait_dma2 semaphore(%arg19 : memref<!tpu.dma_semaphore, #tpu.memory_space<semaphore_mem>>) src(%dma_wait3A_81 : memref<2x64xi32, #tpu.memory_space<hbm>>) dst(%arg6 : memref<2x64xi32, #tpu.memory_space<vmem>>)
    %dma_start3A_82 = arith.constant 0 : i32
    %dma_start3A_83 = arith.constant 0 : i32
    %dma_start3A_84 = tpu.memref_slice %arg6[%dma_start3A_82, %dma_start3A_83] : memref<2x64xi32, #tpu.memory_space<vmem>> -> memref<1x64xi32, #tpu.memory_space<vmem>>
    %dma_start3A_85 = tpu.memref_squeeze %dma_start3A_84 : memref<1x64xi32, #tpu.memory_space<vmem>> -> memref<64xi32, #tpu.memory_space<vmem>>
    %dma_start3A_86 = arith.constant 0 : i32
    %dma_start3A_87 = arith.constant 0 : i32
    %dma_start3A_88 = tpu.memref_slice %arg2[%dma_start3A_86, %dma_start3A_87] : memref<10240x128xf32, #tpu.memory_space<hbm>> -> memref<10240x128xf32, #tpu.memory_space<hbm>>
    tpu.enqueue_indirect_dma source(%dma_start3A_88 : memref<10240x128xf32, #tpu.memory_space<hbm>>) target(%arg14 : memref<64x128xf32, #tpu.memory_space<vmem>>) offsets(%dma_start3A_85 : memref<64xi32, #tpu.memory_space<vmem>>) semaphore(%arg27 : memref<!tpu.dma_semaphore, #tpu.memory_space<semaphore_mem>>)
    %dma_wait3A_89 = arith.constant 1 : i32
    %dma_wait3A_90 = arith.constant 0 : i32
    %dma_wait3A_91 = arith.constant 0 : i32
    %dma_wait3A_92 = tpu.memref_slice %arg3[%add3A, %dma_wait3A_89, %dma_wait3A_90, %dma_wait3A_91] : memref<32x160x2x64xi32, #tpu.memory_space<hbm>> -> memref<1x1x2x64xi32, #tpu.memory_space<hbm>>
    %dma_wait3A_93 = tpu.memref_squeeze %dma_wait3A_92 : memref<1x1x2x64xi32, #tpu.memory_space<hbm>> -> memref<2x64xi32, #tpu.memory_space<hbm>>
    %dma_wait3A_94 = arith.constant 0 : i32
    %dma_wait3A_95 = arith.constant 0 : i32
    %dma_wait3A_96 = tpu.memref_slice %arg3[%add3A, %dma_wait3A_89, %dma_wait3A_94, %dma_wait3A_95] : memref<32x160x2x64xi32, #tpu.memory_space<hbm>> -> memref<1x1x2x64xi32, #tpu.memory_space<hbm>>
    %dma_wait3A_97 = tpu.memref_squeeze %dma_wait3A_96 : memref<1x1x2x64xi32, #tpu.memory_space<hbm>> -> memref<2x64xi32, #tpu.memory_space<hbm>>
    tpu.wait_dma2 semaphore(%arg20 : memref<!tpu.dma_semaphore, #tpu.memory_space<semaphore_mem>>) src(%dma_wait3A_97 : memref<2x64xi32, #tpu.memory_space<hbm>>) dst(%arg7 : memref<2x64xi32, #tpu.memory_space<vmem>>)
    %dma_start3A_98 = arith.constant 0 : i32
    %dma_start3A_99 = arith.constant 0 : i32
    %dma_start3A_100 = tpu.memref_slice %arg7[%dma_start3A_98, %dma_start3A_99] : memref<2x64xi32, #tpu.memory_space<vmem>> -> memref<1x64xi32, #tpu.memory_space<vmem>>
    %dma_start3A_101 = tpu.memref_squeeze %dma_start3A_100 : memref<1x64xi32, #tpu.memory_space<vmem>> -> memref<64xi32, #tpu.memory_space<vmem>>
    %dma_start3A_102 = arith.constant 0 : i32
    %dma_start3A_103 = arith.constant 0 : i32
    %dma_start3A_104 = tpu.memref_slice %arg2[%dma_start3A_102, %dma_start3A_103] : memref<10240x128xf32, #tpu.memory_space<hbm>> -> memref<10240x128xf32, #tpu.memory_space<hbm>>
    tpu.enqueue_indirect_dma source(%dma_start3A_104 : memref<10240x128xf32, #tpu.memory_space<hbm>>) target(%arg15 : memref<64x128xf32, #tpu.memory_space<vmem>>) offsets(%dma_start3A_101 : memref<64xi32, #tpu.memory_space<vmem>>) semaphore(%arg28 : memref<!tpu.dma_semaphore, #tpu.memory_space<semaphore_mem>>)
    %dma_wait3A_105 = arith.constant 2 : i32
    %dma_wait3A_106 = arith.constant 0 : i32
    %dma_wait3A_107 = arith.constant 0 : i32
    %dma_wait3A_108 = tpu.memref_slice %arg3[%add3A, %dma_wait3A_105, %dma_wait3A_106, %dma_wait3A_107] : memref<32x160x2x64xi32, #tpu.memory_space<hbm>> -> memref<1x1x2x64xi32, #tpu.memory_space<hbm>>
    %dma_wait3A_109 = tpu.memref_squeeze %dma_wait3A_108 : memref<1x1x2x64xi32, #tpu.memory_space<hbm>> -> memref<2x64xi32, #tpu.memory_space<hbm>>
    %dma_wait3A_110 = arith.constant 0 : i32
    %dma_wait3A_111 = arith.constant 0 : i32
    %dma_wait3A_112 = tpu.memref_slice %arg3[%add3A, %dma_wait3A_105, %dma_wait3A_110, %dma_wait3A_111] : memref<32x160x2x64xi32, #tpu.memory_space<hbm>> -> memref<1x1x2x64xi32, #tpu.memory_space<hbm>>
    %dma_wait3A_113 = tpu.memref_squeeze %dma_wait3A_112 : memref<1x1x2x64xi32, #tpu.memory_space<hbm>> -> memref<2x64xi32, #tpu.memory_space<hbm>>
    tpu.wait_dma2 semaphore(%arg21 : memref<!tpu.dma_semaphore, #tpu.memory_space<semaphore_mem>>) src(%dma_wait3A_113 : memref<2x64xi32, #tpu.memory_space<hbm>>) dst(%arg8 : memref<2x64xi32, #tpu.memory_space<vmem>>)
    %dma_start3A_114 = arith.constant 0 : i32
    %dma_start3A_115 = arith.constant 0 : i32
    %dma_start3A_116 = tpu.memref_slice %arg8[%dma_start3A_114, %dma_start3A_115] : memref<2x64xi32, #tpu.memory_space<vmem>> -> memref<1x64xi32, #tpu.memory_space<vmem>>
    %dma_start3A_117 = tpu.memref_squeeze %dma_start3A_116 : memref<1x64xi32, #tpu.memory_space<vmem>> -> memref<64xi32, #tpu.memory_space<vmem>>
    %dma_start3A_118 = arith.constant 0 : i32
    %dma_start3A_119 = arith.constant 0 : i32
    %dma_start3A_120 = tpu.memref_slice %arg2[%dma_start3A_118, %dma_start3A_119] : memref<10240x128xf32, #tpu.memory_space<hbm>> -> memref<10240x128xf32, #tpu.memory_space<hbm>>
    tpu.enqueue_indirect_dma source(%dma_start3A_120 : memref<10240x128xf32, #tpu.memory_space<hbm>>) target(%arg16 : memref<64x128xf32, #tpu.memory_space<vmem>>) offsets(%dma_start3A_117 : memref<64xi32, #tpu.memory_space<vmem>>) semaphore(%arg29 : memref<!tpu.dma_semaphore, #tpu.memory_space<semaphore_mem>>)
    %scan3A = arith.constant 0 : i32
    %scan3A_121 = arith.constant 20 : i32
    %scan3A_122 = arith.addi %scan3A, %scan3A_121 : i32
    %scan3A_123 = arith.constant 1 : i32
    scf.for %scan3A_133 = %scan3A to %scan3A_122 step %scan3A_123  : i32 {
      %mul3A_134 = arith.constant 8 : i32
      %mul3A_135 = arith.muli %scan3A_133, %mul3A_134 : i32
      %add3A_136 = arith.constant 0 : i32
      %add3A_137 = arith.addi %add3A_136, %mul3A_135 : i32
      %add3A_138 = arith.constant 0 : i32
      %add3A_139 = arith.addi %add3A_137, %add3A_138 : i32
      %dma_wait3A_140 = arith.constant 0 : i32
      %dma_wait3A_141 = arith.constant 0 : i32
      %dma_wait3A_142 = tpu.memref_slice %arg6[%dma_wait3A_140, %dma_wait3A_141] : memref<2x64xi32, #tpu.memory_space<vmem>> -> memref<1x64xi32, #tpu.memory_space<vmem>>
      %dma_wait3A_143 = tpu.memref_squeeze %dma_wait3A_142 : memref<1x64xi32, #tpu.memory_space<vmem>> -> memref<64xi32, #tpu.memory_space<vmem>>
      %dma_wait3A_144 = arith.constant 0 : i32
      %dma_wait3A_145 = arith.constant 0 : i32
      %dma_wait3A_146 = tpu.memref_slice %arg2[%dma_wait3A_144, %dma_wait3A_145] : memref<10240x128xf32, #tpu.memory_space<hbm>> -> memref<10240x128xf32, #tpu.memory_space<hbm>>
      tpu.wait_indirect_dma semaphore(%arg27 : memref<!tpu.dma_semaphore, #tpu.memory_space<semaphore_mem>>) src(%dma_wait3A_146 : memref<10240x128xf32, #tpu.memory_space<hbm>>) dst(%arg14 : memref<64x128xf32, #tpu.memory_space<vmem>>)
      %dma_start3A_147 = arith.constant 1 : i32
      %dma_start3A_148 = arith.constant 0 : i32
      %dma_start3A_149 = tpu.memref_slice %arg6[%dma_start3A_147, %dma_start3A_148] : memref<2x64xi32, #tpu.memory_space<vmem>> -> memref<1x64xi32, #tpu.memory_space<vmem>>
      %dma_start3A_150 = tpu.memref_squeeze %dma_start3A_149 : memref<1x64xi32, #tpu.memory_space<vmem>> -> memref<64xi32, #tpu.memory_space<vmem>>
      %dma_start3A_151 = arith.constant 0 : i32
      %dma_start3A_152 = arith.constant 0 : i32
      %dma_start3A_153 = tpu.memref_slice %arg18[%dma_start3A_151, %dma_start3A_152] : memref<10240x128xf32, #tpu.memory_space<vmem_shared>> -> memref<10240x128xf32, #tpu.memory_space<vmem_shared>>
      tpu.enqueue_indirect_dma source(%arg14 : memref<64x128xf32, #tpu.memory_space<vmem>>) target(%dma_start3A_153 : memref<10240x128xf32, #tpu.memory_space<vmem_shared>>) offsets(%dma_start3A_150 : memref<64xi32, #tpu.memory_space<vmem>>) semaphore(%arg31 : memref<!tpu.dma_semaphore, #tpu.memory_space<semaphore_mem>>) {add = true}
      %ge3A = arith.constant 1 : i32
      %ge3A_154 = arith.cmpi sge, %add3A_139, %ge3A : i32
      %convert_element_type3A = arith.extui %ge3A_154 : i1 to i32
      %cond3A = arith.constant 0 : i32
      %cond3A_155 = arith.cmpi ne, %convert_element_type3A, %cond3A : i32
      scf.if %cond3A_155 {
        %dma_wait3A_358 = arith.constant 1 : i32
        %dma_wait3A_359 = arith.constant 0 : i32
        %dma_wait3A_360 = tpu.memref_slice %arg13[%dma_wait3A_358, %dma_wait3A_359] : memref<2x64xi32, #tpu.memory_space<vmem>> -> memref<1x64xi32, #tpu.memory_space<vmem>>
        %dma_wait3A_361 = tpu.memref_squeeze %dma_wait3A_360 : memref<1x64xi32, #tpu.memory_space<vmem>> -> memref<64xi32, #tpu.memory_space<vmem>>
        %dma_wait3A_362 = arith.constant 0 : i32
        %dma_wait3A_363 = arith.constant 0 : i32
        %dma_wait3A_364 = tpu.memref_slice %arg18[%dma_wait3A_362, %dma_wait3A_363] : memref<10240x128xf32, #tpu.memory_space<vmem_shared>> -> memref<10240x128xf32, #tpu.memory_space<vmem_shared>>
        tpu.wait_indirect_dma semaphore(%arg34 : memref<!tpu.dma_semaphore, #tpu.memory_space<semaphore_mem>>) src(%arg17 : memref<64x128xf32, #tpu.memory_space<vmem>>) dst(%dma_wait3A_364 : memref<10240x128xf32, #tpu.memory_space<vmem_shared>>)
        %add3A_365 = arith.constant 7 : i32
        %add3A_366 = arith.addi %add3A_139, %add3A_365 : i32
        %lt3A_367 = arith.constant 160 : i32
        %lt3A_368 = arith.cmpi slt, %add3A_366, %lt3A_367 : i32
        %convert_element_type3A_369 = arith.extui %lt3A_368 : i1 to i32
        %cond3A_370 = arith.constant 0 : i32
        %cond3A_371 = arith.cmpi ne, %convert_element_type3A_369, %cond3A_370 : i32
        scf.if %cond3A_371 {
          %add3A_372 = arith.constant 7 : i32
          %add3A_373 = arith.addi %add3A_139, %add3A_372 : i32
          %dma_start3A_374 = arith.constant 0 : i32
          %dma_start3A_375 = arith.constant 0 : i32
          %dma_start3A_376 = tpu.memref_slice %arg3[%add3A, %add3A_373, %dma_start3A_374, %dma_start3A_375] : memref<32x160x2x64xi32, #tpu.memory_space<hbm>> -> memref<1x1x2x64xi32, #tpu.memory_space<hbm>>
          %dma_start3A_377 = tpu.memref_squeeze %dma_start3A_376 : memref<1x1x2x64xi32, #tpu.memory_space<hbm>> -> memref<2x64xi32, #tpu.memory_space<hbm>>
          %dma_start3A_378 = arith.constant 0 : i32
          %dma_start3A_379 = arith.constant 0 : i32
          %dma_start3A_380 = tpu.memref_slice %arg3[%add3A, %add3A_373, %dma_start3A_378, %dma_start3A_379] : memref<32x160x2x64xi32, #tpu.memory_space<hbm>> -> memref<1x1x2x64xi32, #tpu.memory_space<hbm>>
          %dma_start3A_381 = tpu.memref_squeeze %dma_start3A_380 : memref<1x1x2x64xi32, #tpu.memory_space<hbm>> -> memref<2x64xi32, #tpu.memory_space<hbm>>
          tpu.enqueue_dma source(%dma_start3A_381 : memref<2x64xi32, #tpu.memory_space<hbm>>) target(%arg13 : memref<2x64xi32, #tpu.memory_space<vmem>>) target_semaphore(%arg26 : memref<!tpu.dma_semaphore, #tpu.memory_space<semaphore_mem>>)
        } else {
        }
      } else {
      }
      %add3A_156 = arith.constant 3 : i32
      %add3A_157 = arith.addi %add3A_139, %add3A_156 : i32
      %lt3A = arith.constant 160 : i32
      %lt3A_158 = arith.cmpi slt, %add3A_157, %lt3A : i32
      %convert_element_type3A_159 = arith.extui %lt3A_158 : i1 to i32
      %cond3A_160 = arith.constant 0 : i32
      %cond3A_161 = arith.cmpi ne, %convert_element_type3A_159, %cond3A_160 : i32
      scf.if %cond3A_161 {
        %add3A_358 = arith.constant 3 : i32
        %add3A_359 = arith.addi %add3A_139, %add3A_358 : i32
        %dma_wait3A_360 = arith.constant 0 : i32
        %dma_wait3A_361 = arith.constant 0 : i32
        %dma_wait3A_362 = tpu.memref_slice %arg3[%add3A, %add3A_359, %dma_wait3A_360, %dma_wait3A_361] : memref<32x160x2x64xi32, #tpu.memory_space<hbm>> -> memref<1x1x2x64xi32, #tpu.memory_space<hbm>>
        %dma_wait3A_363 = tpu.memref_squeeze %dma_wait3A_362 : memref<1x1x2x64xi32, #tpu.memory_space<hbm>> -> memref<2x64xi32, #tpu.memory_space<hbm>>
        %dma_wait3A_364 = arith.constant 0 : i32
        %dma_wait3A_365 = arith.constant 0 : i32
        %dma_wait3A_366 = tpu.memref_slice %arg3[%add3A, %add3A_359, %dma_wait3A_364, %dma_wait3A_365] : memref<32x160x2x64xi32, #tpu.memory_space<hbm>> -> memref<1x1x2x64xi32, #tpu.memory_space<hbm>>
        %dma_wait3A_367 = tpu.memref_squeeze %dma_wait3A_366 : memref<1x1x2x64xi32, #tpu.memory_space<hbm>> -> memref<2x64xi32, #tpu.memory_space<hbm>>
        tpu.wait_dma2 semaphore(%arg22 : memref<!tpu.dma_semaphore, #tpu.memory_space<semaphore_mem>>) src(%dma_wait3A_367 : memref<2x64xi32, #tpu.memory_space<hbm>>) dst(%arg9 : memref<2x64xi32, #tpu.memory_space<vmem>>)
        %dma_start3A_368 = arith.constant 0 : i32
        %dma_start3A_369 = arith.constant 0 : i32
        %dma_start3A_370 = tpu.memref_slice %arg9[%dma_start3A_368, %dma_start3A_369] : memref<2x64xi32, #tpu.memory_space<vmem>> -> memref<1x64xi32, #tpu.memory_space<vmem>>
        %dma_start3A_371 = tpu.memref_squeeze %dma_start3A_370 : memref<1x64xi32, #tpu.memory_space<vmem>> -> memref<64xi32, #tpu.memory_space<vmem>>
        %dma_start3A_372 = arith.constant 0 : i32
        %dma_start3A_373 = arith.constant 0 : i32
        %dma_start3A_374 = tpu.memref_slice %arg2[%dma_start3A_372, %dma_start3A_373] : memref<10240x128xf32, #tpu.memory_space<hbm>> -> memref<10240x128xf32, #tpu.memory_space<hbm>>
        tpu.enqueue_indirect_dma source(%dma_start3A_374 : memref<10240x128xf32, #tpu.memory_space<hbm>>) target(%arg17 : memref<64x128xf32, #tpu.memory_space<vmem>>) offsets(%dma_start3A_371 : memref<64xi32, #tpu.memory_space<vmem>>) semaphore(%arg30 : memref<!tpu.dma_semaphore, #tpu.memory_space<semaphore_mem>>)
      } else {
      }
      %add3A_162 = arith.constant 1 : i32
      %add3A_163 = arith.addi %add3A_137, %add3A_162 : i32
      %dma_wait3A_164 = arith.constant 0 : i32
      %dma_wait3A_165 = arith.constant 0 : i32
      %dma_wait3A_166 = tpu.memref_slice %arg7[%dma_wait3A_164, %dma_wait3A_165] : memref<2x64xi32, #tpu.memory_space<vmem>> -> memref<1x64xi32, #tpu.memory_space<vmem>>
      %dma_wait3A_167 = tpu.memref_squeeze %dma_wait3A_166 : memref<1x64xi32, #tpu.memory_space<vmem>> -> memref<64xi32, #tpu.memory_space<vmem>>
      %dma_wait3A_168 = arith.constant 0 : i32
      %dma_wait3A_169 = arith.constant 0 : i32
      %dma_wait3A_170 = tpu.memref_slice %arg2[%dma_wait3A_168, %dma_wait3A_169] : memref<10240x128xf32, #tpu.memory_space<hbm>> -> memref<10240x128xf32, #tpu.memory_space<hbm>>
      tpu.wait_indirect_dma semaphore(%arg28 : memref<!tpu.dma_semaphore, #tpu.memory_space<semaphore_mem>>) src(%dma_wait3A_170 : memref<10240x128xf32, #tpu.memory_space<hbm>>) dst(%arg15 : memref<64x128xf32, #tpu.memory_space<vmem>>)
      %dma_start3A_171 = arith.constant 1 : i32
      %dma_start3A_172 = arith.constant 0 : i32
      %dma_start3A_173 = tpu.memref_slice %arg7[%dma_start3A_171, %dma_start3A_172] : memref<2x64xi32, #tpu.memory_space<vmem>> -> memref<1x64xi32, #tpu.memory_space<vmem>>
      %dma_start3A_174 = tpu.memref_squeeze %dma_start3A_173 : memref<1x64xi32, #tpu.memory_space<vmem>> -> memref<64xi32, #tpu.memory_space<vmem>>
      %dma_start3A_175 = arith.constant 0 : i32
      %dma_start3A_176 = arith.constant 0 : i32
      %dma_start3A_177 = tpu.memref_slice %arg18[%dma_start3A_175, %dma_start3A_176] : memref<10240x128xf32, #tpu.memory_space<vmem_shared>> -> memref<10240x128xf32, #tpu.memory_space<vmem_shared>>
      tpu.enqueue_indirect_dma source(%arg15 : memref<64x128xf32, #tpu.memory_space<vmem>>) target(%dma_start3A_177 : memref<10240x128xf32, #tpu.memory_space<vmem_shared>>) offsets(%dma_start3A_174 : memref<64xi32, #tpu.memory_space<vmem>>) semaphore(%arg32 : memref<!tpu.dma_semaphore, #tpu.memory_space<semaphore_mem>>) {add = true}
      %ge3A_178 = arith.constant 1 : i32
      %ge3A_179 = arith.cmpi sge, %add3A_163, %ge3A_178 : i32
      %convert_element_type3A_180 = arith.extui %ge3A_179 : i1 to i32
      %cond3A_181 = arith.constant 0 : i32
      %cond3A_182 = arith.cmpi ne, %convert_element_type3A_180, %cond3A_181 : i32
      scf.if %cond3A_182 {
        %dma_wait3A_358 = arith.constant 1 : i32
        %dma_wait3A_359 = arith.constant 0 : i32
        %dma_wait3A_360 = tpu.memref_slice %arg6[%dma_wait3A_358, %dma_wait3A_359] : memref<2x64xi32, #tpu.memory_space<vmem>> -> memref<1x64xi32, #tpu.memory_space<vmem>>
        %dma_wait3A_361 = tpu.memref_squeeze %dma_wait3A_360 : memref<1x64xi32, #tpu.memory_space<vmem>> -> memref<64xi32, #tpu.memory_space<vmem>>
        %dma_wait3A_362 = arith.constant 0 : i32
        %dma_wait3A_363 = arith.constant 0 : i32
        %dma_wait3A_364 = tpu.memref_slice %arg18[%dma_wait3A_362, %dma_wait3A_363] : memref<10240x128xf32, #tpu.memory_space<vmem_shared>> -> memref<10240x128xf32, #tpu.memory_space<vmem_shared>>
        tpu.wait_indirect_dma semaphore(%arg31 : memref<!tpu.dma_semaphore, #tpu.memory_space<semaphore_mem>>) src(%arg14 : memref<64x128xf32, #tpu.memory_space<vmem>>) dst(%dma_wait3A_364 : memref<10240x128xf32, #tpu.memory_space<vmem_shared>>)
        %add3A_365 = arith.constant 7 : i32
        %add3A_366 = arith.addi %add3A_163, %add3A_365 : i32
        %lt3A_367 = arith.constant 160 : i32
        %lt3A_368 = arith.cmpi slt, %add3A_366, %lt3A_367 : i32
        %convert_element_type3A_369 = arith.extui %lt3A_368 : i1 to i32
        %cond3A_370 = arith.constant 0 : i32
        %cond3A_371 = arith.cmpi ne, %convert_element_type3A_369, %cond3A_370 : i32
        scf.if %cond3A_371 {
          %add3A_372 = arith.constant 7 : i32
          %add3A_373 = arith.addi %add3A_163, %add3A_372 : i32
          %dma_start3A_374 = arith.constant 0 : i32
          %dma_start3A_375 = arith.constant 0 : i32
          %dma_start3A_376 = tpu.memref_slice %arg3[%add3A, %add3A_373, %dma_start3A_374, %dma_start3A_375] : memref<32x160x2x64xi32, #tpu.memory_space<hbm>> -> memref<1x1x2x64xi32, #tpu.memory_space<hbm>>
          %dma_start3A_377 = tpu.memref_squeeze %dma_start3A_376 : memref<1x1x2x64xi32, #tpu.memory_space<hbm>> -> memref<2x64xi32, #tpu.memory_space<hbm>>
          %dma_start3A_378 = arith.constant 0 : i32
          %dma_start3A_379 = arith.constant 0 : i32
          %dma_start3A_380 = tpu.memref_slice %arg3[%add3A, %add3A_373, %dma_start3A_378, %dma_start3A_379] : memref<32x160x2x64xi32, #tpu.memory_space<hbm>> -> memref<1x1x2x64xi32, #tpu.memory_space<hbm>>
          %dma_start3A_381 = tpu.memref_squeeze %dma_start3A_380 : memref<1x1x2x64xi32, #tpu.memory_space<hbm>> -> memref<2x64xi32, #tpu.memory_space<hbm>>
          tpu.enqueue_dma source(%dma_start3A_381 : memref<2x64xi32, #tpu.memory_space<hbm>>) target(%arg6 : memref<2x64xi32, #tpu.memory_space<vmem>>) target_semaphore(%arg19 : memref<!tpu.dma_semaphore, #tpu.memory_space<semaphore_mem>>)
        } else {
        }
      } else {
      }
      %add3A_183 = arith.constant 3 : i32
      %add3A_184 = arith.addi %add3A_163, %add3A_183 : i32
      %lt3A_185 = arith.constant 160 : i32
      %lt3A_186 = arith.cmpi slt, %add3A_184, %lt3A_185 : i32
      %convert_element_type3A_187 = arith.extui %lt3A_186 : i1 to i32
      %cond3A_188 = arith.constant 0 : i32
      %cond3A_189 = arith.cmpi ne, %convert_element_type3A_187, %cond3A_188 : i32
      scf.if %cond3A_189 {
        %add3A_358 = arith.constant 3 : i32
        %add3A_359 = arith.addi %add3A_163, %add3A_358 : i32
        %dma_wait3A_360 = arith.constant 0 : i32
        %dma_wait3A_361 = arith.constant 0 : i32
        %dma_wait3A_362 = tpu.memref_slice %arg3[%add3A, %add3A_359, %dma_wait3A_360, %dma_wait3A_361] : memref<32x160x2x64xi32, #tpu.memory_space<hbm>> -> memref<1x1x2x64xi32, #tpu.memory_space<hbm>>
        %dma_wait3A_363 = tpu.memref_squeeze %dma_wait3A_362 : memref<1x1x2x64xi32, #tpu.memory_space<hbm>> -> memref<2x64xi32, #tpu.memory_space<hbm>>
        %dma_wait3A_364 = arith.constant 0 : i32
        %dma_wait3A_365 = arith.constant 0 : i32
        %dma_wait3A_366 = tpu.memref_slice %arg3[%add3A, %add3A_359, %dma_wait3A_364, %dma_wait3A_365] : memref<32x160x2x64xi32, #tpu.memory_space<hbm>> -> memref<1x1x2x64xi32, #tpu.memory_space<hbm>>
        %dma_wait3A_367 = tpu.memref_squeeze %dma_wait3A_366 : memref<1x1x2x64xi32, #tpu.memory_space<hbm>> -> memref<2x64xi32, #tpu.memory_space<hbm>>
        tpu.wait_dma2 semaphore(%arg23 : memref<!tpu.dma_semaphore, #tpu.memory_space<semaphore_mem>>) src(%dma_wait3A_367 : memref<2x64xi32, #tpu.memory_space<hbm>>) dst(%arg10 : memref<2x64xi32, #tpu.memory_space<vmem>>)
        %dma_start3A_368 = arith.constant 0 : i32
        %dma_start3A_369 = arith.constant 0 : i32
        %dma_start3A_370 = tpu.memref_slice %arg10[%dma_start3A_368, %dma_start3A_369] : memref<2x64xi32, #tpu.memory_space<vmem>> -> memref<1x64xi32, #tpu.memory_space<vmem>>
        %dma_start3A_371 = tpu.memref_squeeze %dma_start3A_370 : memref<1x64xi32, #tpu.memory_space<vmem>> -> memref<64xi32, #tpu.memory_space<vmem>>
        %dma_start3A_372 = arith.constant 0 : i32
        %dma_start3A_373 = arith.constant 0 : i32
        %dma_start3A_374 = tpu.memref_slice %arg2[%dma_start3A_372, %dma_start3A_373] : memref<10240x128xf32, #tpu.memory_space<hbm>> -> memref<10240x128xf32, #tpu.memory_space<hbm>>
        tpu.enqueue_indirect_dma source(%dma_start3A_374 : memref<10240x128xf32, #tpu.memory_space<hbm>>) target(%arg14 : memref<64x128xf32, #tpu.memory_space<vmem>>) offsets(%dma_start3A_371 : memref<64xi32, #tpu.memory_space<vmem>>) semaphore(%arg27 : memref<!tpu.dma_semaphore, #tpu.memory_space<semaphore_mem>>)
      } else {
      }
      %add3A_190 = arith.constant 2 : i32
      %add3A_191 = arith.addi %add3A_137, %add3A_190 : i32
      %dma_wait3A_192 = arith.constant 0 : i32
      %dma_wait3A_193 = arith.constant 0 : i32
      %dma_wait3A_194 = tpu.memref_slice %arg8[%dma_wait3A_192, %dma_wait3A_193] : memref<2x64xi32, #tpu.memory_space<vmem>> -> memref<1x64xi32, #tpu.memory_space<vmem>>
      %dma_wait3A_195 = tpu.memref_squeeze %dma_wait3A_194 : memref<1x64xi32, #tpu.memory_space<vmem>> -> memref<64xi32, #tpu.memory_space<vmem>>
      %dma_wait3A_196 = arith.constant 0 : i32
      %dma_wait3A_197 = arith.constant 0 : i32
      %dma_wait3A_198 = tpu.memref_slice %arg2[%dma_wait3A_196, %dma_wait3A_197] : memref<10240x128xf32, #tpu.memory_space<hbm>> -> memref<10240x128xf32, #tpu.memory_space<hbm>>
      tpu.wait_indirect_dma semaphore(%arg29 : memref<!tpu.dma_semaphore, #tpu.memory_space<semaphore_mem>>) src(%dma_wait3A_198 : memref<10240x128xf32, #tpu.memory_space<hbm>>) dst(%arg16 : memref<64x128xf32, #tpu.memory_space<vmem>>)
      %dma_start3A_199 = arith.constant 1 : i32
      %dma_start3A_200 = arith.constant 0 : i32
      %dma_start3A_201 = tpu.memref_slice %arg8[%dma_start3A_199, %dma_start3A_200] : memref<2x64xi32, #tpu.memory_space<vmem>> -> memref<1x64xi32, #tpu.memory_space<vmem>>
      %dma_start3A_202 = tpu.memref_squeeze %dma_start3A_201 : memref<1x64xi32, #tpu.memory_space<vmem>> -> memref<64xi32, #tpu.memory_space<vmem>>
      %dma_start3A_203 = arith.constant 0 : i32
      %dma_start3A_204 = arith.constant 0 : i32
      %dma_start3A_205 = tpu.memref_slice %arg18[%dma_start3A_203, %dma_start3A_204] : memref<10240x128xf32, #tpu.memory_space<vmem_shared>> -> memref<10240x128xf32, #tpu.memory_space<vmem_shared>>
      tpu.enqueue_indirect_dma source(%arg16 : memref<64x128xf32, #tpu.memory_space<vmem>>) target(%dma_start3A_205 : memref<10240x128xf32, #tpu.memory_space<vmem_shared>>) offsets(%dma_start3A_202 : memref<64xi32, #tpu.memory_space<vmem>>) semaphore(%arg33 : memref<!tpu.dma_semaphore, #tpu.memory_space<semaphore_mem>>) {add = true}
      %ge3A_206 = arith.constant 1 : i32
      %ge3A_207 = arith.cmpi sge, %add3A_191, %ge3A_206 : i32
      %convert_element_type3A_208 = arith.extui %ge3A_207 : i1 to i32
      %cond3A_209 = arith.constant 0 : i32
      %cond3A_210 = arith.cmpi ne, %convert_element_type3A_208, %cond3A_209 : i32
      scf.if %cond3A_210 {
        %dma_wait3A_358 = arith.constant 1 : i32
        %dma_wait3A_359 = arith.constant 0 : i32
        %dma_wait3A_360 = tpu.memref_slice %arg7[%dma_wait3A_358, %dma_wait3A_359] : memref<2x64xi32, #tpu.memory_space<vmem>> -> memref<1x64xi32, #tpu.memory_space<vmem>>
        %dma_wait3A_361 = tpu.memref_squeeze %dma_wait3A_360 : memref<1x64xi32, #tpu.memory_space<vmem>> -> memref<64xi32, #tpu.memory_space<vmem>>
        %dma_wait3A_362 = arith.constant 0 : i32
        %dma_wait3A_363 = arith.constant 0 : i32
        %dma_wait3A_364 = tpu.memref_slice %arg18[%dma_wait3A_362, %dma_wait3A_363] : memref<10240x128xf32, #tpu.memory_space<vmem_shared>> -> memref<10240x128xf32, #tpu.memory_space<vmem_shared>>
        tpu.wait_indirect_dma semaphore(%arg32 : memref<!tpu.dma_semaphore, #tpu.memory_space<semaphore_mem>>) src(%arg15 : memref<64x128xf32, #tpu.memory_space<vmem>>) dst(%dma_wait3A_364 : memref<10240x128xf32, #tpu.memory_space<vmem_shared>>)
        %add3A_365 = arith.constant 7 : i32
        %add3A_366 = arith.addi %add3A_191, %add3A_365 : i32
        %lt3A_367 = arith.constant 160 : i32
        %lt3A_368 = arith.cmpi slt, %add3A_366, %lt3A_367 : i32
        %convert_element_type3A_369 = arith.extui %lt3A_368 : i1 to i32
        %cond3A_370 = arith.constant 0 : i32
        %cond3A_371 = arith.cmpi ne, %convert_element_type3A_369, %cond3A_370 : i32
        scf.if %cond3A_371 {
          %add3A_372 = arith.constant 7 : i32
          %add3A_373 = arith.addi %add3A_191, %add3A_372 : i32
          %dma_start3A_374 = arith.constant 0 : i32
          %dma_start3A_375 = arith.constant 0 : i32
          %dma_start3A_376 = tpu.memref_slice %arg3[%add3A, %add3A_373, %dma_start3A_374, %dma_start3A_375] : memref<32x160x2x64xi32, #tpu.memory_space<hbm>> -> memref<1x1x2x64xi32, #tpu.memory_space<hbm>>
          %dma_start3A_377 = tpu.memref_squeeze %dma_start3A_376 : memref<1x1x2x64xi32, #tpu.memory_space<hbm>> -> memref<2x64xi32, #tpu.memory_space<hbm>>
          %dma_start3A_378 = arith.constant 0 : i32
          %dma_start3A_379 = arith.constant 0 : i32
          %dma_start3A_380 = tpu.memref_slice %arg3[%add3A, %add3A_373, %dma_start3A_378, %dma_start3A_379] : memref<32x160x2x64xi32, #tpu.memory_space<hbm>> -> memref<1x1x2x64xi32, #tpu.memory_space<hbm>>
          %dma_start3A_381 = tpu.memref_squeeze %dma_start3A_380 : memref<1x1x2x64xi32, #tpu.memory_space<hbm>> -> memref<2x64xi32, #tpu.memory_space<hbm>>
          tpu.enqueue_dma source(%dma_start3A_381 : memref<2x64xi32, #tpu.memory_space<hbm>>) target(%arg7 : memref<2x64xi32, #tpu.memory_space<vmem>>) target_semaphore(%arg20 : memref<!tpu.dma_semaphore, #tpu.memory_space<semaphore_mem>>)
        } else {
        }
      } else {
      }
      %add3A_211 = arith.constant 3 : i32
      %add3A_212 = arith.addi %add3A_191, %add3A_211 : i32
      %lt3A_213 = arith.constant 160 : i32
      %lt3A_214 = arith.cmpi slt, %add3A_212, %lt3A_213 : i32
      %convert_element_type3A_215 = arith.extui %lt3A_214 : i1 to i32
      %cond3A_216 = arith.constant 0 : i32
      %cond3A_217 = arith.cmpi ne, %convert_element_type3A_215, %cond3A_216 : i32
      scf.if %cond3A_217 {
        %add3A_358 = arith.constant 3 : i32
        %add3A_359 = arith.addi %add3A_191, %add3A_358 : i32
        %dma_wait3A_360 = arith.constant 0 : i32
        %dma_wait3A_361 = arith.constant 0 : i32
        %dma_wait3A_362 = tpu.memref_slice %arg3[%add3A, %add3A_359, %dma_wait3A_360, %dma_wait3A_361] : memref<32x160x2x64xi32, #tpu.memory_space<hbm>> -> memref<1x1x2x64xi32, #tpu.memory_space<hbm>>
        %dma_wait3A_363 = tpu.memref_squeeze %dma_wait3A_362 : memref<1x1x2x64xi32, #tpu.memory_space<hbm>> -> memref<2x64xi32, #tpu.memory_space<hbm>>
        %dma_wait3A_364 = arith.constant 0 : i32
        %dma_wait3A_365 = arith.constant 0 : i32
        %dma_wait3A_366 = tpu.memref_slice %arg3[%add3A, %add3A_359, %dma_wait3A_364, %dma_wait3A_365] : memref<32x160x2x64xi32, #tpu.memory_space<hbm>> -> memref<1x1x2x64xi32, #tpu.memory_space<hbm>>
        %dma_wait3A_367 = tpu.memref_squeeze %dma_wait3A_366 : memref<1x1x2x64xi32, #tpu.memory_space<hbm>> -> memref<2x64xi32, #tpu.memory_space<hbm>>
        tpu.wait_dma2 semaphore(%arg24 : memref<!tpu.dma_semaphore, #tpu.memory_space<semaphore_mem>>) src(%dma_wait3A_367 : memref<2x64xi32, #tpu.memory_space<hbm>>) dst(%arg11 : memref<2x64xi32, #tpu.memory_space<vmem>>)
        %dma_start3A_368 = arith.constant 0 : i32
        %dma_start3A_369 = arith.constant 0 : i32
        %dma_start3A_370 = tpu.memref_slice %arg11[%dma_start3A_368, %dma_start3A_369] : memref<2x64xi32, #tpu.memory_space<vmem>> -> memref<1x64xi32, #tpu.memory_space<vmem>>
        %dma_start3A_371 = tpu.memref_squeeze %dma_start3A_370 : memref<1x64xi32, #tpu.memory_space<vmem>> -> memref<64xi32, #tpu.memory_space<vmem>>
        %dma_start3A_372 = arith.constant 0 : i32
        %dma_start3A_373 = arith.constant 0 : i32
        %dma_start3A_374 = tpu.memref_slice %arg2[%dma_start3A_372, %dma_start3A_373] : memref<10240x128xf32, #tpu.memory_space<hbm>> -> memref<10240x128xf32, #tpu.memory_space<hbm>>
        tpu.enqueue_indirect_dma source(%dma_start3A_374 : memref<10240x128xf32, #tpu.memory_space<hbm>>) target(%arg15 : memref<64x128xf32, #tpu.memory_space<vmem>>) offsets(%dma_start3A_371 : memref<64xi32, #tpu.memory_space<vmem>>) semaphore(%arg28 : memref<!tpu.dma_semaphore, #tpu.memory_space<semaphore_mem>>)
      } else {
      }
      %add3A_218 = arith.constant 3 : i32
      %add3A_219 = arith.addi %add3A_137, %add3A_218 : i32
      %dma_wait3A_220 = arith.constant 0 : i32
      %dma_wait3A_221 = arith.constant 0 : i32
      %dma_wait3A_222 = tpu.memref_slice %arg9[%dma_wait3A_220, %dma_wait3A_221] : memref<2x64xi32, #tpu.memory_space<vmem>> -> memref<1x64xi32, #tpu.memory_space<vmem>>
      %dma_wait3A_223 = tpu.memref_squeeze %dma_wait3A_222 : memref<1x64xi32, #tpu.memory_space<vmem>> -> memref<64xi32, #tpu.memory_space<vmem>>
      %dma_wait3A_224 = arith.constant 0 : i32
      %dma_wait3A_225 = arith.constant 0 : i32
      %dma_wait3A_226 = tpu.memref_slice %arg2[%dma_wait3A_224, %dma_wait3A_225] : memref<10240x128xf32, #tpu.memory_space<hbm>> -> memref<10240x128xf32, #tpu.memory_space<hbm>>
      tpu.wait_indirect_dma semaphore(%arg30 : memref<!tpu.dma_semaphore, #tpu.memory_space<semaphore_mem>>) src(%dma_wait3A_226 : memref<10240x128xf32, #tpu.memory_space<hbm>>) dst(%arg17 : memref<64x128xf32, #tpu.memory_space<vmem>>)
      %dma_start3A_227 = arith.constant 1 : i32
      %dma_start3A_228 = arith.constant 0 : i32
      %dma_start3A_229 = tpu.memref_slice %arg9[%dma_start3A_227, %dma_start3A_228] : memref<2x64xi32, #tpu.memory_space<vmem>> -> memref<1x64xi32, #tpu.memory_space<vmem>>
      %dma_start3A_230 = tpu.memref_squeeze %dma_start3A_229 : memref<1x64xi32, #tpu.memory_space<vmem>> -> memref<64xi32, #tpu.memory_space<vmem>>
      %dma_start3A_231 = arith.constant 0 : i32
      %dma_start3A_232 = arith.constant 0 : i32
      %dma_start3A_233 = tpu.memref_slice %arg18[%dma_start3A_231, %dma_start3A_232] : memref<10240x128xf32, #tpu.memory_space<vmem_shared>> -> memref<10240x128xf32, #tpu.memory_space<vmem_shared>>
      tpu.enqueue_indirect_dma source(%arg17 : memref<64x128xf32, #tpu.memory_space<vmem>>) target(%dma_start3A_233 : memref<10240x128xf32, #tpu.memory_space<vmem_shared>>) offsets(%dma_start3A_230 : memref<64xi32, #tpu.memory_space<vmem>>) semaphore(%arg34 : memref<!tpu.dma_semaphore, #tpu.memory_space<semaphore_mem>>) {add = true}
      %ge3A_234 = arith.constant 1 : i32
      %ge3A_235 = arith.cmpi sge, %add3A_219, %ge3A_234 : i32
      %convert_element_type3A_236 = arith.extui %ge3A_235 : i1 to i32
      %cond3A_237 = arith.constant 0 : i32
      %cond3A_238 = arith.cmpi ne, %convert_element_type3A_236, %cond3A_237 : i32
      scf.if %cond3A_238 {
        %dma_wait3A_358 = arith.constant 1 : i32
        %dma_wait3A_359 = arith.constant 0 : i32
        %dma_wait3A_360 = tpu.memref_slice %arg8[%dma_wait3A_358, %dma_wait3A_359] : memref<2x64xi32, #tpu.memory_space<vmem>> -> memref<1x64xi32, #tpu.memory_space<vmem>>
        %dma_wait3A_361 = tpu.memref_squeeze %dma_wait3A_360 : memref<1x64xi32, #tpu.memory_space<vmem>> -> memref<64xi32, #tpu.memory_space<vmem>>
        %dma_wait3A_362 = arith.constant 0 : i32
        %dma_wait3A_363 = arith.constant 0 : i32
        %dma_wait3A_364 = tpu.memref_slice %arg18[%dma_wait3A_362, %dma_wait3A_363] : memref<10240x128xf32, #tpu.memory_space<vmem_shared>> -> memref<10240x128xf32, #tpu.memory_space<vmem_shared>>
        tpu.wait_indirect_dma semaphore(%arg33 : memref<!tpu.dma_semaphore, #tpu.memory_space<semaphore_mem>>) src(%arg16 : memref<64x128xf32, #tpu.memory_space<vmem>>) dst(%dma_wait3A_364 : memref<10240x128xf32, #tpu.memory_space<vmem_shared>>)
        %add3A_365 = arith.constant 7 : i32
        %add3A_366 = arith.addi %add3A_219, %add3A_365 : i32
        %lt3A_367 = arith.constant 160 : i32
        %lt3A_368 = arith.cmpi slt, %add3A_366, %lt3A_367 : i32
        %convert_element_type3A_369 = arith.extui %lt3A_368 : i1 to i32
        %cond3A_370 = arith.constant 0 : i32
        %cond3A_371 = arith.cmpi ne, %convert_element_type3A_369, %cond3A_370 : i32
        scf.if %cond3A_371 {
          %add3A_372 = arith.constant 7 : i32
          %add3A_373 = arith.addi %add3A_219, %add3A_372 : i32
          %dma_start3A_374 = arith.constant 0 : i32
          %dma_start3A_375 = arith.constant 0 : i32
          %dma_start3A_376 = tpu.memref_slice %arg3[%add3A, %add3A_373, %dma_start3A_374, %dma_start3A_375] : memref<32x160x2x64xi32, #tpu.memory_space<hbm>> -> memref<1x1x2x64xi32, #tpu.memory_space<hbm>>
          %dma_start3A_377 = tpu.memref_squeeze %dma_start3A_376 : memref<1x1x2x64xi32, #tpu.memory_space<hbm>> -> memref<2x64xi32, #tpu.memory_space<hbm>>
          %dma_start3A_378 = arith.constant 0 : i32
          %dma_start3A_379 = arith.constant 0 : i32
          %dma_start3A_380 = tpu.memref_slice %arg3[%add3A, %add3A_373, %dma_start3A_378, %dma_start3A_379] : memref<32x160x2x64xi32, #tpu.memory_space<hbm>> -> memref<1x1x2x64xi32, #tpu.memory_space<hbm>>
          %dma_start3A_381 = tpu.memref_squeeze %dma_start3A_380 : memref<1x1x2x64xi32, #tpu.memory_space<hbm>> -> memref<2x64xi32, #tpu.memory_space<hbm>>
          tpu.enqueue_dma source(%dma_start3A_381 : memref<2x64xi32, #tpu.memory_space<hbm>>) target(%arg8 : memref<2x64xi32, #tpu.memory_space<vmem>>) target_semaphore(%arg21 : memref<!tpu.dma_semaphore, #tpu.memory_space<semaphore_mem>>)
        } else {
        }
      } else {
      }
      %add3A_239 = arith.constant 3 : i32
      %add3A_240 = arith.addi %add3A_219, %add3A_239 : i32
      %lt3A_241 = arith.constant 160 : i32
      %lt3A_242 = arith.cmpi slt, %add3A_240, %lt3A_241 : i32
      %convert_element_type3A_243 = arith.extui %lt3A_242 : i1 to i32
      %cond3A_244 = arith.constant 0 : i32
      %cond3A_245 = arith.cmpi ne, %convert_element_type3A_243, %cond3A_244 : i32
      scf.if %cond3A_245 {
        %add3A_358 = arith.constant 3 : i32
        %add3A_359 = arith.addi %add3A_219, %add3A_358 : i32
        %dma_wait3A_360 = arith.constant 0 : i32
        %dma_wait3A_361 = arith.constant 0 : i32
        %dma_wait3A_362 = tpu.memref_slice %arg3[%add3A, %add3A_359, %dma_wait3A_360, %dma_wait3A_361] : memref<32x160x2x64xi32, #tpu.memory_space<hbm>> -> memref<1x1x2x64xi32, #tpu.memory_space<hbm>>
        %dma_wait3A_363 = tpu.memref_squeeze %dma_wait3A_362 : memref<1x1x2x64xi32, #tpu.memory_space<hbm>> -> memref<2x64xi32, #tpu.memory_space<hbm>>
        %dma_wait3A_364 = arith.constant 0 : i32
        %dma_wait3A_365 = arith.constant 0 : i32
        %dma_wait3A_366 = tpu.memref_slice %arg3[%add3A, %add3A_359, %dma_wait3A_364, %dma_wait3A_365] : memref<32x160x2x64xi32, #tpu.memory_space<hbm>> -> memref<1x1x2x64xi32, #tpu.memory_space<hbm>>
        %dma_wait3A_367 = tpu.memref_squeeze %dma_wait3A_366 : memref<1x1x2x64xi32, #tpu.memory_space<hbm>> -> memref<2x64xi32, #tpu.memory_space<hbm>>
        tpu.wait_dma2 semaphore(%arg25 : memref<!tpu.dma_semaphore, #tpu.memory_space<semaphore_mem>>) src(%dma_wait3A_367 : memref<2x64xi32, #tpu.memory_space<hbm>>) dst(%arg12 : memref<2x64xi32, #tpu.memory_space<vmem>>)
        %dma_start3A_368 = arith.constant 0 : i32
        %dma_start3A_369 = arith.constant 0 : i32
        %dma_start3A_370 = tpu.memref_slice %arg12[%dma_start3A_368, %dma_start3A_369] : memref<2x64xi32, #tpu.memory_space<vmem>> -> memref<1x64xi32, #tpu.memory_space<vmem>>
        %dma_start3A_371 = tpu.memref_squeeze %dma_start3A_370 : memref<1x64xi32, #tpu.memory_space<vmem>> -> memref<64xi32, #tpu.memory_space<vmem>>
        %dma_start3A_372 = arith.constant 0 : i32
        %dma_start3A_373 = arith.constant 0 : i32
        %dma_start3A_374 = tpu.memref_slice %arg2[%dma_start3A_372, %dma_start3A_373] : memref<10240x128xf32, #tpu.memory_space<hbm>> -> memref<10240x128xf32, #tpu.memory_space<hbm>>
        tpu.enqueue_indirect_dma source(%dma_start3A_374 : memref<10240x128xf32, #tpu.memory_space<hbm>>) target(%arg16 : memref<64x128xf32, #tpu.memory_space<vmem>>) offsets(%dma_start3A_371 : memref<64xi32, #tpu.memory_space<vmem>>) semaphore(%arg29 : memref<!tpu.dma_semaphore, #tpu.memory_space<semaphore_mem>>)
      } else {
      }
      %add3A_246 = arith.constant 4 : i32
      %add3A_247 = arith.addi %add3A_137, %add3A_246 : i32
      %dma_wait3A_248 = arith.constant 0 : i32
      %dma_wait3A_249 = arith.constant 0 : i32
      %dma_wait3A_250 = tpu.memref_slice %arg10[%dma_wait3A_248, %dma_wait3A_249] : memref<2x64xi32, #tpu.memory_space<vmem>> -> memref<1x64xi32, #tpu.memory_space<vmem>>
      %dma_wait3A_251 = tpu.memref_squeeze %dma_wait3A_250 : memref<1x64xi32, #tpu.memory_space<vmem>> -> memref<64xi32, #tpu.memory_space<vmem>>
      %dma_wait3A_252 = arith.constant 0 : i32
      %dma_wait3A_253 = arith.constant 0 : i32
      %dma_wait3A_254 = tpu.memref_slice %arg2[%dma_wait3A_252, %dma_wait3A_253] : memref<10240x128xf32, #tpu.memory_space<hbm>> -> memref<10240x128xf32, #tpu.memory_space<hbm>>
      tpu.wait_indirect_dma semaphore(%arg27 : memref<!tpu.dma_semaphore, #tpu.memory_space<semaphore_mem>>) src(%dma_wait3A_254 : memref<10240x128xf32, #tpu.memory_space<hbm>>) dst(%arg14 : memref<64x128xf32, #tpu.memory_space<vmem>>)
      %dma_start3A_255 = arith.constant 1 : i32
      %dma_start3A_256 = arith.constant 0 : i32
      %dma_start3A_257 = tpu.memref_slice %arg10[%dma_start3A_255, %dma_start3A_256] : memref<2x64xi32, #tpu.memory_space<vmem>> -> memref<1x64xi32, #tpu.memory_space<vmem>>
      %dma_start3A_258 = tpu.memref_squeeze %dma_start3A_257 : memref<1x64xi32, #tpu.memory_space<vmem>> -> memref<64xi32, #tpu.memory_space<vmem>>
      %dma_start3A_259 = arith.constant 0 : i32
      %dma_start3A_260 = arith.constant 0 : i32
      %dma_start3A_261 = tpu.memref_slice %arg18[%dma_start3A_259, %dma_start3A_260] : memref<10240x128xf32, #tpu.memory_space<vmem_shared>> -> memref<10240x128xf32, #tpu.memory_space<vmem_shared>>
      tpu.enqueue_indirect_dma source(%arg14 : memref<64x128xf32, #tpu.memory_space<vmem>>) target(%dma_start3A_261 : memref<10240x128xf32, #tpu.memory_space<vmem_shared>>) offsets(%dma_start3A_258 : memref<64xi32, #tpu.memory_space<vmem>>) semaphore(%arg31 : memref<!tpu.dma_semaphore, #tpu.memory_space<semaphore_mem>>) {add = true}
      %ge3A_262 = arith.constant 1 : i32
      %ge3A_263 = arith.cmpi sge, %add3A_247, %ge3A_262 : i32
      %convert_element_type3A_264 = arith.extui %ge3A_263 : i1 to i32
      %cond3A_265 = arith.constant 0 : i32
      %cond3A_266 = arith.cmpi ne, %convert_element_type3A_264, %cond3A_265 : i32
      scf.if %cond3A_266 {
        %dma_wait3A_358 = arith.constant 1 : i32
        %dma_wait3A_359 = arith.constant 0 : i32
        %dma_wait3A_360 = tpu.memref_slice %arg9[%dma_wait3A_358, %dma_wait3A_359] : memref<2x64xi32, #tpu.memory_space<vmem>> -> memref<1x64xi32, #tpu.memory_space<vmem>>
        %dma_wait3A_361 = tpu.memref_squeeze %dma_wait3A_360 : memref<1x64xi32, #tpu.memory_space<vmem>> -> memref<64xi32, #tpu.memory_space<vmem>>
        %dma_wait3A_362 = arith.constant 0 : i32
        %dma_wait3A_363 = arith.constant 0 : i32
        %dma_wait3A_364 = tpu.memref_slice %arg18[%dma_wait3A_362, %dma_wait3A_363] : memref<10240x128xf32, #tpu.memory_space<vmem_shared>> -> memref<10240x128xf32, #tpu.memory_space<vmem_shared>>
        tpu.wait_indirect_dma semaphore(%arg34 : memref<!tpu.dma_semaphore, #tpu.memory_space<semaphore_mem>>) src(%arg17 : memref<64x128xf32, #tpu.memory_space<vmem>>) dst(%dma_wait3A_364 : memref<10240x128xf32, #tpu.memory_space<vmem_shared>>)
        %add3A_365 = arith.constant 7 : i32
        %add3A_366 = arith.addi %add3A_247, %add3A_365 : i32
        %lt3A_367 = arith.constant 160 : i32
        %lt3A_368 = arith.cmpi slt, %add3A_366, %lt3A_367 : i32
        %convert_element_type3A_369 = arith.extui %lt3A_368 : i1 to i32
        %cond3A_370 = arith.constant 0 : i32
        %cond3A_371 = arith.cmpi ne, %convert_element_type3A_369, %cond3A_370 : i32
        scf.if %cond3A_371 {
          %add3A_372 = arith.constant 7 : i32
          %add3A_373 = arith.addi %add3A_247, %add3A_372 : i32
          %dma_start3A_374 = arith.constant 0 : i32
          %dma_start3A_375 = arith.constant 0 : i32
          %dma_start3A_376 = tpu.memref_slice %arg3[%add3A, %add3A_373, %dma_start3A_374, %dma_start3A_375] : memref<32x160x2x64xi32, #tpu.memory_space<hbm>> -> memref<1x1x2x64xi32, #tpu.memory_space<hbm>>
          %dma_start3A_377 = tpu.memref_squeeze %dma_start3A_376 : memref<1x1x2x64xi32, #tpu.memory_space<hbm>> -> memref<2x64xi32, #tpu.memory_space<hbm>>
          %dma_start3A_378 = arith.constant 0 : i32
          %dma_start3A_379 = arith.constant 0 : i32
          %dma_start3A_380 = tpu.memref_slice %arg3[%add3A, %add3A_373, %dma_start3A_378, %dma_start3A_379] : memref<32x160x2x64xi32, #tpu.memory_space<hbm>> -> memref<1x1x2x64xi32, #tpu.memory_space<hbm>>
          %dma_start3A_381 = tpu.memref_squeeze %dma_start3A_380 : memref<1x1x2x64xi32, #tpu.memory_space<hbm>> -> memref<2x64xi32, #tpu.memory_space<hbm>>
          tpu.enqueue_dma source(%dma_start3A_381 : memref<2x64xi32, #tpu.memory_space<hbm>>) target(%arg9 : memref<2x64xi32, #tpu.memory_space<vmem>>) target_semaphore(%arg22 : memref<!tpu.dma_semaphore, #tpu.memory_space<semaphore_mem>>)
        } else {
        }
      } else {
      }
      %add3A_267 = arith.constant 3 : i32
      %add3A_268 = arith.addi %add3A_247, %add3A_267 : i32
      %lt3A_269 = arith.constant 160 : i32
      %lt3A_270 = arith.cmpi slt, %add3A_268, %lt3A_269 : i32
      %convert_element_type3A_271 = arith.extui %lt3A_270 : i1 to i32
      %cond3A_272 = arith.constant 0 : i32
      %cond3A_273 = arith.cmpi ne, %convert_element_type3A_271, %cond3A_272 : i32
      scf.if %cond3A_273 {
        %add3A_358 = arith.constant 3 : i32
        %add3A_359 = arith.addi %add3A_247, %add3A_358 : i32
        %dma_wait3A_360 = arith.constant 0 : i32
        %dma_wait3A_361 = arith.constant 0 : i32
        %dma_wait3A_362 = tpu.memref_slice %arg3[%add3A, %add3A_359, %dma_wait3A_360, %dma_wait3A_361] : memref<32x160x2x64xi32, #tpu.memory_space<hbm>> -> memref<1x1x2x64xi32, #tpu.memory_space<hbm>>
        %dma_wait3A_363 = tpu.memref_squeeze %dma_wait3A_362 : memref<1x1x2x64xi32, #tpu.memory_space<hbm>> -> memref<2x64xi32, #tpu.memory_space<hbm>>
        %dma_wait3A_364 = arith.constant 0 : i32
        %dma_wait3A_365 = arith.constant 0 : i32
        %dma_wait3A_366 = tpu.memref_slice %arg3[%add3A, %add3A_359, %dma_wait3A_364, %dma_wait3A_365] : memref<32x160x2x64xi32, #tpu.memory_space<hbm>> -> memref<1x1x2x64xi32, #tpu.memory_space<hbm>>
        %dma_wait3A_367 = tpu.memref_squeeze %dma_wait3A_366 : memref<1x1x2x64xi32, #tpu.memory_space<hbm>> -> memref<2x64xi32, #tpu.memory_space<hbm>>
        tpu.wait_dma2 semaphore(%arg26 : memref<!tpu.dma_semaphore, #tpu.memory_space<semaphore_mem>>) src(%dma_wait3A_367 : memref<2x64xi32, #tpu.memory_space<hbm>>) dst(%arg13 : memref<2x64xi32, #tpu.memory_space<vmem>>)
        %dma_start3A_368 = arith.constant 0 : i32
        %dma_start3A_369 = arith.constant 0 : i32
        %dma_start3A_370 = tpu.memref_slice %arg13[%dma_start3A_368, %dma_start3A_369] : memref<2x64xi32, #tpu.memory_space<vmem>> -> memref<1x64xi32, #tpu.memory_space<vmem>>
        %dma_start3A_371 = tpu.memref_squeeze %dma_start3A_370 : memref<1x64xi32, #tpu.memory_space<vmem>> -> memref<64xi32, #tpu.memory_space<vmem>>
        %dma_start3A_372 = arith.constant 0 : i32
        %dma_start3A_373 = arith.constant 0 : i32
        %dma_start3A_374 = tpu.memref_slice %arg2[%dma_start3A_372, %dma_start3A_373] : memref<10240x128xf32, #tpu.memory_space<hbm>> -> memref<10240x128xf32, #tpu.memory_space<hbm>>
        tpu.enqueue_indirect_dma source(%dma_start3A_374 : memref<10240x128xf32, #tpu.memory_space<hbm>>) target(%arg17 : memref<64x128xf32, #tpu.memory_space<vmem>>) offsets(%dma_start3A_371 : memref<64xi32, #tpu.memory_space<vmem>>) semaphore(%arg30 : memref<!tpu.dma_semaphore, #tpu.memory_space<semaphore_mem>>)
      } else {
      }
      %add3A_274 = arith.constant 5 : i32
      %add3A_275 = arith.addi %add3A_137, %add3A_274 : i32
      %dma_wait3A_276 = arith.constant 0 : i32
      %dma_wait3A_277 = arith.constant 0 : i32
      %dma_wait3A_278 = tpu.memref_slice %arg11[%dma_wait3A_276, %dma_wait3A_277] : memref<2x64xi32, #tpu.memory_space<vmem>> -> memref<1x64xi32, #tpu.memory_space<vmem>>
      %dma_wait3A_279 = tpu.memref_squeeze %dma_wait3A_278 : memref<1x64xi32, #tpu.memory_space<vmem>> -> memref<64xi32, #tpu.memory_space<vmem>>
      %dma_wait3A_280 = arith.constant 0 : i32
      %dma_wait3A_281 = arith.constant 0 : i32
      %dma_wait3A_282 = tpu.memref_slice %arg2[%dma_wait3A_280, %dma_wait3A_281] : memref<10240x128xf32, #tpu.memory_space<hbm>> -> memref<10240x128xf32, #tpu.memory_space<hbm>>
      tpu.wait_indirect_dma semaphore(%arg28 : memref<!tpu.dma_semaphore, #tpu.memory_space<semaphore_mem>>) src(%dma_wait3A_282 : memref<10240x128xf32, #tpu.memory_space<hbm>>) dst(%arg15 : memref<64x128xf32, #tpu.memory_space<vmem>>)
      %dma_start3A_283 = arith.constant 1 : i32
      %dma_start3A_284 = arith.constant 0 : i32
      %dma_start3A_285 = tpu.memref_slice %arg11[%dma_start3A_283, %dma_start3A_284] : memref<2x64xi32, #tpu.memory_space<vmem>> -> memref<1x64xi32, #tpu.memory_space<vmem>>
      %dma_start3A_286 = tpu.memref_squeeze %dma_start3A_285 : memref<1x64xi32, #tpu.memory_space<vmem>> -> memref<64xi32, #tpu.memory_space<vmem>>
      %dma_start3A_287 = arith.constant 0 : i32
      %dma_start3A_288 = arith.constant 0 : i32
      %dma_start3A_289 = tpu.memref_slice %arg18[%dma_start3A_287, %dma_start3A_288] : memref<10240x128xf32, #tpu.memory_space<vmem_shared>> -> memref<10240x128xf32, #tpu.memory_space<vmem_shared>>
      tpu.enqueue_indirect_dma source(%arg15 : memref<64x128xf32, #tpu.memory_space<vmem>>) target(%dma_start3A_289 : memref<10240x128xf32, #tpu.memory_space<vmem_shared>>) offsets(%dma_start3A_286 : memref<64xi32, #tpu.memory_space<vmem>>) semaphore(%arg32 : memref<!tpu.dma_semaphore, #tpu.memory_space<semaphore_mem>>) {add = true}
      %ge3A_290 = arith.constant 1 : i32
      %ge3A_291 = arith.cmpi sge, %add3A_275, %ge3A_290 : i32
      %convert_element_type3A_292 = arith.extui %ge3A_291 : i1 to i32
      %cond3A_293 = arith.constant 0 : i32
      %cond3A_294 = arith.cmpi ne, %convert_element_type3A_292, %cond3A_293 : i32
      scf.if %cond3A_294 {
        %dma_wait3A_358 = arith.constant 1 : i32
        %dma_wait3A_359 = arith.constant 0 : i32
        %dma_wait3A_360 = tpu.memref_slice %arg10[%dma_wait3A_358, %dma_wait3A_359] : memref<2x64xi32, #tpu.memory_space<vmem>> -> memref<1x64xi32, #tpu.memory_space<vmem>>
        %dma_wait3A_361 = tpu.memref_squeeze %dma_wait3A_360 : memref<1x64xi32, #tpu.memory_space<vmem>> -> memref<64xi32, #tpu.memory_space<vmem>>
        %dma_wait3A_362 = arith.constant 0 : i32
        %dma_wait3A_363 = arith.constant 0 : i32
        %dma_wait3A_364 = tpu.memref_slice %arg18[%dma_wait3A_362, %dma_wait3A_363] : memref<10240x128xf32, #tpu.memory_space<vmem_shared>> -> memref<10240x128xf32, #tpu.memory_space<vmem_shared>>
        tpu.wait_indirect_dma semaphore(%arg31 : memref<!tpu.dma_semaphore, #tpu.memory_space<semaphore_mem>>) src(%arg14 : memref<64x128xf32, #tpu.memory_space<vmem>>) dst(%dma_wait3A_364 : memref<10240x128xf32, #tpu.memory_space<vmem_shared>>)
        %add3A_365 = arith.constant 7 : i32
        %add3A_366 = arith.addi %add3A_275, %add3A_365 : i32
        %lt3A_367 = arith.constant 160 : i32
        %lt3A_368 = arith.cmpi slt, %add3A_366, %lt3A_367 : i32
        %convert_element_type3A_369 = arith.extui %lt3A_368 : i1 to i32
        %cond3A_370 = arith.constant 0 : i32
        %cond3A_371 = arith.cmpi ne, %convert_element_type3A_369, %cond3A_370 : i32
        scf.if %cond3A_371 {
          %add3A_372 = arith.constant 7 : i32
          %add3A_373 = arith.addi %add3A_275, %add3A_372 : i32
          %dma_start3A_374 = arith.constant 0 : i32
          %dma_start3A_375 = arith.constant 0 : i32
          %dma_start3A_376 = tpu.memref_slice %arg3[%add3A, %add3A_373, %dma_start3A_374, %dma_start3A_375] : memref<32x160x2x64xi32, #tpu.memory_space<hbm>> -> memref<1x1x2x64xi32, #tpu.memory_space<hbm>>
          %dma_start3A_377 = tpu.memref_squeeze %dma_start3A_376 : memref<1x1x2x64xi32, #tpu.memory_space<hbm>> -> memref<2x64xi32, #tpu.memory_space<hbm>>
          %dma_start3A_378 = arith.constant 0 : i32
          %dma_start3A_379 = arith.constant 0 : i32
          %dma_start3A_380 = tpu.memref_slice %arg3[%add3A, %add3A_373, %dma_start3A_378, %dma_start3A_379] : memref<32x160x2x64xi32, #tpu.memory_space<hbm>> -> memref<1x1x2x64xi32, #tpu.memory_space<hbm>>
          %dma_start3A_381 = tpu.memref_squeeze %dma_start3A_380 : memref<1x1x2x64xi32, #tpu.memory_space<hbm>> -> memref<2x64xi32, #tpu.memory_space<hbm>>
          tpu.enqueue_dma source(%dma_start3A_381 : memref<2x64xi32, #tpu.memory_space<hbm>>) target(%arg10 : memref<2x64xi32, #tpu.memory_space<vmem>>) target_semaphore(%arg23 : memref<!tpu.dma_semaphore, #tpu.memory_space<semaphore_mem>>)
        } else {
        }
      } else {
      }
      %add3A_295 = arith.constant 3 : i32
      %add3A_296 = arith.addi %add3A_275, %add3A_295 : i32
      %lt3A_297 = arith.constant 160 : i32
      %lt3A_298 = arith.cmpi slt, %add3A_296, %lt3A_297 : i32
      %convert_element_type3A_299 = arith.extui %lt3A_298 : i1 to i32
      %cond3A_300 = arith.constant 0 : i32
      %cond3A_301 = arith.cmpi ne, %convert_element_type3A_299, %cond3A_300 : i32
      scf.if %cond3A_301 {
        %add3A_358 = arith.constant 3 : i32
        %add3A_359 = arith.addi %add3A_275, %add3A_358 : i32
        %dma_wait3A_360 = arith.constant 0 : i32
        %dma_wait3A_361 = arith.constant 0 : i32
        %dma_wait3A_362 = tpu.memref_slice %arg3[%add3A, %add3A_359, %dma_wait3A_360, %dma_wait3A_361] : memref<32x160x2x64xi32, #tpu.memory_space<hbm>> -> memref<1x1x2x64xi32, #tpu.memory_space<hbm>>
        %dma_wait3A_363 = tpu.memref_squeeze %dma_wait3A_362 : memref<1x1x2x64xi32, #tpu.memory_space<hbm>> -> memref<2x64xi32, #tpu.memory_space<hbm>>
        %dma_wait3A_364 = arith.constant 0 : i32
        %dma_wait3A_365 = arith.constant 0 : i32
        %dma_wait3A_366 = tpu.memref_slice %arg3[%add3A, %add3A_359, %dma_wait3A_364, %dma_wait3A_365] : memref<32x160x2x64xi32, #tpu.memory_space<hbm>> -> memref<1x1x2x64xi32, #tpu.memory_space<hbm>>
        %dma_wait3A_367 = tpu.memref_squeeze %dma_wait3A_366 : memref<1x1x2x64xi32, #tpu.memory_space<hbm>> -> memref<2x64xi32, #tpu.memory_space<hbm>>
        tpu.wait_dma2 semaphore(%arg19 : memref<!tpu.dma_semaphore, #tpu.memory_space<semaphore_mem>>) src(%dma_wait3A_367 : memref<2x64xi32, #tpu.memory_space<hbm>>) dst(%arg6 : memref<2x64xi32, #tpu.memory_space<vmem>>)
        %dma_start3A_368 = arith.constant 0 : i32
        %dma_start3A_369 = arith.constant 0 : i32
        %dma_start3A_370 = tpu.memref_slice %arg6[%dma_start3A_368, %dma_start3A_369] : memref<2x64xi32, #tpu.memory_space<vmem>> -> memref<1x64xi32, #tpu.memory_space<vmem>>
        %dma_start3A_371 = tpu.memref_squeeze %dma_start3A_370 : memref<1x64xi32, #tpu.memory_space<vmem>> -> memref<64xi32, #tpu.memory_space<vmem>>
        %dma_start3A_372 = arith.constant 0 : i32
        %dma_start3A_373 = arith.constant 0 : i32
        %dma_start3A_374 = tpu.memref_slice %arg2[%dma_start3A_372, %dma_start3A_373] : memref<10240x128xf32, #tpu.memory_space<hbm>> -> memref<10240x128xf32, #tpu.memory_space<hbm>>
        tpu.enqueue_indirect_dma source(%dma_start3A_374 : memref<10240x128xf32, #tpu.memory_space<hbm>>) target(%arg14 : memref<64x128xf32, #tpu.memory_space<vmem>>) offsets(%dma_start3A_371 : memref<64xi32, #tpu.memory_space<vmem>>) semaphore(%arg27 : memref<!tpu.dma_semaphore, #tpu.memory_space<semaphore_mem>>)
      } else {
      }
      %add3A_302 = arith.constant 6 : i32
      %add3A_303 = arith.addi %add3A_137, %add3A_302 : i32
      %dma_wait3A_304 = arith.constant 0 : i32
      %dma_wait3A_305 = arith.constant 0 : i32
      %dma_wait3A_306 = tpu.memref_slice %arg12[%dma_wait3A_304, %dma_wait3A_305] : memref<2x64xi32, #tpu.memory_space<vmem>> -> memref<1x64xi32, #tpu.memory_space<vmem>>
      %dma_wait3A_307 = tpu.memref_squeeze %dma_wait3A_306 : memref<1x64xi32, #tpu.memory_space<vmem>> -> memref<64xi32, #tpu.memory_space<vmem>>
      %dma_wait3A_308 = arith.constant 0 : i32
      %dma_wait3A_309 = arith.constant 0 : i32
      %dma_wait3A_310 = tpu.memref_slice %arg2[%dma_wait3A_308, %dma_wait3A_309] : memref<10240x128xf32, #tpu.memory_space<hbm>> -> memref<10240x128xf32, #tpu.memory_space<hbm>>
      tpu.wait_indirect_dma semaphore(%arg29 : memref<!tpu.dma_semaphore, #tpu.memory_space<semaphore_mem>>) src(%dma_wait3A_310 : memref<10240x128xf32, #tpu.memory_space<hbm>>) dst(%arg16 : memref<64x128xf32, #tpu.memory_space<vmem>>)
      %dma_start3A_311 = arith.constant 1 : i32
      %dma_start3A_312 = arith.constant 0 : i32
      %dma_start3A_313 = tpu.memref_slice %arg12[%dma_start3A_311, %dma_start3A_312] : memref<2x64xi32, #tpu.memory_space<vmem>> -> memref<1x64xi32, #tpu.memory_space<vmem>>
      %dma_start3A_314 = tpu.memref_squeeze %dma_start3A_313 : memref<1x64xi32, #tpu.memory_space<vmem>> -> memref<64xi32, #tpu.memory_space<vmem>>
      %dma_start3A_315 = arith.constant 0 : i32
      %dma_start3A_316 = arith.constant 0 : i32
      %dma_start3A_317 = tpu.memref_slice %arg18[%dma_start3A_315, %dma_start3A_316] : memref<10240x128xf32, #tpu.memory_space<vmem_shared>> -> memref<10240x128xf32, #tpu.memory_space<vmem_shared>>
      tpu.enqueue_indirect_dma source(%arg16 : memref<64x128xf32, #tpu.memory_space<vmem>>) target(%dma_start3A_317 : memref<10240x128xf32, #tpu.memory_space<vmem_shared>>) offsets(%dma_start3A_314 : memref<64xi32, #tpu.memory_space<vmem>>) semaphore(%arg33 : memref<!tpu.dma_semaphore, #tpu.memory_space<semaphore_mem>>) {add = true}
      %ge3A_318 = arith.constant 1 : i32
      %ge3A_319 = arith.cmpi sge, %add3A_303, %ge3A_318 : i32
      %convert_element_type3A_320 = arith.extui %ge3A_319 : i1 to i32
      %cond3A_321 = arith.constant 0 : i32
      %cond3A_322 = arith.cmpi ne, %convert_element_type3A_320, %cond3A_321 : i32
      scf.if %cond3A_322 {
        %dma_wait3A_358 = arith.constant 1 : i32
        %dma_wait3A_359 = arith.constant 0 : i32
        %dma_wait3A_360 = tpu.memref_slice %arg11[%dma_wait3A_358, %dma_wait3A_359] : memref<2x64xi32, #tpu.memory_space<vmem>> -> memref<1x64xi32, #tpu.memory_space<vmem>>
        %dma_wait3A_361 = tpu.memref_squeeze %dma_wait3A_360 : memref<1x64xi32, #tpu.memory_space<vmem>> -> memref<64xi32, #tpu.memory_space<vmem>>
        %dma_wait3A_362 = arith.constant 0 : i32
        %dma_wait3A_363 = arith.constant 0 : i32
        %dma_wait3A_364 = tpu.memref_slice %arg18[%dma_wait3A_362, %dma_wait3A_363] : memref<10240x128xf32, #tpu.memory_space<vmem_shared>> -> memref<10240x128xf32, #tpu.memory_space<vmem_shared>>
        tpu.wait_indirect_dma semaphore(%arg32 : memref<!tpu.dma_semaphore, #tpu.memory_space<semaphore_mem>>) src(%arg15 : memref<64x128xf32, #tpu.memory_space<vmem>>) dst(%dma_wait3A_364 : memref<10240x128xf32, #tpu.memory_space<vmem_shared>>)
        %add3A_365 = arith.constant 7 : i32
        %add3A_366 = arith.addi %add3A_303, %add3A_365 : i32
        %lt3A_367 = arith.constant 160 : i32
        %lt3A_368 = arith.cmpi slt, %add3A_366, %lt3A_367 : i32
        %convert_element_type3A_369 = arith.extui %lt3A_368 : i1 to i32
        %cond3A_370 = arith.constant 0 : i32
        %cond3A_371 = arith.cmpi ne, %convert_element_type3A_369, %cond3A_370 : i32
        scf.if %cond3A_371 {
          %add3A_372 = arith.constant 7 : i32
          %add3A_373 = arith.addi %add3A_303, %add3A_372 : i32
          %dma_start3A_374 = arith.constant 0 : i32
          %dma_start3A_375 = arith.constant 0 : i32
          %dma_start3A_376 = tpu.memref_slice %arg3[%add3A, %add3A_373, %dma_start3A_374, %dma_start3A_375] : memref<32x160x2x64xi32, #tpu.memory_space<hbm>> -> memref<1x1x2x64xi32, #tpu.memory_space<hbm>>
          %dma_start3A_377 = tpu.memref_squeeze %dma_start3A_376 : memref<1x1x2x64xi32, #tpu.memory_space<hbm>> -> memref<2x64xi32, #tpu.memory_space<hbm>>
          %dma_start3A_378 = arith.constant 0 : i32
          %dma_start3A_379 = arith.constant 0 : i32
          %dma_start3A_380 = tpu.memref_slice %arg3[%add3A, %add3A_373, %dma_start3A_378, %dma_start3A_379] : memref<32x160x2x64xi32, #tpu.memory_space<hbm>> -> memref<1x1x2x64xi32, #tpu.memory_space<hbm>>
          %dma_start3A_381 = tpu.memref_squeeze %dma_start3A_380 : memref<1x1x2x64xi32, #tpu.memory_space<hbm>> -> memref<2x64xi32, #tpu.memory_space<hbm>>
          tpu.enqueue_dma source(%dma_start3A_381 : memref<2x64xi32, #tpu.memory_space<hbm>>) target(%arg11 : memref<2x64xi32, #tpu.memory_space<vmem>>) target_semaphore(%arg24 : memref<!tpu.dma_semaphore, #tpu.memory_space<semaphore_mem>>)
        } else {
        }
      } else {
      }
      %add3A_323 = arith.constant 3 : i32
      %add3A_324 = arith.addi %add3A_303, %add3A_323 : i32
      %lt3A_325 = arith.constant 160 : i32
      %lt3A_326 = arith.cmpi slt, %add3A_324, %lt3A_325 : i32
      %convert_element_type3A_327 = arith.extui %lt3A_326 : i1 to i32
      %cond3A_328 = arith.constant 0 : i32
      %cond3A_329 = arith.cmpi ne, %convert_element_type3A_327, %cond3A_328 : i32
      scf.if %cond3A_329 {
        %add3A_358 = arith.constant 3 : i32
        %add3A_359 = arith.addi %add3A_303, %add3A_358 : i32
        %dma_wait3A_360 = arith.constant 0 : i32
        %dma_wait3A_361 = arith.constant 0 : i32
        %dma_wait3A_362 = tpu.memref_slice %arg3[%add3A, %add3A_359, %dma_wait3A_360, %dma_wait3A_361] : memref<32x160x2x64xi32, #tpu.memory_space<hbm>> -> memref<1x1x2x64xi32, #tpu.memory_space<hbm>>
        %dma_wait3A_363 = tpu.memref_squeeze %dma_wait3A_362 : memref<1x1x2x64xi32, #tpu.memory_space<hbm>> -> memref<2x64xi32, #tpu.memory_space<hbm>>
        %dma_wait3A_364 = arith.constant 0 : i32
        %dma_wait3A_365 = arith.constant 0 : i32
        %dma_wait3A_366 = tpu.memref_slice %arg3[%add3A, %add3A_359, %dma_wait3A_364, %dma_wait3A_365] : memref<32x160x2x64xi32, #tpu.memory_space<hbm>> -> memref<1x1x2x64xi32, #tpu.memory_space<hbm>>
        %dma_wait3A_367 = tpu.memref_squeeze %dma_wait3A_366 : memref<1x1x2x64xi32, #tpu.memory_space<hbm>> -> memref<2x64xi32, #tpu.memory_space<hbm>>
        tpu.wait_dma2 semaphore(%arg20 : memref<!tpu.dma_semaphore, #tpu.memory_space<semaphore_mem>>) src(%dma_wait3A_367 : memref<2x64xi32, #tpu.memory_space<hbm>>) dst(%arg7 : memref<2x64xi32, #tpu.memory_space<vmem>>)
        %dma_start3A_368 = arith.constant 0 : i32
        %dma_start3A_369 = arith.constant 0 : i32
        %dma_start3A_370 = tpu.memref_slice %arg7[%dma_start3A_368, %dma_start3A_369] : memref<2x64xi32, #tpu.memory_space<vmem>> -> memref<1x64xi32, #tpu.memory_space<vmem>>
        %dma_start3A_371 = tpu.memref_squeeze %dma_start3A_370 : memref<1x64xi32, #tpu.memory_space<vmem>> -> memref<64xi32, #tpu.memory_space<vmem>>
        %dma_start3A_372 = arith.constant 0 : i32
        %dma_start3A_373 = arith.constant 0 : i32
        %dma_start3A_374 = tpu.memref_slice %arg2[%dma_start3A_372, %dma_start3A_373] : memref<10240x128xf32, #tpu.memory_space<hbm>> -> memref<10240x128xf32, #tpu.memory_space<hbm>>
        tpu.enqueue_indirect_dma source(%dma_start3A_374 : memref<10240x128xf32, #tpu.memory_space<hbm>>) target(%arg15 : memref<64x128xf32, #tpu.memory_space<vmem>>) offsets(%dma_start3A_371 : memref<64xi32, #tpu.memory_space<vmem>>) semaphore(%arg28 : memref<!tpu.dma_semaphore, #tpu.memory_space<semaphore_mem>>)
      } else {
      }
      %add3A_330 = arith.constant 7 : i32
      %add3A_331 = arith.addi %add3A_137, %add3A_330 : i32
      %dma_wait3A_332 = arith.constant 0 : i32
      %dma_wait3A_333 = arith.constant 0 : i32
      %dma_wait3A_334 = tpu.memref_slice %arg13[%dma_wait3A_332, %dma_wait3A_333] : memref<2x64xi32, #tpu.memory_space<vmem>> -> memref<1x64xi32, #tpu.memory_space<vmem>>
      %dma_wait3A_335 = tpu.memref_squeeze %dma_wait3A_334 : memref<1x64xi32, #tpu.memory_space<vmem>> -> memref<64xi32, #tpu.memory_space<vmem>>
      %dma_wait3A_336 = arith.constant 0 : i32
      %dma_wait3A_337 = arith.constant 0 : i32
      %dma_wait3A_338 = tpu.memref_slice %arg2[%dma_wait3A_336, %dma_wait3A_337] : memref<10240x128xf32, #tpu.memory_space<hbm>> -> memref<10240x128xf32, #tpu.memory_space<hbm>>
      tpu.wait_indirect_dma semaphore(%arg30 : memref<!tpu.dma_semaphore, #tpu.memory_space<semaphore_mem>>) src(%dma_wait3A_338 : memref<10240x128xf32, #tpu.memory_space<hbm>>) dst(%arg17 : memref<64x128xf32, #tpu.memory_space<vmem>>)
      %dma_start3A_339 = arith.constant 1 : i32
      %dma_start3A_340 = arith.constant 0 : i32
      %dma_start3A_341 = tpu.memref_slice %arg13[%dma_start3A_339, %dma_start3A_340] : memref<2x64xi32, #tpu.memory_space<vmem>> -> memref<1x64xi32, #tpu.memory_space<vmem>>
      %dma_start3A_342 = tpu.memref_squeeze %dma_start3A_341 : memref<1x64xi32, #tpu.memory_space<vmem>> -> memref<64xi32, #tpu.memory_space<vmem>>
      %dma_start3A_343 = arith.constant 0 : i32
      %dma_start3A_344 = arith.constant 0 : i32
      %dma_start3A_345 = tpu.memref_slice %arg18[%dma_start3A_343, %dma_start3A_344] : memref<10240x128xf32, #tpu.memory_space<vmem_shared>> -> memref<10240x128xf32, #tpu.memory_space<vmem_shared>>
      tpu.enqueue_indirect_dma source(%arg17 : memref<64x128xf32, #tpu.memory_space<vmem>>) target(%dma_start3A_345 : memref<10240x128xf32, #tpu.memory_space<vmem_shared>>) offsets(%dma_start3A_342 : memref<64xi32, #tpu.memory_space<vmem>>) semaphore(%arg34 : memref<!tpu.dma_semaphore, #tpu.memory_space<semaphore_mem>>) {add = true}
      %ge3A_346 = arith.constant 1 : i32
      %ge3A_347 = arith.cmpi sge, %add3A_331, %ge3A_346 : i32
      %convert_element_type3A_348 = arith.extui %ge3A_347 : i1 to i32
      %cond3A_349 = arith.constant 0 : i32
      %cond3A_350 = arith.cmpi ne, %convert_element_type3A_348, %cond3A_349 : i32
      scf.if %cond3A_350 {
        %dma_wait3A_358 = arith.constant 1 : i32
        %dma_wait3A_359 = arith.constant 0 : i32
        %dma_wait3A_360 = tpu.memref_slice %arg12[%dma_wait3A_358, %dma_wait3A_359] : memref<2x64xi32, #tpu.memory_space<vmem>> -> memref<1x64xi32, #tpu.memory_space<vmem>>
        %dma_wait3A_361 = tpu.memref_squeeze %dma_wait3A_360 : memref<1x64xi32, #tpu.memory_space<vmem>> -> memref<64xi32, #tpu.memory_space<vmem>>
        %dma_wait3A_362 = arith.constant 0 : i32
        %dma_wait3A_363 = arith.constant 0 : i32
        %dma_wait3A_364 = tpu.memref_slice %arg18[%dma_wait3A_362, %dma_wait3A_363] : memref<10240x128xf32, #tpu.memory_space<vmem_shared>> -> memref<10240x128xf32, #tpu.memory_space<vmem_shared>>
        tpu.wait_indirect_dma semaphore(%arg33 : memref<!tpu.dma_semaphore, #tpu.memory_space<semaphore_mem>>) src(%arg16 : memref<64x128xf32, #tpu.memory_space<vmem>>) dst(%dma_wait3A_364 : memref<10240x128xf32, #tpu.memory_space<vmem_shared>>)
        %add3A_365 = arith.constant 7 : i32
        %add3A_366 = arith.addi %add3A_331, %add3A_365 : i32
        %lt3A_367 = arith.constant 160 : i32
        %lt3A_368 = arith.cmpi slt, %add3A_366, %lt3A_367 : i32
        %convert_element_type3A_369 = arith.extui %lt3A_368 : i1 to i32
        %cond3A_370 = arith.constant 0 : i32
        %cond3A_371 = arith.cmpi ne, %convert_element_type3A_369, %cond3A_370 : i32
        scf.if %cond3A_371 {
          %add3A_372 = arith.constant 7 : i32
          %add3A_373 = arith.addi %add3A_331, %add3A_372 : i32
          %dma_start3A_374 = arith.constant 0 : i32
          %dma_start3A_375 = arith.constant 0 : i32
          %dma_start3A_376 = tpu.memref_slice %arg3[%add3A, %add3A_373, %dma_start3A_374, %dma_start3A_375] : memref<32x160x2x64xi32, #tpu.memory_space<hbm>> -> memref<1x1x2x64xi32, #tpu.memory_space<hbm>>
          %dma_start3A_377 = tpu.memref_squeeze %dma_start3A_376 : memref<1x1x2x64xi32, #tpu.memory_space<hbm>> -> memref<2x64xi32, #tpu.memory_space<hbm>>
          %dma_start3A_378 = arith.constant 0 : i32
          %dma_start3A_379 = arith.constant 0 : i32
          %dma_start3A_380 = tpu.memref_slice %arg3[%add3A, %add3A_373, %dma_start3A_378, %dma_start3A_379] : memref<32x160x2x64xi32, #tpu.memory_space<hbm>> -> memref<1x1x2x64xi32, #tpu.memory_space<hbm>>
          %dma_start3A_381 = tpu.memref_squeeze %dma_start3A_380 : memref<1x1x2x64xi32, #tpu.memory_space<hbm>> -> memref<2x64xi32, #tpu.memory_space<hbm>>
          tpu.enqueue_dma source(%dma_start3A_381 : memref<2x64xi32, #tpu.memory_space<hbm>>) target(%arg12 : memref<2x64xi32, #tpu.memory_space<vmem>>) target_semaphore(%arg25 : memref<!tpu.dma_semaphore, #tpu.memory_space<semaphore_mem>>)
        } else {
        }
      } else {
      }
      %add3A_351 = arith.constant 3 : i32
      %add3A_352 = arith.addi %add3A_331, %add3A_351 : i32
      %lt3A_353 = arith.constant 160 : i32
      %lt3A_354 = arith.cmpi slt, %add3A_352, %lt3A_353 : i32
      %convert_element_type3A_355 = arith.extui %lt3A_354 : i1 to i32
      %cond3A_356 = arith.constant 0 : i32
      %cond3A_357 = arith.cmpi ne, %convert_element_type3A_355, %cond3A_356 : i32
      scf.if %cond3A_357 {
        %add3A_358 = arith.constant 3 : i32
        %add3A_359 = arith.addi %add3A_331, %add3A_358 : i32
        %dma_wait3A_360 = arith.constant 0 : i32
        %dma_wait3A_361 = arith.constant 0 : i32
        %dma_wait3A_362 = tpu.memref_slice %arg3[%add3A, %add3A_359, %dma_wait3A_360, %dma_wait3A_361] : memref<32x160x2x64xi32, #tpu.memory_space<hbm>> -> memref<1x1x2x64xi32, #tpu.memory_space<hbm>>
        %dma_wait3A_363 = tpu.memref_squeeze %dma_wait3A_362 : memref<1x1x2x64xi32, #tpu.memory_space<hbm>> -> memref<2x64xi32, #tpu.memory_space<hbm>>
        %dma_wait3A_364 = arith.constant 0 : i32
        %dma_wait3A_365 = arith.constant 0 : i32
        %dma_wait3A_366 = tpu.memref_slice %arg3[%add3A, %add3A_359, %dma_wait3A_364, %dma_wait3A_365] : memref<32x160x2x64xi32, #tpu.memory_space<hbm>> -> memref<1x1x2x64xi32, #tpu.memory_space<hbm>>
        %dma_wait3A_367 = tpu.memref_squeeze %dma_wait3A_366 : memref<1x1x2x64xi32, #tpu.memory_space<hbm>> -> memref<2x64xi32, #tpu.memory_space<hbm>>
        tpu.wait_dma2 semaphore(%arg21 : memref<!tpu.dma_semaphore, #tpu.memory_space<semaphore_mem>>) src(%dma_wait3A_367 : memref<2x64xi32, #tpu.memory_space<hbm>>) dst(%arg8 : memref<2x64xi32, #tpu.memory_space<vmem>>)
        %dma_start3A_368 = arith.constant 0 : i32
        %dma_start3A_369 = arith.constant 0 : i32
        %dma_start3A_370 = tpu.memref_slice %arg8[%dma_start3A_368, %dma_start3A_369] : memref<2x64xi32, #tpu.memory_space<vmem>> -> memref<1x64xi32, #tpu.memory_space<vmem>>
        %dma_start3A_371 = tpu.memref_squeeze %dma_start3A_370 : memref<1x64xi32, #tpu.memory_space<vmem>> -> memref<64xi32, #tpu.memory_space<vmem>>
        %dma_start3A_372 = arith.constant 0 : i32
        %dma_start3A_373 = arith.constant 0 : i32
        %dma_start3A_374 = tpu.memref_slice %arg2[%dma_start3A_372, %dma_start3A_373] : memref<10240x128xf32, #tpu.memory_space<hbm>> -> memref<10240x128xf32, #tpu.memory_space<hbm>>
        tpu.enqueue_indirect_dma source(%dma_start3A_374 : memref<10240x128xf32, #tpu.memory_space<hbm>>) target(%arg16 : memref<64x128xf32, #tpu.memory_space<vmem>>) offsets(%dma_start3A_371 : memref<64xi32, #tpu.memory_space<vmem>>) semaphore(%arg29 : memref<!tpu.dma_semaphore, #tpu.memory_space<semaphore_mem>>)
      } else {
      }
    }
    %scan3A_124 = arith.constant 20 : i32
    %dma_wait3A_125 = arith.constant 1 : i32
    %dma_wait3A_126 = arith.constant 0 : i32
    %dma_wait3A_127 = tpu.memref_slice %arg13[%dma_wait3A_125, %dma_wait3A_126] : memref<2x64xi32, #tpu.memory_space<vmem>> -> memref<1x64xi32, #tpu.memory_space<vmem>>
    %dma_wait3A_128 = tpu.memref_squeeze %dma_wait3A_127 : memref<1x64xi32, #tpu.memory_space<vmem>> -> memref<64xi32, #tpu.memory_space<vmem>>
    %dma_wait3A_129 = arith.constant 0 : i32
    %dma_wait3A_130 = arith.constant 0 : i32
    %dma_wait3A_131 = tpu.memref_slice %arg18[%dma_wait3A_129, %dma_wait3A_130] : memref<10240x128xf32, #tpu.memory_space<vmem_shared>> -> memref<10240x128xf32, #tpu.memory_space<vmem_shared>>
    tpu.wait_indirect_dma semaphore(%arg34 : memref<!tpu.dma_semaphore, #tpu.memory_space<semaphore_mem>>) src(%arg17 : memref<64x128xf32, #tpu.memory_space<vmem>>) dst(%dma_wait3A_131 : memref<10240x128xf32, #tpu.memory_space<vmem_shared>>)
    %barrier3A_132 = arith.constant 0 : index
    tpu.barrier barrier_id(%barrier3A_132)
    "tpu.region"() ({
      %run_scoped3A = tpu.sem_alloc : memref<!tpu.dma_semaphore, #tpu.memory_space<semaphore_mem>>
      %dma_start3A_133 = arith.constant 0 : i32
      %dma_start3A_134 = tpu.memref_slice %arg5[%arg0, %mul3A_2, %dma_start3A_133] : memref<2x10240x128xf32, #tpu.memory_space<hbm>> -> memref<1x640x128xf32, #tpu.memory_space<hbm>>
      %dma_start3A_135 = tpu.memref_squeeze %dma_start3A_134 : memref<1x640x128xf32, #tpu.memory_space<hbm>> -> memref<640x128xf32, #tpu.memory_space<hbm>>
      %dma_start3A_136 = arith.constant 0 : i32
      %dma_start3A_137 = tpu.memref_slice %arg18[%mul3A_2, %dma_start3A_136] : memref<10240x128xf32, #tpu.memory_space<vmem_shared>> -> memref<640x128xf32, #tpu.memory_space<vmem_shared>>
      tpu.enqueue_dma source(%dma_start3A_137 : memref<640x128xf32, #tpu.memory_space<vmem_shared>>) target(%dma_start3A_135 : memref<640x128xf32, #tpu.memory_space<hbm>>) target_semaphore(%run_scoped3A : memref<!tpu.dma_semaphore, #tpu.memory_space<semaphore_mem>>)
      %dma_wait3A_138 = arith.constant 0 : i32
      %dma_wait3A_139 = tpu.memref_slice %arg5[%arg0, %mul3A_2, %dma_wait3A_138] : memref<2x10240x128xf32, #tpu.memory_space<hbm>> -> memref<1x640x128xf32, #tpu.memory_space<hbm>>
      %dma_wait3A_140 = tpu.memref_squeeze %dma_wait3A_139 : memref<1x640x128xf32, #tpu.memory_space<hbm>> -> memref<640x128xf32, #tpu.memory_space<hbm>>
      %dma_wait3A_141 = arith.constant 0 : i32
      %dma_wait3A_142 = tpu.memref_slice %arg18[%mul3A_2, %dma_wait3A_141] : memref<10240x128xf32, #tpu.memory_space<vmem_shared>> -> memref<640x128xf32, #tpu.memory_space<vmem_shared>>
      tpu.wait_dma2 semaphore(%run_scoped3A : memref<!tpu.dma_semaphore, #tpu.memory_space<semaphore_mem>>) src(%dma_wait3A_142 : memref<640x128xf32, #tpu.memory_space<vmem_shared>>) dst(%dma_wait3A_140 : memref<640x128xf32, #tpu.memory_space<hbm>>)
      tpu.yield
    }) : () -> ()
    return
  }
}

module attributes {stable_mosaic.version = 14 : i64} {
  func.func @_pre_body(%arg0: i32, %arg1: memref<1024x128xf32, #tpu.memory_space<vmem>>, %arg2: memref<128x128xf32, #tpu.memory_space<vmem>>, %arg3: memref<2x1024x1xf32, #tpu.memory_space<vmem>>, %arg4: memref<1024x1xf32, #tpu.memory_space<vmem>>, %arg5: memref<1024x128xf32, #tpu.memory_space<vmem>>) attributes {dimension_semantics = [#tpu.dimension_semantics<arbitrary>], iteration_bounds = array<i64: 10>, scalar_prefetch = 0 : i64, scratch_operands = 0 : i64, tpu.core_type = #tpu.core_type<tc>, window_params = [{transform_indices = @transform_0, window_bounds = array<i64: 1024, 128>}, {pipeline_mode = #tpu.pipeline_mode<synchronous>, transform_indices = @transform_1, window_bounds = array<i64: 128, 128>}, {transform_indices = @transform_2, window_bounds = array<i64: 2, 1024, 1>}, {transform_indices = @transform_3, window_bounds = array<i64: 1024, 1>}, {transform_indices = @transform_4, window_bounds = array<i64: 1024, 128>}]} {
    %get3A = arith.constant 0 : index
    %get3A_0 = arith.constant 0 : index
    %get3A_1 = arith.constant 0 : index
    %get3A_2 = vector.load %arg3[%get3A, %get3A_0, %get3A_1] : memref<2x1024x1xf32, #tpu.memory_space<vmem>>, vector<1x1024x1xf32>
    %get3A_3 = vector.shape_cast %get3A_2 : vector<1x1024x1xf32> to vector<1024x1xf32>
    %get3A_4 = arith.constant 1 : index
    %get3A_5 = arith.constant 0 : index
    %get3A_6 = arith.constant 0 : index
    %get3A_7 = vector.load %arg3[%get3A_4, %get3A_5, %get3A_6] : memref<2x1024x1xf32, #tpu.memory_space<vmem>>, vector<1x1024x1xf32>
    %get3A_8 = vector.shape_cast %get3A_7 : vector<1x1024x1xf32> to vector<1024x1xf32>
    %add3A = arith.addf %get3A_3, %get3A_8 : vector<1024x1xf32>
    %add3A_9 = arith.constant 1.000000e+00 : f32
    %add3A_10 = vector.broadcast %add3A_9 : f32 to vector<1024x1xf32>
    %add3A_11 = arith.addf %add3A, %add3A_10 : vector<1024x1xf32>
    %rsqrt3A = math.rsqrt %add3A_11 : vector<1024x1xf32>
    %swap3A = arith.constant 0 : index
    %swap3A_12 = arith.constant 0 : index
    %swap3A_13 = vector.load %arg4[%swap3A, %swap3A_12] : memref<1024x1xf32, #tpu.memory_space<vmem>>, vector<1024x1xf32>
    tpu.vector_store %arg4[%swap3A, %swap3A_12], %rsqrt3A {strides = array<i32>} : memref<1024x1xf32, #tpu.memory_space<vmem>>, vector<1024x1xf32>,
    %get3A_14 = arith.constant 0 : index
    %get3A_15 = arith.constant 0 : index
    %get3A_16 = vector.load %arg1[%get3A_14, %get3A_15] : memref<1024x128xf32, #tpu.memory_space<vmem>>, vector<1024x128xf32>
    %get3A_17 = arith.constant 0 : index
    %get3A_18 = arith.constant 0 : index
    %get3A_19 = vector.load %arg2[%get3A_17, %get3A_18] : memref<128x128xf32, #tpu.memory_space<vmem>>, vector<128x128xf32>
    %dot_general3A = arith.constant dense<0.000000e+00> : vector<1024x128xf32>
    %dot_general3A_20 = tpu.matmul %get3A_16, %get3A_19, %dot_general3A {dimension_numbers = #tpu.dot_dimension_numbers<[1], [0], [0], [1], [0, 0, 1, 1], [], []>, transpose_lhs_hint = false} : vector<1024x128xf32>, vector<128x128xf32>, vector<1024x128xf32> -> vector<1024x128xf32>
    %mul3A = vector.broadcast %rsqrt3A : vector<1024x1xf32> to vector<1024x128xf32>
    %mul3A_21 = arith.mulf %dot_general3A_20, %mul3A : vector<1024x128xf32>
    %swap3A_22 = arith.constant 0 : index
    %swap3A_23 = arith.constant 0 : index
    %swap3A_24 = vector.load %arg5[%swap3A_22, %swap3A_23] : memref<1024x128xf32, #tpu.memory_space<vmem>>, vector<1024x128xf32>
    tpu.vector_store %arg5[%swap3A_22, %swap3A_23], %mul3A_21 {strides = array<i32>} : memref<1024x128xf32, #tpu.memory_space<vmem>>, vector<1024x128xf32>,
    return
  }
  func.func @transform_0(%arg0: i32) -> (i32, i32) {
    %c0_i32 = arith.constant 0 : i32
    %c0_i32_0 = arith.constant 0 : i32
    return %arg0, %c0_i32 : i32, i32
  }
  func.func @transform_1(%arg0: i32) -> (i32, i32) {
    %c0_i32 = arith.constant 0 : i32
    %c0_i32_0 = arith.constant 0 : i32
    %c0_i32_1 = arith.constant 0 : i32
    return %c0_i32, %c0_i32_0 : i32, i32
  }
  func.func @transform_2(%arg0: i32) -> (i32, i32, i32) {
    %c0_i32 = arith.constant 0 : i32
    %c0_i32_0 = arith.constant 0 : i32
    %c0_i32_1 = arith.constant 0 : i32
    return %c0_i32, %arg0, %c0_i32_0 : i32, i32, i32
  }
  func.func @transform_3(%arg0: i32) -> (i32, i32) {
    %c0_i32 = arith.constant 0 : i32
    %c0_i32_0 = arith.constant 0 : i32
    return %arg0, %c0_i32 : i32, i32
  }
  func.func @transform_4(%arg0: i32) -> (i32, i32) {
    %c0_i32 = arith.constant 0 : i32
    %c0_i32_0 = arith.constant 0 : i32
    return %arg0, %c0_i32 : i32, i32
  }
}

module attributes {stable_mosaic.version = 14 : i64} {
  func.func @_mid_body(%arg0: i32, %arg1: memref<2x1024x128xf32, #tpu.memory_space<vmem>>, %arg2: memref<1024x128xf32, #tpu.memory_space<vmem>>, %arg3: memref<1024x1xf32, #tpu.memory_space<vmem>>, %arg4: memref<1x128xf32, #tpu.memory_space<vmem>>, %arg5: memref<128x128xf32, #tpu.memory_space<vmem>>, %arg6: memref<1024x128xf32, #tpu.memory_space<vmem>>) attributes {dimension_semantics = [#tpu.dimension_semantics<arbitrary>], iteration_bounds = array<i64: 10>, scalar_prefetch = 0 : i64, scratch_operands = 0 : i64, tpu.core_type = #tpu.core_type<tc>, window_params = [{transform_indices = @transform_0, window_bounds = array<i64: 2, 1024, 128>}, {transform_indices = @transform_1, window_bounds = array<i64: 1024, 128>}, {transform_indices = @transform_2, window_bounds = array<i64: 1024, 1>}, {pipeline_mode = #tpu.pipeline_mode<synchronous>, transform_indices = @transform_3, window_bounds = array<i64: 1, 128>}, {pipeline_mode = #tpu.pipeline_mode<synchronous>, transform_indices = @transform_4, window_bounds = array<i64: 128, 128>}, {transform_indices = @transform_5, window_bounds = array<i64: 1024, 128>}]} {
    %get3A = arith.constant 0 : index
    %get3A_0 = arith.constant 0 : index
    %get3A_1 = vector.load %arg3[%get3A, %get3A_0] : memref<1024x1xf32, #tpu.memory_space<vmem>>, vector<1024x1xf32>
    %get3A_2 = arith.constant 0 : index
    %get3A_3 = arith.constant 0 : index
    %get3A_4 = arith.constant 0 : index
    %get3A_5 = vector.load %arg1[%get3A_2, %get3A_3, %get3A_4] : memref<2x1024x128xf32, #tpu.memory_space<vmem>>, vector<1x1024x128xf32>
    %get3A_6 = vector.shape_cast %get3A_5 : vector<1x1024x128xf32> to vector<1024x128xf32>
    %get3A_7 = arith.constant 1 : index
    %get3A_8 = arith.constant 0 : index
    %get3A_9 = arith.constant 0 : index
    %get3A_10 = vector.load %arg1[%get3A_7, %get3A_8, %get3A_9] : memref<2x1024x128xf32, #tpu.memory_space<vmem>>, vector<1x1024x128xf32>
    %get3A_11 = vector.shape_cast %get3A_10 : vector<1x1024x128xf32> to vector<1024x128xf32>
    %add3A = arith.addf %get3A_6, %get3A_11 : vector<1024x128xf32>
    %get3A_12 = arith.constant 0 : index
    %get3A_13 = arith.constant 0 : index
    %get3A_14 = vector.load %arg2[%get3A_12, %get3A_13] : memref<1024x128xf32, #tpu.memory_space<vmem>>, vector<1024x128xf32>
    %add3A_15 = arith.addf %add3A, %get3A_14 : vector<1024x128xf32>
    %mul3A = vector.broadcast %get3A_1 : vector<1024x1xf32> to vector<1024x128xf32>
    %mul3A_16 = arith.mulf %add3A_15, %mul3A : vector<1024x128xf32>
    %get3A_17 = arith.constant 0 : index
    %get3A_18 = arith.constant 0 : index
    %get3A_19 = vector.load %arg4[%get3A_17, %get3A_18] : memref<1x128xf32, #tpu.memory_space<vmem>>, vector<1x128xf32>
    %add3A_20 = vector.broadcast %get3A_19 : vector<1x128xf32> to vector<1024x128xf32>
    %add3A_21 = arith.addf %mul3A_16, %add3A_20 : vector<1024x128xf32>
    %max3A = arith.constant 0.000000e+00 : f32
    %max3A_22 = vector.broadcast %max3A : f32 to vector<1024x128xf32>
    %max3A_23 = arith.maximumf %add3A_21, %max3A_22 : vector<1024x128xf32>
    %get3A_24 = arith.constant 0 : index
    %get3A_25 = arith.constant 0 : index
    %get3A_26 = vector.load %arg5[%get3A_24, %get3A_25] : memref<128x128xf32, #tpu.memory_space<vmem>>, vector<128x128xf32>
    %dot_general3A = arith.constant dense<0.000000e+00> : vector<1024x128xf32>
    %dot_general3A_27 = tpu.matmul %max3A_23, %get3A_26, %dot_general3A {dimension_numbers = #tpu.dot_dimension_numbers<[1], [0], [0], [1], [0, 0, 1, 1], [], []>, transpose_lhs_hint = false} : vector<1024x128xf32>, vector<128x128xf32>, vector<1024x128xf32> -> vector<1024x128xf32>
    %mul3A_28 = vector.broadcast %get3A_1 : vector<1024x1xf32> to vector<1024x128xf32>
    %mul3A_29 = arith.mulf %dot_general3A_27, %mul3A_28 : vector<1024x128xf32>
    %swap3A = arith.constant 0 : index
    %swap3A_30 = arith.constant 0 : index
    %swap3A_31 = vector.load %arg6[%swap3A, %swap3A_30] : memref<1024x128xf32, #tpu.memory_space<vmem>>, vector<1024x128xf32>
    tpu.vector_store %arg6[%swap3A, %swap3A_30], %mul3A_29 {strides = array<i32>} : memref<1024x128xf32, #tpu.memory_space<vmem>>, vector<1024x128xf32>,
    return
  }
  func.func @transform_0(%arg0: i32) -> (i32, i32, i32) {
    %c0_i32 = arith.constant 0 : i32
    %c0_i32_0 = arith.constant 0 : i32
    %c0_i32_1 = arith.constant 0 : i32
    return %c0_i32, %arg0, %c0_i32_0 : i32, i32, i32
  }
  func.func @transform_1(%arg0: i32) -> (i32, i32) {
    %c0_i32 = arith.constant 0 : i32
    %c0_i32_0 = arith.constant 0 : i32
    return %arg0, %c0_i32 : i32, i32
  }
  func.func @transform_2(%arg0: i32) -> (i32, i32) {
    %c0_i32 = arith.constant 0 : i32
    %c0_i32_0 = arith.constant 0 : i32
    return %arg0, %c0_i32 : i32, i32
  }
  func.func @transform_3(%arg0: i32) -> (i32, i32) {
    %c0_i32 = arith.constant 0 : i32
    %c0_i32_0 = arith.constant 0 : i32
    %c0_i32_1 = arith.constant 0 : i32
    return %c0_i32, %c0_i32_0 : i32, i32
  }
  func.func @transform_4(%arg0: i32) -> (i32, i32) {
    %c0_i32 = arith.constant 0 : i32
    %c0_i32_0 = arith.constant 0 : i32
    %c0_i32_1 = arith.constant 0 : i32
    return %c0_i32, %c0_i32_0 : i32, i32
  }
  func.func @transform_5(%arg0: i32) -> (i32, i32) {
    %c0_i32 = arith.constant 0 : i32
    %c0_i32_0 = arith.constant 0 : i32
    return %arg0, %c0_i32 : i32, i32
  }
}

module attributes {stable_mosaic.version = 14 : i64} {
  func.func @_head_body(%arg0: i32, %arg1: memref<2x1024x128xf32, #tpu.memory_space<vmem>>, %arg2: memref<1024x128xf32, #tpu.memory_space<vmem>>, %arg3: memref<1024x1xf32, #tpu.memory_space<vmem>>, %arg4: memref<1x128xf32, #tpu.memory_space<vmem>>, %arg5: memref<128x256xf32, #tpu.memory_space<vmem>>, %arg6: memref<1x256xf32, #tpu.memory_space<vmem>>, %arg7: memref<256x128xf32, #tpu.memory_space<vmem>>, %arg8: memref<1x128xf32, #tpu.memory_space<vmem>>, %arg9: memref<1024x128xf32, #tpu.memory_space<vmem>>) attributes {dimension_semantics = [#tpu.dimension_semantics<arbitrary>], iteration_bounds = array<i64: 10>, scalar_prefetch = 0 : i64, scratch_operands = 0 : i64, tpu.core_type = #tpu.core_type<tc>, window_params = [{transform_indices = @transform_0, window_bounds = array<i64: 2, 1024, 128>}, {transform_indices = @transform_1, window_bounds = array<i64: 1024, 128>}, {transform_indices = @transform_2, window_bounds = array<i64: 1024, 1>}, {pipeline_mode = #tpu.pipeline_mode<synchronous>, transform_indices = @transform_3, window_bounds = array<i64: 1, 128>}, {pipeline_mode = #tpu.pipeline_mode<synchronous>, transform_indices = @transform_4, window_bounds = array<i64: 128, 256>}, {pipeline_mode = #tpu.pipeline_mode<synchronous>, transform_indices = @transform_5, window_bounds = array<i64: 1, 256>}, {pipeline_mode = #tpu.pipeline_mode<synchronous>, transform_indices = @transform_6, window_bounds = array<i64: 256, 128>}, {pipeline_mode = #tpu.pipeline_mode<synchronous>, transform_indices = @transform_7, window_bounds = array<i64: 1, 128>}, {transform_indices = @transform_8, window_bounds = array<i64: 1024, 128>}]} {
    %get3A = arith.constant 0 : index
    %get3A_0 = arith.constant 0 : index
    %get3A_1 = arith.constant 0 : index
    %get3A_2 = vector.load %arg1[%get3A, %get3A_0, %get3A_1] : memref<2x1024x128xf32, #tpu.memory_space<vmem>>, vector<1x1024x128xf32>
    %get3A_3 = vector.shape_cast %get3A_2 : vector<1x1024x128xf32> to vector<1024x128xf32>
    %get3A_4 = arith.constant 1 : index
    %get3A_5 = arith.constant 0 : index
    %get3A_6 = arith.constant 0 : index
    %get3A_7 = vector.load %arg1[%get3A_4, %get3A_5, %get3A_6] : memref<2x1024x128xf32, #tpu.memory_space<vmem>>, vector<1x1024x128xf32>
    %get3A_8 = vector.shape_cast %get3A_7 : vector<1x1024x128xf32> to vector<1024x128xf32>
    %add3A = arith.addf %get3A_3, %get3A_8 : vector<1024x128xf32>
    %get3A_9 = arith.constant 0 : index
    %get3A_10 = arith.constant 0 : index
    %get3A_11 = vector.load %arg2[%get3A_9, %get3A_10] : memref<1024x128xf32, #tpu.memory_space<vmem>>, vector<1024x128xf32>
    %add3A_12 = arith.addf %add3A, %get3A_11 : vector<1024x128xf32>
    %get3A_13 = arith.constant 0 : index
    %get3A_14 = arith.constant 0 : index
    %get3A_15 = vector.load %arg3[%get3A_13, %get3A_14] : memref<1024x1xf32, #tpu.memory_space<vmem>>, vector<1024x1xf32>
    %mul3A = vector.broadcast %get3A_15 : vector<1024x1xf32> to vector<1024x128xf32>
    %mul3A_16 = arith.mulf %add3A_12, %mul3A : vector<1024x128xf32>
    %get3A_17 = arith.constant 0 : index
    %get3A_18 = arith.constant 0 : index
    %get3A_19 = vector.load %arg4[%get3A_17, %get3A_18] : memref<1x128xf32, #tpu.memory_space<vmem>>, vector<1x128xf32>
    %add3A_20 = vector.broadcast %get3A_19 : vector<1x128xf32> to vector<1024x128xf32>
    %add3A_21 = arith.addf %mul3A_16, %add3A_20 : vector<1024x128xf32>
    %get3A_22 = arith.constant 0 : index
    %get3A_23 = arith.constant 0 : index
    %get3A_24 = vector.load %arg5[%get3A_22, %get3A_23] : memref<128x256xf32, #tpu.memory_space<vmem>>, vector<128x256xf32>
    %dot_general3A = arith.constant dense<0.000000e+00> : vector<1024x256xf32>
    %dot_general3A_25 = tpu.matmul %add3A_21, %get3A_24, %dot_general3A {dimension_numbers = #tpu.dot_dimension_numbers<[1], [0], [0], [1], [0, 0, 1, 1], [], []>, transpose_lhs_hint = false} : vector<1024x128xf32>, vector<128x256xf32>, vector<1024x256xf32> -> vector<1024x256xf32>
    %get3A_26 = arith.constant 0 : index
    %get3A_27 = arith.constant 0 : index
    %get3A_28 = vector.load %arg6[%get3A_26, %get3A_27] : memref<1x256xf32, #tpu.memory_space<vmem>>, vector<1x256xf32>
    %add3A_29 = vector.broadcast %get3A_28 : vector<1x256xf32> to vector<1024x256xf32>
    %add3A_30 = arith.addf %dot_general3A_25, %add3A_29 : vector<1024x256xf32>
    %max3A = arith.constant 0.000000e+00 : f32
    %max3A_31 = vector.broadcast %max3A : f32 to vector<1024x256xf32>
    %max3A_32 = arith.maximumf %add3A_30, %max3A_31 : vector<1024x256xf32>
    %get3A_33 = arith.constant 0 : index
    %get3A_34 = arith.constant 0 : index
    %get3A_35 = vector.load %arg7[%get3A_33, %get3A_34] : memref<256x128xf32, #tpu.memory_space<vmem>>, vector<256x128xf32>
    %dot_general3A_36 = arith.constant dense<0.000000e+00> : vector<1024x128xf32>
    %dot_general3A_37 = tpu.matmul %max3A_32, %get3A_35, %dot_general3A_36 {dimension_numbers = #tpu.dot_dimension_numbers<[1], [0], [0], [1], [0, 0, 1, 1], [], []>, transpose_lhs_hint = false} : vector<1024x256xf32>, vector<256x128xf32>, vector<1024x128xf32> -> vector<1024x128xf32>
    %get3A_38 = arith.constant 0 : index
    %get3A_39 = arith.constant 0 : index
    %get3A_40 = vector.load %arg8[%get3A_38, %get3A_39] : memref<1x128xf32, #tpu.memory_space<vmem>>, vector<1x128xf32>
    %add3A_41 = vector.broadcast %get3A_40 : vector<1x128xf32> to vector<1024x128xf32>
    %add3A_42 = arith.addf %dot_general3A_37, %add3A_41 : vector<1024x128xf32>
    %swap3A = arith.constant 0 : index
    %swap3A_43 = arith.constant 0 : index
    %swap3A_44 = vector.load %arg9[%swap3A, %swap3A_43] : memref<1024x128xf32, #tpu.memory_space<vmem>>, vector<1024x128xf32>
    tpu.vector_store %arg9[%swap3A, %swap3A_43], %add3A_42 {strides = array<i32>} : memref<1024x128xf32, #tpu.memory_space<vmem>>, vector<1024x128xf32>,
    return
  }
  func.func @transform_0(%arg0: i32) -> (i32, i32, i32) {
    %c0_i32 = arith.constant 0 : i32
    %c0_i32_0 = arith.constant 0 : i32
    %c0_i32_1 = arith.constant 0 : i32
    return %c0_i32, %arg0, %c0_i32_0 : i32, i32, i32
  }
  func.func @transform_1(%arg0: i32) -> (i32, i32) {
    %c0_i32 = arith.constant 0 : i32
    %c0_i32_0 = arith.constant 0 : i32
    return %arg0, %c0_i32 : i32, i32
  }
  func.func @transform_2(%arg0: i32) -> (i32, i32) {
    %c0_i32 = arith.constant 0 : i32
    %c0_i32_0 = arith.constant 0 : i32
    return %arg0, %c0_i32 : i32, i32
  }
  func.func @transform_3(%arg0: i32) -> (i32, i32) {
    %c0_i32 = arith.constant 0 : i32
    %c0_i32_0 = arith.constant 0 : i32
    %c0_i32_1 = arith.constant 0 : i32
    return %c0_i32, %c0_i32_0 : i32, i32
  }
  func.func @transform_4(%arg0: i32) -> (i32, i32) {
    %c0_i32 = arith.constant 0 : i32
    %c0_i32_0 = arith.constant 0 : i32
    %c0_i32_1 = arith.constant 0 : i32
    return %c0_i32, %c0_i32_0 : i32, i32
  }
  func.func @transform_5(%arg0: i32) -> (i32, i32) {
    %c0_i32 = arith.constant 0 : i32
    %c0_i32_0 = arith.constant 0 : i32
    %c0_i32_1 = arith.constant 0 : i32
    return %c0_i32, %c0_i32_0 : i32, i32
  }
  func.func @transform_6(%arg0: i32) -> (i32, i32) {
    %c0_i32 = arith.constant 0 : i32
    %c0_i32_0 = arith.constant 0 : i32
    %c0_i32_1 = arith.constant 0 : i32
    return %c0_i32, %c0_i32_0 : i32, i32
  }
  func.func @transform_7(%arg0: i32) -> (i32, i32) {
    %c0_i32 = arith.constant 0 : i32
    %c0_i32_0 = arith.constant 0 : i32
    %c0_i32_1 = arith.constant 0 : i32
    return %c0_i32, %c0_i32_0 : i32, i32
  }
  func.func @transform_8(%arg0: i32) -> (i32, i32) {
    %c0_i32 = arith.constant 0 : i32
    %c0_i32_0 = arith.constant 0 : i32
    return %arg0, %c0_i32 : i32, i32
  }
}

</mosaic_0001>

<sc_bundles>
// kernel: kernel.11.cloned.1.call-start
scs
__scs_entry_jumppad:
0x0: {  	(pc) =	sbr.rel $0x88, $3  }
0x1: {  	(tag) =	ssettag $0x0;
	lr =	simm.s32 $0x1  }
0x2: {  	[smem:$0x3F97] =	sst lr;
	_ =	strace $0xD0000000  }
0x3: {  	_ = 	snop  }
0x4: {  	_ = 	snop  }
0x5: {  	_ = 	snop  }
0x6: {  	_ = 	snop  }
0x7: {  	_ = 	snop  }
__scs_overlays_trampoline_lowered:
0x8: {  	[smem:$0x3FA6] =	sst s0  }
0x9: {  	[smem:$0x3FA7] =	sst s1  }
0xa: {  	[smem:$0x3FA8] =	sst s2  }
0xb: {  	[smem:$0x3FA9] =	sst s3  }
0xc: {  	[smem:$0x3FAA] =	sst s4  }
0xd: {  	[smem:$0x3FAB] =	sst s5  }
0xe: {  	[smem:$0x3FAC] =	sst s6  }
0xf: {  	[smem:$0x3FAD] =	sst s7  }
0x10: {  	[smem:$0x3FAE] =	sst s8  }
0x11: {  	[smem:$0x3FAF] =	sst s9;
	s0 =	simm.s32 @!p0 $0x0  }
0x12: {  	s1 =	sld [smem:$0x3F95];
	s0 =	simm.s32 @p0 $0x1  }
0x13: {  	[smem:$0x3FB0] =	sst s0;
	s0 =	simm.s32 @!p1 $0x0  }
0x14: {  	s2 =	sld [smem:$0x3F94];
	s0 =	simm.s32 @p1 $0x1  }
0x15: {  	[smem:$0x3FB1] =	sst s0;
	s0 =	simm.s32 @!p2 $0x0  }
0x16: {  	s3 =	sld [smem:$0x3FDB];
	s0 =	simm.s32 @p2 $0x1  }
0x17: {  	s4 =	simm.s32 $0x1BF5;
	[smem:$0x3FB3] =	sst s0  }
0x18: {  	s0 =	sld [smem:$0x3F96];
	_ =	swait.ge [sflag:s4], $0x0  }
0x19: {  	s7 =	sld [smem:$0x3F97]  }
0x1a: {  	s8 =	sadd.s32 $0xFFFFE003, lr  }
0x1b: {  	s9 =	sadd.s32 $0xFFFFFEF7, lr;
	s5 =	simm.s32 $0xFFFFFFFF;
	p2 =	slt.u32 s8, $0xFFFFF086  }
0x1c: {  	p1 =	slt.u32 s9, $0xF7A;
	s5 =	simm.s32 @!p2 $0x0  }
0x1d: {  	s5 =	simm.s32 @p1 $0x1;
	p0 =	seq.s32 s7, s2  }
0x1e: {  	s7 =	smul.u32 @!p0 $0xF7A, s2;
	p2 =	seq.s32 @!p0 s5, $0x0  }
0x1f: {  	s9 =	smul.u32 $0xF7A, s1;
	s8 =	simm.s32 @!p0 $0x1BF5;
	p2 =	por !p2, p0  }
0x20: {  	[sflag:s8] =	ssyncset.s32 @!p0 $0xFFFFF086;
	s6 =	sadd.s32 @!p0 s3, s7;
	s7 =	simm.s32 @!p0 $0x108  }
0x21: {  	s3 =	sadd.s32 s3, s9;
	s6 =	sadd.s32 @!p0 $0x88, s6;
	s7 =	simm.s32 @p2 $0x1082  }
0x22: {  	[simem:s7], [sflag:s8] =	dma.local @!p0 [hbm:s6], $0xF7A  }
0x23: {  	s9 =	sor.u32 $0xD0000000, s2;
	s6 =	simm.s32 $0x108;
	_ =	swait.ge @!p0 [sflag:s8], $0x0  }
0x24: {  	s3 =	sadd.s32 $0x88, s3;
	s6 =	simm.s32 @!p1 $0x1082;
	[sflag:s4] =	ssyncset.s32 $0xFFFFF086  }
0x25: {  	[simem:s6], [sflag:s4] =	dma.local [hbm:s3], $0xF7A  }
0x26: {  	[smem:$0x3F97] =	sst s1;
	(tag) =	ssettag s2;
	_ =	strace s9  }
0x27: {  	s1 =	sld [smem:$0x3FA7]  }
0x28: {  	s2 =	sld [smem:$0x3FA8]  }
0x29: {  	s4 =	sld [smem:$0x3FAA]  }
0x2a: {  	p0 =	seq.s32 s5, $0x0;
	s5 =	sld [smem:$0x3FAB]  }
0x2b: {  	s6 =	sld [smem:$0x3FAC]  }
0x2c: {  	s7 =	sld [smem:$0x3FAD]  }
0x2d: {  	s3 =	simm.s32 $0x108;
	s8 =	sld [smem:$0x3FAE]  }
0x2e: {  	s3 =	simm.s32 @!p0 $0x1082;
	s9 =	sld [smem:$0x3FAF]  }
0x2f: {  	lr =	sadd.s32 s0, s3;
	s0 =	sld [smem:$0x3FA6]  }
0x30: {  	s3 =	sld [smem:$0x3FA9]  }
0x31: {  	[smem:$0x3FB2] =	sst s10  }
0x32: {  	s10 =	sld [smem:$0x3FB0];
	_ =	sdelay $0x3  }
0x33: {  	p0 =	seq.s32 s10, $0x1;
	s10 =	sld [smem:$0x3FB2];
	_ =	sdelay $0x3  }
0x34: {  	[smem:$0x3FB2] =	sst s10  }
0x35: {  	s10 =	sld [smem:$0x3FB1];
	_ =	sdelay $0x3  }
0x36: {  	p1 =	seq.s32 s10, $0x1;
	s10 =	sld [smem:$0x3FB2];
	_ =	sdelay $0x3  }
0x37: {  	[smem:$0x3FB2] =	sst s10  }
0x38: {  	s10 =	sld [smem:$0x3FB3]  }
0x39: {  	_ = 	snop;
	(pc) =	sbr.ind lr, $3  }
0x3a: {  	_ = 	snop  }
0x3b: {  	_ = 	snop  }
0x3c: {  	p2 =	seq.s32 s10, $0x1;
	s10 =	sld [smem:$0x3FB2]  }
0x3d: {  	_ =	shalt  }
0x3e: {  	_ =	shalt  }
0x3f: {  	_ =	shalt  }
0x40: {  	_ =	shalt  }
0x41: {  	_ =	shalt  }
0x42: {  	_ =	shalt  }
0x43: {  	_ =	shalt  }
0x44: {  	_ =	shalt  }
0x45: {  	_ =	shalt  }
0x46: {  	_ =	shalt  }
0x47: {  	_ =	shalt  }
0x48: {  	_ =	shalt  }
0x49: {  	_ =	shalt  }
0x4a: {  	_ =	shalt  }
0x4b: {  	_ =	shalt  }
0x4c: {  	_ =	shalt  }
0x4d: {  	_ =	shalt  }
0x4e: {  	_ =	shalt  }
0x4f: {  	_ =	shalt  }
0x50: {  	_ =	shalt  }
0x51: {  	_ =	shalt  }
0x52: {  	_ =	shalt  }
0x53: {  	_ =	shalt  }
0x54: {  	_ =	shalt  }
0x55: {  	_ =	shalt  }
0x56: {  	_ =	shalt  }
0x57: {  	_ =	shalt  }
0x58: {  	_ =	shalt  }
0x59: {  	_ =	shalt  }
0x5a: {  	_ =	shalt  }
0x5b: {  	_ =	shalt  }
0x5c: {  	_ =	shalt  }
0x5d: {  	_ =	shalt  }
0x5e: {  	_ =	shalt  }
0x5f: {  	_ =	shalt  }
0x60: {  	_ =	shalt  }
0x61: {  	_ =	shalt  }
0x62: {  	_ =	shalt  }
0x63: {  	_ =	shalt  }
0x64: {  	_ =	shalt  }
0x65: {  	_ =	shalt  }
0x66: {  	_ =	shalt  }
0x67: {  	_ =	shalt  }
0x68: {  	_ =	shalt  }
0x69: {  	_ =	shalt  }
0x6a: {  	_ =	shalt  }
0x6b: {  	_ =	shalt  }
0x6c: {  	_ =	shalt  }
0x6d: {  	_ =	shalt  }
0x6e: {  	_ =	shalt  }
0x6f: {  	_ =	shalt  }
0x70: {  	_ =	shalt  }
0x71: {  	_ =	shalt  }
0x72: {  	_ =	shalt  }
0x73: {  	_ =	shalt  }
0x74: {  	_ =	shalt  }
0x75: {  	_ =	shalt  }
0x76: {  	_ =	shalt  }
0x77: {  	_ =	shalt  }
0x78: {  	_ =	shalt  }
0x79: {  	_ =	shalt  }
0x7a: {  	_ =	shalt  }
0x7b: {  	_ =	shalt  }
0x7c: {  	_ =	shalt  }
0x7d: {  	_ =	shalt  }
0x7e: {  	_ =	shalt  }
0x7f: {  	_ =	shalt  }
0x80: {  	_ =	shalt  }
0x81: {  	_ =	shalt  }
0x82: {  	_ =	shalt  }
0x83: {  	_ =	shalt  }
0x84: {  	_ =	shalt  }
0x85: {  	_ =	shalt  }
0x86: {  	_ =	shalt  }
0x87: {  	_ =	shalt  }
.Lfunc_end0:
.L_simem_size_0:
called_computation.1_lowered:
.L_overlay_start_0:
0x88: {  	s2 =	sld [smem:$0x3FD9]  }
0x89: {  	s3 =	sld [smem:$0x3FFE];
	_ =	sdelay $0x1  }
0x8a: {  	s1 =	srdreg.scid  }
0x8b: {  	s0 =	sand.u32 $0x1, s1  }
0x8c: {  	s16 =	sshll.u32 s0, $0xA;
	s2 =	sadd.s32 s3, s2  }
0x8d: {  	s2 =	sadd.s32 s2, s16  }
0x8e: {  	[smem:$0x3FBE] =	sst s2  }
0x8f: {  	_ = 	snop  }
0x90: {  	(tm) =	ssettm $0x1  }
0x91: {  	s17 =	sld [smem:$0x3FFB];
	_ =	sdelay $0x3  }
0x92: {  	_ =	strace s17  }
0x93: {  	s2 =	sld [smem:$0x3FFC];
	_ =	sdelay $0x3  }
0x94: {  	_ =	strace s2  }
0x95: {  	s2 =	sld [smem:$0x3FFD];
	_ =	sdelay $0x3  }
0x96: {  	_ =	strace s2  }
0x97: {  	_ =	strace $0x8FFFFFFF  }
0x98: {  	s18 =	sld [smem:$0x3FDB];
	_ =	sdelay $0x1  }
0x99: {  	s19 =	simm.s32 $_scs_section_size  }
0x9a: {  	s4 =	simm.s32 $_size__tile_overlayer_lowered;
	s5 =	simm.s32 $_tile_overlayer_lowered  }
0x9b: {  	s22 =	simm.s32 $0x1BFF;
	s21 =	sshll.u32 s5, $0x1;
	s2 =	sadd.s32 s19, s18  }
0x9c: {  	s6 =	simm.s32 $0x0;
	s20 =	sshll.u32 s4, $0x1;
	s4 =	sadd.s32 s21, s2  }
0x9d: {  	[timem:s6], [sflag:s22] =	dma.local [hbm:s4], s20  }
0x9e: {  	_ =	swait.ge [sflag:s22], s20  }
0x9f: {  	s3 =	ssub.s32 $0x0, s20;
	[sflag:s22] =	ssyncset.done $0x0  }
0xa0: {  	[sflag:s22] =	ssyncadd.s32 s3;
	_ =	sdelay $0x1  }
0xa1: {  	s23 =	simm.s32 $0x1B8B  }
0xa2: {  	_ =	swait.ge [sflag:s23], $0x1  }
0xa3: {  	[sflag:s23] =	ssyncset.done $0x0  }
0xa4: {  	s25 =	simm.s32 $0x1B8E;
	s24 =	sld [smem:$0x3FFE];
	[sflag:s23] =	ssyncadd.s32 $0xFFFFFFFF  }
0xa5: {  	s26 =	simm.s32 $execute0_lowered;
	[smem:$0x3FD2] =	sst s25  }
0xa6: {  	s4 =	sshll.u32 s26, $0x1;
	_ =	strace $0x80000049;
	[dreg:$0x1] =	wrdreg $0xFFFFFFFF  }
0xa7: {  	s28 =	simm.s32 $_size_execute0_lowered;
	s2 =	sadd.s32 s2, s4;
	[dreg:$0x0] =	wrdreg $0x0  }
0xa8: {  	s4 =	sshll.u32 s28, $0x1;
	[dreg:$0x2] =	wrdreg s2  }
0xa9: {  	[dreg:$0x3] =	wrdreg s4  }
0xaa: {  	[dreg:$0x4] =	wrdreg $0xC0  }
0xab: {  	_ =	task [dreg:s6], $0x5FFFF  }
0xac: {  	[dreg:$0x1] =	wrdreg $0xFFFFFFFF  }
0xad: {  	[dreg:$0x0] =	wrdreg $0x60  }
0xae: {  	[dreg:$0x2] =	wrdreg s24  }
0xaf: {  	[dreg:$0x3] =	wrdreg $0x88000  }
0xb0: {  	[dreg:$0x4] =	wrdreg $0x9  }
0xb1: {  	_ =	task.clear_ibuf [dreg:s6], $0x5FFFF;
	_ =	strace $0x90000049  }
0xb2: {  	s29 =	simm.s32 $0x9;
	_ =	strace $0x8000004B  }
0xb3: {  	_ =	swait.ge [sflag:s29], $0x1  }
0xb4: {  	[sflag:s29] =	ssyncadd.s32 $0xFFFFFFFF  }
0xb5: {  	_ =	strace $0x9000004B  }
0xb6: {  	_ =	sfence  }
0xb7: {  	s30 =	sld [smem:$0x0];
	_ =	sdelay $0x2  }
0xb8: {  	s31 =	sshll.u32 s1, $0xD;
	s1 =	sshrl.u32 s1, $0x2  }
0xb9: {  	s3 =	sand.u32 $0x4000, s31;
	s1 =	sadd.s32 s1, s30  }
0xba: {  	s0 =	sor.u32 s3, s0;
	s1 =	sshll.u32 s1, $0x11  }
0xbb: {  	s0 =	sor.u32 s1, s0  }
0xbc: {  	s0 =	sadd.s32 $0x8F2B, s0  }
0xbd: {  	[sflag:s0] =	ssyncadd.remote.s32 $0x1  }
0xbe: {  	_ =	sfence.sel $0xFFFF  }
0xbf: {  	[dreg:$0x0] =	wrdreg $0xFFFFFFFF;
	(pc) =	sbr.abs _section_cstart, $3  }
0xc0: {  	[dreg:$0x1] =	wrdreg $0xFFFFFFFF  }
0xc1: {  	_ =	task.clear_ibuf [dreg:s6], $0x2FFFF;
	_ =	strace $0x9FFFFFFF  }
0xc2: {  	(tm) =	ssettm $0x7FFFFFFF  }
0xc3: {  	_ =	shalt  }
tec
execute0_lowered:
.L_overlay_start_1:
0x0: {  	(tag) =	ssettag $0x1  }
0x1: {  	s0 =	rddreg [dreg:$0x0]  }
0x2: {  	s2 =	rddreg [dreg:$0x1];
	s11 =	stileid.u32  }
0x3: {  	s4 =	simm.s32 $0x0;
	s3 =	srdreg.scid;
	s29 =	simm.s32 $0xE  }
0x4: {  	s30 =	simm.s32 $0x6;
	s31 =	simm.s32 $0xC;
	s28 =	simm.s32 $0x7  }
0x5: {  	s1 =	smul.u32 $0x14000, s11;
	[smem:$0x7FF] =	sst s4;
	s3 =	sand.u32 $0x1, s3  }
0x6: {  	s4 =	sadd.s32 $0x2B800, s0;
	s7 =	sadd.s32 $0x3800, s0;
	s20 =	smul.u32 $0x50000, s11  }
0x7: {  	s22 =	sshll.u32 s11, $0x6;
	s23 =	smul.u32 $0xA000, s11;
	_ =	strace $0x8000004A  }
0x8: {  	s6 =	smul.u32 $0x140000, s3;
	s8 =	sshll.u32 s3, $0x4;
	s9 =	ssub.s32 $0x2, s3  }
0x9: {  	s3 =	smul.u32 $0xA0000, s3;
	s15 =	sor.u32 $0x1C11, s22;
	s5 =	sshrl.u32 s1, $0x3  }
0xa: {  	s8 =	sor.u32 s11, s8;
	s10 =	sshrl.u32 s9, $0x1;
	[dreg:$0x6] =	wrdreg s15  }
0xb: {  	s5 =	sadd.s32 s5, s0;
	s1 =	sadd.s32 s1, s6;
	s6 =	sshrl.u32 s20, $0x2  }
0xc: {  	s8 =	smul.u32 $0xA000, s8;
	s3 =	sadd.s32 s23, s3;
	s1 =	sshrl.u32 s1, $0x3  }
0xd: {  	s6 =	sadd.s32 s6, s2;
	s5 =	sadd.s32 $0x53800, s5;
	s11 =	sor.u32 $0xE00, s3  }
0xe: {  	s12 =	sor.u32 $0xD00, s3;
	s16 =	sor.u32 $0xC00, s3;
	s17 =	sor.u32 $0xB00, s3  }
0xf: {  	s18 =	sor.u32 $0xA00, s3;
	s22 =	sor.u32 $0x900, s3;
	s23 =	sor.u32 $0x800, s3  }
0x10: {  	s3 =	sor.u32 $0x700, s3;
	s0 =	sadd.s32 s1, s0;
	[dreg:$0x3] =	wrdreg s6  }
0x11: {  	s1 =	ssub.s32 s9, s10;
	[dreg:$0x4] =	wrdreg s5;
	s5 =	sshrl.u32 s11, $0x3  }
0x12: {  	s21 =	sshrl.u32 s8, $0x3;
	s6 =	sshrl.u32 s12, $0x3;
	s5 =	sadd.s32 s5, s7  }
0x13: {  	s20 =	sshrl.u32 s18, $0x3;
	s14 =	sadd.s32 s6, s7;
	[dreg:$0xd] =	wrdreg s5  }
0x14: {  	s9 =	sadd.s32 s7, s21;
	s21 =	sadd.s32 s20, s7;
	[dreg:$0xe] =	wrdreg s14  }
0x15: {  	s19 =	sshrl.u32 s17, $0x3;
	s3 =	sshrl.u32 s3, $0x3;
	[dreg:$0x11] =	wrdreg s21  }
0x16: {  	s12 =	simm.s32 $0x2800;
	s0 =	sadd.s32 $0x7B800, s0;
	[dreg:$0x5] =	wrdreg s9  }
0x17: {  	s11 =	simm.s32 $0xD;
	s24 =	sadd.s32 $0x20, s9;
	[dreg:$0x13] =	wrdreg s0  }
0x18: {  	s17 =	simm.s32 $0x0;
	s25 =	sadd.s32 $0x40, s9;
	[dreg:$0x7] =	wrdreg s24  }
0x19: {  	s26 =	sadd.s32 $0x60, s9;
	s8 =	sadd.s32 $0x80, s9;
	[dreg:$0x8] =	wrdreg s25  }
0x1a: {  	s10 =	sadd.s32 $0xA0, s9;
	s13 =	sadd.s32 $0xC0, s9;
	[dreg:$0x9] =	wrdreg s26  }
0x1b: {  	s5 =	sshrl.u32 s16, $0x3;
	s16 =	simm.s32 $0x11;
	[dreg:$0xa] =	wrdreg s8  }
0x1c: {  	s14 =	simm.s32 $0x4800;
	s0 =	simm.s32 $0x8;
	[dreg:$0xb] =	wrdreg s10  }
0x1d: {  	[dreg:$0xc] =	wrdreg s13;
	s5 =	sadd.s32 s5, s7;
	s24 =	sshrl.u32 s23, $0x3  }
0x1e: {  	s25 =	sadd.s32 $0xE0, s9;
	s26 =	smax.u32 s1, $0x1;
	s1 =	simm.s32 $0x600  }
0x1f: {  	s9 =	simm.s32 $0x40;
	s10 =	simm.s32 $0x800;
	s13 =	simm.s32 $0x3  }
0x20: {  	s23 =	simm.s32 $0x9;
	s8 =	simm.s32 $0x5;
	[dreg:$0xf] =	wrdreg s5  }
.Ltmp0:
0x21: {  	s5 =	sadd.s32 s19, s7;
	[dreg:$0x12] =	wrdreg s25;
	(pc) =	sbr.rel .LBB2_1-.Ltmp0, $4  }
0x22: {  	s21 =	sadd.s32 s24, s7;
	[dreg:$0x14] =	wrdreg s26;
	s24 =	simm.s32 $0x4  }
0x23: {  	s25 =	simm.s32 $0x6800;
	s26 =	simm.s32 $0xB;
	[dreg:$0x10] =	wrdreg s5  }
0x24: {  	s5 =	sshrl.u32 s22, $0x3;
	s22 =	sadd.s32 s3, s7;
	s3 =	simm.s32 $0x10  }
0x25: {  	s20 =	sadd.s32 s5, s7;
	s7 =	simm.s32 $0xA;
	s5 =	simm.s32 $0xF  }
.LBB2_4:
0x26: {  	_ =	swait.ge [sflag:s3], $0x2000  }
0x27: {  	[sflag:s3] =	ssyncset.done $0x0  }
0x28: {  	[sflag:s3] =	ssyncadd.s32 $0xFFFFE000  }
0x29: {  	[bflag:$0x0] =	sbarrier.arrive $0xFFFF  }
0x2a: {  	s15 =	rddreg [dreg:$0x6]  }
0x2b: {  	s6 =	rddreg [dreg:$0x13]  }
0x2c: {  	s16 =	rddreg [dreg:$0x16]  }
0x2d: {  	[hbm:s6], [sflag:s15] =	dma.local [spmem:s16], $0x2800  }
0x2e: {  	s16 =	simm.s32 $0x11  }
0x2f: {  	_ =	swait.ge [sflag:s16], $0x2800  }
0x30: {  	s17 =	rddreg [dreg:$0x15]  }
0x31: {  	s19 =	rddreg [dreg:$0x14];
	s17 =	sadd.s32 $0x1, s17  }
0x32: {  	p0 =	sne.s32 s17, s19  }
.Ltmp1:
0x33: {  	_ = 	snop;
	(pc) =	sbr.rel @!p0 .LBB2_5-.Ltmp1, $3  }
0x34: {  	_ =	sdelay $0x1  }
0x35: {  	[sflag:s16] =	ssyncset.done $0x0  }
0x36: {  	[sflag:s16] =	ssyncadd.s32 $0xFFFFD800  }
.LBB2_1:
0x37: {  	[dreg:$0x15] =	wrdreg s17  }
0x38: {  	s6 =	rddreg [dreg:$0x3]  }
0x39: {  	s19 =	rddreg [dreg:$0x4];
	s18 =	sshrl.u32 s6, $0x3  }
0x3a: {  	[dreg:$0x16] =	wrdreg s18  }
0x3b: {  	[spmem:s18], [sflag:s15] =	dma.local [hbm:s19], $0x2800  }
0x3c: {  	_ =	swait.ge [sflag:s16], $0x2800  }
0x3d: {  	[sflag:s16] =	ssyncset.done $0x0  }
0x3e: {  	s6 =	simm.s32 $0x0;
	[sflag:s16] =	ssyncadd.s32 $0xFFFFD800;
	s16 =	rddreg [dreg:$0x5]  }
0x3f: {  	[tilespmem:s6], [sflag:$0x1] =	stream.linear.gather [hbm4b:s16+s6], $0x100, $0x38;
	[tilespmem:$0x1C800] =	vst v63  }
0x40: {  	s17 =	rddreg [dreg:$0x7];
	s16 =	simm.s32 $0x100  }
0x41: {  	[tilespmem:s16], [sflag:$0x2] =	stream.linear.gather [hbm4b:s17+s6], $0x100, $0x38;
	[tilespmem:$0x1C800] =	vst v63  }
0x42: {  	s18 =	rddreg [dreg:$0x8];
	s17 =	simm.s32 $0x200  }
0x43: {  	[tilespmem:s17], [sflag:$0x3] =	stream.linear.gather [hbm4b:s18+s6], $0x100, $0x38;
	[tilespmem:$0x1C800] =	vst v63  }
0x44: {  	s19 =	rddreg [dreg:$0x9];
	s18 =	simm.s32 $0x300  }
0x45: {  	[tilespmem:s18], [sflag:$0x4] =	stream.linear.gather [hbm4b:s19+s6], $0x100, $0x38;
	[tilespmem:$0x1C800] =	vst v63  }
0x46: {  	s18 =	rddreg [dreg:$0xa];
	s19 =	simm.s32 $0x400  }
0x47: {  	[tilespmem:s19], [sflag:$0x5] =	stream.linear.gather [hbm4b:s18+s6], $0x100, $0x38;
	[tilespmem:$0x1C800] =	vst v63  }
0x48: {  	s18 =	rddreg [dreg:$0xb];
	s19 =	simm.s32 $0x500  }
0x49: {  	[tilespmem:s19], [sflag:$0x6] =	stream.linear.gather [hbm4b:s18+s6], $0x100, $0x38;
	[tilespmem:$0x1C800] =	vst v63  }
0x4a: {  	s19 =	rddreg [dreg:$0xc]  }
0x4b: {  	[tilespmem:s1], [sflag:$0x7] =	stream.linear.gather [hbm4b:s19+s6], $0x100, $0x38;
	[tilespmem:$0x1C800] =	vst v63  }
0x4c: {  	s18 =	rddreg [dreg:$0x12];
	s19 =	simm.s32 $0x700  }
0x4d: {  	[tilespmem:s19], [sflag:$0x8] =	stream.linear.gather [hbm4b:s18+s6], $0x100, $0x38;
	[tilespmem:$0x1C800] =	vst v63  }
0x4e: {  	s18 =	simm.s32 $0x1;
	[bflag:$0x0] =	sbarrier.arrive $0xFFFF  }
0x4f: {  	_ =	swait.ge [sflag:s18], $0x100  }
0x50: {  	[sflag:s18] =	ssyncset.done $0x0  }
0x51: {  	s19 =	simm.s32 $0x2;
	[sflag:s18] =	ssyncadd.s32 $0xFFFFFF00  }
0x52: {  	[tilespmem:s10], [sflag:$0x9] =	stream.indirect.gather [hbm4b:s4+s9], $0x80, s6, s9, $0xb8;
	[tilespmem:$0x1C800] =	vst v63  }
0x53: {  	_ =	swait.ge [sflag:s19], $0x100  }
0x54: {  	[sflag:s19] =	ssyncset.done $0x0  }
0x55: {  	[sflag:s19] =	ssyncadd.s32 $0xFFFFFF00  }
0x56: {  	[tilespmem:s12], [sflag:$0xA] =	stream.indirect.gather [hbm4b:s4+s9], $0x80, s16, s9, $0xb8;
	[tilespmem:$0x1C800] =	vst v63  }
0x57: {  	_ =	swait.ge [sflag:s13], $0x100  }
0x58: {  	[sflag:s13] =	ssyncset.done $0x0  }
0x59: {  	s6 =	simm.s32 $0x0;
	[sflag:s13] =	ssyncadd.s32 $0xFFFFFF00  }
0x5a: {  	[tilespmem:s14], [sflag:$0xB] =	stream.indirect.gather [hbm4b:s4+s9], $0x80, s17, s9, $0xb8;
	[tilespmem:$0x1C800] =	vst v63  }
.LBB2_2:
0x5b: {  	_ =	swait.ge [sflag:s23], $0x2000  }
0x5c: {  	[sflag:s23] =	ssyncset.done $0x0  }
0x5d: {  	s15 =	simm.s32 $0x80;
	p0 =	seq.s32 s6, $0x0;
	[sflag:s23] =	ssyncadd.s32 $0xFFFFE000  }
0x5e: {  	[spmem:s2] =	stream.indirect.scatter.add.f32 [tilespmem:s10], [sflag:$0xD], $0x80, s15, s9, $0xb8;
	[tilespmem:$0x1C800] =	vst v63  }
0x5f: {  	s15 =	simm.s32 @!p0 $0x10  }
0x60: {  	_ =	swait.ge @!p0 [sflag:s15], $0x2000  }
0x61: {  	s16 =	simm.s32 @!p0 $0x0;
	[sflag:s15] =	ssyncset.done @!p0 $0x0  }
0x62: {  	s17 =	simm.s32 @!p0 $0x700;
	[sflag:s15] =	ssyncadd.s32 @!p0 $0xFFFFE000;
	s15 =	sadd.s32 @!p0 s6, s22  }
0x63: {  	[tilespmem:s17], [sflag:$0x8] =	stream.linear.gather @!p0 [hbm4b:s15+s16], $0x100, $0x38;
	[tilespmem:$0x1C800] =	vst v63  }
0x64: {  	_ =	swait.ge [sflag:s24], $0x100  }
0x65: {  	[sflag:s24] =	ssyncset.done $0x0  }
0x66: {  	s17 =	simm.s32 $0x300;
	[sflag:s24] =	ssyncadd.s32 $0xFFFFFF00  }
0x67: {  	[tilespmem:s25], [sflag:$0xC] =	stream.indirect.gather [hbm4b:s4+s9], $0x80, s17, s9, $0xb8;
	[tilespmem:$0x1C800] =	vst v63  }
0x68: {  	_ =	swait.ge [sflag:s7], $0x2000  }
0x69: {  	[sflag:s7] =	ssyncset.done $0x0  }
0x6a: {  	s18 =	simm.s32 $0x180;
	[sflag:s7] =	ssyncadd.s32 $0xFFFFE000  }
0x6b: {  	[spmem:s2] =	stream.indirect.scatter.add.f32 [tilespmem:s12], [sflag:$0xE], $0x80, s18, s9, $0xb8;
	[tilespmem:$0x1C800] =	vst v63  }
0x6c: {  	_ =	swait.ge [sflag:s11], $0x2000  }
0x6d: {  	p0 =	seq.s32 s6, $0x1300;
	[sflag:s11] =	ssyncset.done $0x0  }
0x6e: {  	s16 =	sadd.s32 @!p0 s6, s21;
	s15 =	simm.s32 @!p0 $0x0;
	[sflag:s11] =	ssyncadd.s32 $0xFFFFE000  }
0x6f: {  	[tilespmem:s15], [sflag:$0x1] =	stream.linear.gather @!p0 [hbm4b:s16+s15], $0x100, $0x38;
	[tilespmem:$0x1C800] =	vst v63  }
0x70: {  	_ =	swait.ge [sflag:s8], $0x100  }
0x71: {  	[sflag:s8] =	ssyncset.done $0x0  }
0x72: {  	s19 =	simm.s32 $0x400;
	[sflag:s8] =	ssyncadd.s32 $0xFFFFFF00  }
0x73: {  	[tilespmem:s10], [sflag:$0x9] =	stream.indirect.gather [hbm4b:s4+s9], $0x80, s19, s9, $0xb8;
	[tilespmem:$0x1C800] =	vst v63  }
0x74: {  	_ =	swait.ge [sflag:s26], $0x2000  }
0x75: {  	[sflag:s26] =	ssyncset.done $0x0  }
0x76: {  	s17 =	simm.s32 $0x280;
	[sflag:s26] =	ssyncadd.s32 $0xFFFFE000  }
0x77: {  	[spmem:s2] =	stream.indirect.scatter.add.f32 [tilespmem:s14], [sflag:$0xF], $0x80, s17, s9, $0xb8;
	[tilespmem:$0x1C800] =	vst v63  }
0x78: {  	_ =	swait.ge [sflag:s29], $0x2000  }
0x79: {  	[sflag:s29] =	ssyncset.done $0x0  }
0x7a: {  	s16 =	simm.s32 @!p0 $0x100;
	s17 =	sadd.s32 @!p0 s6, s20;
	[sflag:s29] =	ssyncadd.s32 $0xFFFFE000  }
0x7b: {  	[tilespmem:s16], [sflag:$0x2] =	stream.linear.gather @!p0 [hbm4b:s17+s15], $0x100, $0x38;
	[tilespmem:$0x1C800] =	vst v63  }
0x7c: {  	_ =	swait.ge [sflag:s30], $0x100  }
0x7d: {  	[sflag:s30] =	ssyncset.done $0x0  }
0x7e: {  	s18 =	simm.s32 $0x500;
	[sflag:s30] =	ssyncadd.s32 $0xFFFFFF00  }
0x7f: {  	[tilespmem:s12], [sflag:$0xA] =	stream.indirect.gather [hbm4b:s4+s9], $0x80, s18, s9, $0xb8;
	[tilespmem:$0x1C800] =	vst v63  }
0x80: {  	_ =	swait.ge [sflag:s31], $0x2000  }
0x81: {  	[sflag:s31] =	ssyncset.done $0x0  }
0x82: {  	s19 =	simm.s32 $0x380;
	[sflag:s31] =	ssyncadd.s32 $0xFFFFE000  }
0x83: {  	[spmem:s2] =	stream.indirect.scatter.add.f32 [tilespmem:s25], [sflag:$0x10], $0x80, s19, s9, $0xb8;
	[tilespmem:$0x1C800] =	vst v63  }
0x84: {  	_ =	swait.ge [sflag:s5], $0x2000  }
0x85: {  	[sflag:s5] =	ssyncset.done $0x0;
	s17 =	rddreg [dreg:$0x11]  }
0x86: {  	s18 =	simm.s32 @!p0 $0x200;
	[sflag:s5] =	ssyncadd.s32 $0xFFFFE000;
	s17 =	sadd.s32 @!p0 s6, s17  }
0x87: {  	[tilespmem:s18], [sflag:$0x3] =	stream.linear.gather @!p0 [hbm4b:s17+s15], $0x100, $0x38;
	[tilespmem:$0x1C800] =	vst v63  }
0x88: {  	_ =	swait.ge [sflag:s28], $0x100  }
0x89: {  	[sflag:s28] =	ssyncset.done $0x0  }
0x8a: {  	[sflag:s28] =	ssyncadd.s32 $0xFFFFFF00  }
0x8b: {  	[tilespmem:s14], [sflag:$0xB] =	stream.indirect.gather [hbm4b:s4+s9], $0x80, s1, s9, $0xb8;
	[tilespmem:$0x1C800] =	vst v63  }
0x8c: {  	_ =	swait.ge [sflag:s23], $0x2000  }
0x8d: {  	[sflag:s23] =	ssyncset.done $0x0  }
0x8e: {  	s18 =	simm.s32 $0x480;
	[sflag:s23] =	ssyncadd.s32 $0xFFFFE000  }
0x8f: {  	[spmem:s2] =	stream.indirect.scatter.add.f32 [tilespmem:s10], [sflag:$0xD], $0x80, s18, s9, $0xb8;
	[tilespmem:$0x1C800] =	vst v63  }
0x90: {  	_ =	swait.ge [sflag:s3], $0x2000  }
0x91: {  	[sflag:s3] =	ssyncset.done $0x0;
	s17 =	rddreg [dreg:$0x10]  }
0x92: {  	s18 =	simm.s32 @!p0 $0x300;
	[sflag:s3] =	ssyncadd.s32 $0xFFFFE000;
	s17 =	sadd.s32 @!p0 s6, s17  }
0x93: {  	[tilespmem:s18], [sflag:$0x4] =	stream.linear.gather @!p0 [hbm4b:s17+s15], $0x100, $0x38;
	[tilespmem:$0x1C800] =	vst v63  }
0x94: {  	_ =	swait.ge [sflag:s0], $0x100  }
0x95: {  	[sflag:s0] =	ssyncset.done $0x0  }
0x96: {  	s19 =	simm.s32 $0x700;
	[sflag:s0] =	ssyncadd.s32 $0xFFFFFF00  }
0x97: {  	[tilespmem:s25], [sflag:$0xC] =	stream.indirect.gather [hbm4b:s4+s9], $0x80, s19, s9, $0xb8;
	[tilespmem:$0x1C800] =	vst v63  }
0x98: {  	_ =	swait.ge [sflag:s7], $0x2000  }
0x99: {  	[sflag:s7] =	ssyncset.done $0x0  }
0x9a: {  	s18 =	simm.s32 $0x580;
	[sflag:s7] =	ssyncadd.s32 $0xFFFFE000  }
0x9b: {  	[spmem:s2] =	stream.indirect.scatter.add.f32 [tilespmem:s12], [sflag:$0xE], $0x80, s18, s9, $0xb8;
	[tilespmem:$0x1C800] =	vst v63  }
0x9c: {  	_ =	swait.ge [sflag:s11], $0x2000  }
0x9d: {  	[sflag:s11] =	ssyncset.done $0x0  }
0x9e: {  	s17 =	simm.s32 @p0 $0xB;
	[sflag:s11] =	ssyncadd.s32 $0xFFFFE000  }
0x9f: {  	_ =	swait.ge @p0 [sflag:s17], $0x2000  }
0xa0: {  	s19 =	simm.s32 @p0 $0x4800;
	[sflag:s17] =	ssyncset.done @p0 $0x0  }
0xa1: {  	s18 =	simm.s32 @p0 $0x680;
	[sflag:s17] =	ssyncadd.s32 @p0 $0xFFFFE000;
	s17 =	simm.s32 @p0 $0x40  }
0xa2: {  	[spmem:s2] =	stream.indirect.scatter.add.f32 @p0 [tilespmem:s19], [sflag:$0xF], $0x80, s18, s17, $0xb8;
	[tilespmem:$0x1C800] =	vst v63  }
0xa3: {  	s17 =	simm.s32 @p0 $0xE  }
0xa4: {  	_ =	swait.ge @p0 [sflag:s17], $0x2000  }
0xa5: {  	[sflag:s17] =	ssyncset.done @p0 $0x0  }
0xa6: {  	[sflag:s17] =	ssyncadd.s32 @p0 $0xFFFFE000;
	s17 =	rddreg [dreg:$0xf]  }
0xa7: {  	s18 =	simm.s32 @!p0 $0x400;
	s17 =	sadd.s32 @!p0 s6, s17  }
0xa8: {  	[tilespmem:s18], [sflag:$0x5] =	stream.linear.gather @!p0 [hbm4b:s17+s15], $0x100, $0x38;
	[tilespmem:$0x1C800] =	vst v63  }
0xa9: {  	s17 =	simm.s32 @!p0 $0x1  }
0xaa: {  	_ =	swait.ge @!p0 [sflag:s17], $0x100  }
0xab: {  	[sflag:s17] =	ssyncset.done @!p0 $0x0  }
0xac: {  	s18 =	simm.s32 @!p0 $0x800;
	[sflag:s17] =	ssyncadd.s32 @!p0 $0xFFFFFF00;
	s17 =	simm.s32 @!p0 $0x40  }
0xad: {  	[tilespmem:s18], [sflag:$0x9] =	stream.indirect.gather @!p0 [hbm4b:s4+s17], $0x80, s15, s17, $0xb8;
	[tilespmem:$0x1C800] =	vst v63  }
0xae: {  	s18 =	simm.s32 @!p0 $0xB  }
0xaf: {  	_ =	swait.ge @!p0 [sflag:s18], $0x2000  }
0xb0: {  	[sflag:s18] =	ssyncset.done @!p0 $0x0  }
0xb1: {  	s19 =	simm.s32 @!p0 $0x4800;
	[sflag:s18] =	ssyncadd.s32 @!p0 $0xFFFFE000;
	s18 =	simm.s32 @!p0 $0x680  }
0xb2: {  	[spmem:s2] =	stream.indirect.scatter.add.f32 @!p0 [tilespmem:s19], [sflag:$0xF], $0x80, s18, s17, $0xb8;
	[tilespmem:$0x1C800] =	vst v63  }
0xb3: {  	s18 =	simm.s32 @!p0 $0xE  }
0xb4: {  	_ =	swait.ge @!p0 [sflag:s18], $0x2000  }
0xb5: {  	[sflag:s18] =	ssyncset.done @!p0 $0x0  }
0xb6: {  	[sflag:s18] =	ssyncadd.s32 @!p0 $0xFFFFE000;
	s18 =	rddreg [dreg:$0xe]  }
0xb7: {  	s19 =	simm.s32 @!p0 $0x500;
	s18 =	sadd.s32 @!p0 s6, s18  }
0xb8: {  	[tilespmem:s19], [sflag:$0x6] =	stream.linear.gather @!p0 [hbm4b:s18+s15], $0x100, $0x38;
	[tilespmem:$0x1C800] =	vst v63  }
0xb9: {  	s15 =	simm.s32 @!p0 $0x2  }
0xba: {  	_ =	swait.ge @!p0 [sflag:s15], $0x100  }
0xbb: {  	[sflag:s15] =	ssyncset.done @!p0 $0x0  }
0xbc: {  	[sflag:s15] =	ssyncadd.s32 @!p0 $0xFFFFFF00;
	s15 =	simm.s32 @!p0 $0x2800  }
0xbd: {  	[tilespmem:s15], [sflag:$0xA] =	stream.indirect.gather @!p0 [hbm4b:s4+s17], $0x80, s16, s17, $0xb8;
	[tilespmem:$0x1C800] =	vst v63  }
0xbe: {  	_ =	swait.ge [sflag:s31], $0x2000  }
0xbf: {  	[sflag:s31] =	ssyncset.done $0x0  }
.Ltmp2:
0xc0: {  	s19 =	simm.s32 $0x780;
	[sflag:s31] =	ssyncadd.s32 $0xFFFFE000;
	(pc) =	sbr.rel @p0 .LBB2_4-.Ltmp2, $4  }
0xc1: {  	[spmem:s2] =	stream.indirect.scatter.add.f32 [tilespmem:s25], [sflag:$0x10], $0x80, s19, s9, $0xb8;
	[tilespmem:$0x1C800] =	vst v63  }
0xc2: {  	_ =	swait.ge [sflag:s5], $0x2000  }
0xc3: {  	[sflag:s5] =	ssyncset.done $0x0  }
0xc4: {  	[sflag:s5] =	ssyncadd.s32 $0xFFFFE000  }
0xc5: {  	s15 =	rddreg [dreg:$0xd]  }
0xc6: {  	s16 =	simm.s32 $0x0;
	s15 =	sadd.s32 s6, s15  }
0xc7: {  	[tilespmem:s1], [sflag:$0x7] =	stream.linear.gather [hbm4b:s15+s16], $0x100, $0x38;
	[tilespmem:$0x1C800] =	vst v63  }
.Ltmp3:
0xc8: {  	_ = 	snop;
	(pc) =	sbr.rel .LBB2_2-.Ltmp3, $4  }
0xc9: {  	_ =	swait.ge [sflag:s13], $0x100  }
0xca: {  	[sflag:s13] =	ssyncset.done $0x0  }
0xcb: {  	s19 =	simm.s32 $0x200;
	s6 =	sadd.s32 $0x100, s6;
	[sflag:s13] =	ssyncadd.s32 $0xFFFFFF00  }
0xcc: {  	[tilespmem:s14], [sflag:$0xB] =	stream.indirect.gather [hbm4b:s4+s9], $0x80, s19, s9, $0xb8;
	[tilespmem:$0x1C800] =	vst v63  }
.LBB2_5:
0xcd: {  	_ =	sfence.sel $0x180000  }
0xce: {  	[bflag:$0x0] =	sbarrier.arrive $0xFFFF  }
0xcf: {  	_ =	strace $0x9000004A  }
0xd0: {  	s0 =	stileid.u32;
	[bflag:$0x2] =	sbarrier.arrive $0xFFFF  }
0xd1: {  	p0 =	sne.s32 s0, $0x0;
	s0 =	rddreg [dreg:$0x2]  }
0xd2: {  	s0 =	sadd.s32 @!p0 $0x100000, s0  }
0xd3: {  	[sflag:s0] =	ssyncadd.tile.s32 @!p0 $0x1;
	_ =	shalt  }
.Lfunc_end2:
_tile_overlayer_lowered:
.L_overlay_start_2:
0xd4: {  	(tag) =	ssettag $0x2  }
0xd5: {  	s0 =	rddreg [dreg:$0x0];
	s2 =	stileid.u32  }
0xd6: {  	s1 =	rddreg [dreg:$0x1];
	p0 =	sne.s32 s2, $0x0  }
0xd7: {  	s3 =	rddreg [dreg:$0x2];
	[bflag:$0x3] =	sbarrier.arrive $0xFFFF;
	s2 =	simm.s32 @!p0 $0x1C11  }
0xd8: {  	[timem:s3], [sflag:s2] =	dma.local @!p0 [hbm:s0], s1  }
0xd9: {  	s0 =	simm.s32 @!p0 $0x11  }
0xda: {  	_ =	swait.ge @!p0 [sflag:s0], s1  }
0xdb: {  	s1 =	ssub.s32 @!p0 $0x0, s1;
	[sflag:s0] =	ssyncset.done @!p0 $0x0  }
0xdc: {  	[sflag:s0] =	ssyncadd.s32 @!p0 s1  }
0xdd: {  	[bflag:$0x3] =	sbarrier.arrive $0xFFFF  }
0xde: {  	_ =	shalt  }

// kernel: kernel.14.cloned.1.call-start
scs
__scs_entry_jumppad:
0x0: {  	(pc) =	sbr.rel $0x88, $3  }
0x1: {  	(tag) =	ssettag $0x0;
	lr =	simm.s32 $0x1  }
0x2: {  	[smem:$0x3F97] =	sst lr;
	_ =	strace $0xD0000000  }
0x3: {  	_ = 	snop  }
0x4: {  	_ = 	snop  }
0x5: {  	_ = 	snop  }
0x6: {  	_ = 	snop  }
0x7: {  	_ = 	snop  }
__scs_overlays_trampoline_lowered:
0x8: {  	[smem:$0x3FA6] =	sst s0  }
0x9: {  	[smem:$0x3FA7] =	sst s1  }
0xa: {  	[smem:$0x3FA8] =	sst s2  }
0xb: {  	[smem:$0x3FA9] =	sst s3  }
0xc: {  	[smem:$0x3FAA] =	sst s4  }
0xd: {  	[smem:$0x3FAB] =	sst s5  }
0xe: {  	[smem:$0x3FAC] =	sst s6  }
0xf: {  	[smem:$0x3FAD] =	sst s7  }
0x10: {  	[smem:$0x3FAE] =	sst s8  }
0x11: {  	[smem:$0x3FAF] =	sst s9;
	s0 =	simm.s32 @!p0 $0x0  }
0x12: {  	s1 =	sld [smem:$0x3F95];
	s0 =	simm.s32 @p0 $0x1  }
0x13: {  	[smem:$0x3FB0] =	sst s0;
	s0 =	simm.s32 @!p1 $0x0  }
0x14: {  	s2 =	sld [smem:$0x3F94];
	s0 =	simm.s32 @p1 $0x1  }
0x15: {  	[smem:$0x3FB1] =	sst s0;
	s0 =	simm.s32 @!p2 $0x0  }
0x16: {  	s3 =	sld [smem:$0x3FDB];
	s0 =	simm.s32 @p2 $0x1  }
0x17: {  	s4 =	simm.s32 $0x1BF5;
	[smem:$0x3FB3] =	sst s0  }
0x18: {  	s0 =	sld [smem:$0x3F96];
	_ =	swait.ge [sflag:s4], $0x0  }
0x19: {  	s7 =	sld [smem:$0x3F97]  }
0x1a: {  	s8 =	sadd.s32 $0xFFFFE003, lr  }
0x1b: {  	s9 =	sadd.s32 $0xFFFFFEF7, lr;
	s5 =	simm.s32 $0xFFFFFFFF;
	p2 =	slt.u32 s8, $0xFFFFF086  }
0x1c: {  	p1 =	slt.u32 s9, $0xF7A;
	s5 =	simm.s32 @!p2 $0x0  }
0x1d: {  	s5 =	simm.s32 @p1 $0x1;
	p0 =	seq.s32 s7, s2  }
0x1e: {  	s7 =	smul.u32 @!p0 $0xF7A, s2;
	p2 =	seq.s32 @!p0 s5, $0x0  }
0x1f: {  	s9 =	smul.u32 $0xF7A, s1;
	s8 =	simm.s32 @!p0 $0x1BF5;
	p2 =	por !p2, p0  }
0x20: {  	[sflag:s8] =	ssyncset.s32 @!p0 $0xFFFFF086;
	s6 =	sadd.s32 @!p0 s3, s7;
	s7 =	simm.s32 @!p0 $0x108  }
0x21: {  	s3 =	sadd.s32 s3, s9;
	s6 =	sadd.s32 @!p0 $0x88, s6;
	s7 =	simm.s32 @p2 $0x1082  }
0x22: {  	[simem:s7], [sflag:s8] =	dma.local @!p0 [hbm:s6], $0xF7A  }
0x23: {  	s9 =	sor.u32 $0xD0000000, s2;
	s6 =	simm.s32 $0x108;
	_ =	swait.ge @!p0 [sflag:s8], $0x0  }
0x24: {  	s3 =	sadd.s32 $0x88, s3;
	s6 =	simm.s32 @!p1 $0x1082;
	[sflag:s4] =	ssyncset.s32 $0xFFFFF086  }
0x25: {  	[simem:s6], [sflag:s4] =	dma.local [hbm:s3], $0xF7A  }
0x26: {  	[smem:$0x3F97] =	sst s1;
	(tag) =	ssettag s2;
	_ =	strace s9  }
0x27: {  	s1 =	sld [smem:$0x3FA7]  }
0x28: {  	s2 =	sld [smem:$0x3FA8]  }
0x29: {  	s4 =	sld [smem:$0x3FAA]  }
0x2a: {  	p0 =	seq.s32 s5, $0x0;
	s5 =	sld [smem:$0x3FAB]  }
0x2b: {  	s6 =	sld [smem:$0x3FAC]  }
0x2c: {  	s7 =	sld [smem:$0x3FAD]  }
0x2d: {  	s3 =	simm.s32 $0x108;
	s8 =	sld [smem:$0x3FAE]  }
0x2e: {  	s3 =	simm.s32 @!p0 $0x1082;
	s9 =	sld [smem:$0x3FAF]  }
0x2f: {  	lr =	sadd.s32 s0, s3;
	s0 =	sld [smem:$0x3FA6]  }
0x30: {  	s3 =	sld [smem:$0x3FA9]  }
0x31: {  	[smem:$0x3FB2] =	sst s10  }
0x32: {  	s10 =	sld [smem:$0x3FB0];
	_ =	sdelay $0x3  }
0x33: {  	p0 =	seq.s32 s10, $0x1;
	s10 =	sld [smem:$0x3FB2];
	_ =	sdelay $0x3  }
0x34: {  	[smem:$0x3FB2] =	sst s10  }
0x35: {  	s10 =	sld [smem:$0x3FB1];
	_ =	sdelay $0x3  }
0x36: {  	p1 =	seq.s32 s10, $0x1;
	s10 =	sld [smem:$0x3FB2];
	_ =	sdelay $0x3  }
0x37: {  	[smem:$0x3FB2] =	sst s10  }
0x38: {  	s10 =	sld [smem:$0x3FB3]  }
0x39: {  	_ = 	snop;
	(pc) =	sbr.ind lr, $3  }
0x3a: {  	_ = 	snop  }
0x3b: {  	_ = 	snop  }
0x3c: {  	p2 =	seq.s32 s10, $0x1;
	s10 =	sld [smem:$0x3FB2]  }
0x3d: {  	_ =	shalt  }
0x3e: {  	_ =	shalt  }
0x3f: {  	_ =	shalt  }
0x40: {  	_ =	shalt  }
0x41: {  	_ =	shalt  }
0x42: {  	_ =	shalt  }
0x43: {  	_ =	shalt  }
0x44: {  	_ =	shalt  }
0x45: {  	_ =	shalt  }
0x46: {  	_ =	shalt  }
0x47: {  	_ =	shalt  }
0x48: {  	_ =	shalt  }
0x49: {  	_ =	shalt  }
0x4a: {  	_ =	shalt  }
0x4b: {  	_ =	shalt  }
0x4c: {  	_ =	shalt  }
0x4d: {  	_ =	shalt  }
0x4e: {  	_ =	shalt  }
0x4f: {  	_ =	shalt  }
0x50: {  	_ =	shalt  }
0x51: {  	_ =	shalt  }
0x52: {  	_ =	shalt  }
0x53: {  	_ =	shalt  }
0x54: {  	_ =	shalt  }
0x55: {  	_ =	shalt  }
0x56: {  	_ =	shalt  }
0x57: {  	_ =	shalt  }
0x58: {  	_ =	shalt  }
0x59: {  	_ =	shalt  }
0x5a: {  	_ =	shalt  }
0x5b: {  	_ =	shalt  }
0x5c: {  	_ =	shalt  }
0x5d: {  	_ =	shalt  }
0x5e: {  	_ =	shalt  }
0x5f: {  	_ =	shalt  }
0x60: {  	_ =	shalt  }
0x61: {  	_ =	shalt  }
0x62: {  	_ =	shalt  }
0x63: {  	_ =	shalt  }
0x64: {  	_ =	shalt  }
0x65: {  	_ =	shalt  }
0x66: {  	_ =	shalt  }
0x67: {  	_ =	shalt  }
0x68: {  	_ =	shalt  }
0x69: {  	_ =	shalt  }
0x6a: {  	_ =	shalt  }
0x6b: {  	_ =	shalt  }
0x6c: {  	_ =	shalt  }
0x6d: {  	_ =	shalt  }
0x6e: {  	_ =	shalt  }
0x6f: {  	_ =	shalt  }
0x70: {  	_ =	shalt  }
0x71: {  	_ =	shalt  }
0x72: {  	_ =	shalt  }
0x73: {  	_ =	shalt  }
0x74: {  	_ =	shalt  }
0x75: {  	_ =	shalt  }
0x76: {  	_ =	shalt  }
0x77: {  	_ =	shalt  }
0x78: {  	_ =	shalt  }
0x79: {  	_ =	shalt  }
0x7a: {  	_ =	shalt  }
0x7b: {  	_ =	shalt  }
0x7c: {  	_ =	shalt  }
0x7d: {  	_ =	shalt  }
0x7e: {  	_ =	shalt  }
0x7f: {  	_ =	shalt  }
0x80: {  	_ =	shalt  }
0x81: {  	_ =	shalt  }
0x82: {  	_ =	shalt  }
0x83: {  	_ =	shalt  }
0x84: {  	_ =	shalt  }
0x85: {  	_ =	shalt  }
0x86: {  	_ =	shalt  }
0x87: {  	_ =	shalt  }
.Lfunc_end0:
.L_simem_size_0:
called_computation.2_lowered:
.L_overlay_start_0:
0x88: {  	s2 =	sld [smem:$0x3FD9]  }
0x89: {  	s3 =	sld [smem:$0x3FFE];
	_ =	sdelay $0x1  }
0x8a: {  	s1 =	srdreg.scid  }
0x8b: {  	s0 =	sand.u32 $0x1, s1  }
0x8c: {  	s16 =	sshll.u32 s0, $0xA;
	s2 =	sadd.s32 s3, s2  }
0x8d: {  	s2 =	sadd.s32 s2, s16  }
0x8e: {  	[smem:$0x3FBE] =	sst s2  }
0x8f: {  	_ = 	snop  }
0x90: {  	(tm) =	ssettm $0x1  }
0x91: {  	s17 =	sld [smem:$0x3FFB];
	_ =	sdelay $0x3  }
0x92: {  	_ =	strace s17  }
0x93: {  	s2 =	sld [smem:$0x3FFC];
	_ =	sdelay $0x3  }
0x94: {  	_ =	strace s2  }
0x95: {  	s2 =	sld [smem:$0x3FFD];
	_ =	sdelay $0x3  }
0x96: {  	_ =	strace s2  }
0x97: {  	_ =	strace $0x8FFFFFFF  }
0x98: {  	s18 =	sld [smem:$0x3FDB];
	_ =	sdelay $0x1  }
0x99: {  	s19 =	simm.s32 $_scs_section_size  }
0x9a: {  	s4 =	simm.s32 $_size__tile_overlayer_lowered;
	s5 =	simm.s32 $_tile_overlayer_lowered  }
0x9b: {  	s22 =	simm.s32 $0x1BFF;
	s21 =	sshll.u32 s5, $0x1;
	s2 =	sadd.s32 s19, s18  }
0x9c: {  	s6 =	simm.s32 $0x0;
	s20 =	sshll.u32 s4, $0x1;
	s4 =	sadd.s32 s21, s2  }
0x9d: {  	[timem:s6], [sflag:s22] =	dma.local [hbm:s4], s20  }
0x9e: {  	_ =	swait.ge [sflag:s22], s20  }
0x9f: {  	s3 =	ssub.s32 $0x0, s20;
	[sflag:s22] =	ssyncset.done $0x0  }
0xa0: {  	[sflag:s22] =	ssyncadd.s32 s3;
	_ =	sdelay $0x1  }
0xa1: {  	s23 =	simm.s32 $0x1B8B  }
0xa2: {  	_ =	swait.ge [sflag:s23], $0x1  }
0xa3: {  	[sflag:s23] =	ssyncset.done $0x0  }
0xa4: {  	s25 =	simm.s32 $0x1B8E;
	s24 =	sld [smem:$0x3FFE];
	[sflag:s23] =	ssyncadd.s32 $0xFFFFFFFF  }
0xa5: {  	s26 =	simm.s32 $execute0_lowered;
	[smem:$0x3FD2] =	sst s25  }
0xa6: {  	s4 =	sshll.u32 s26, $0x1;
	_ =	strace $0x8000004C;
	[dreg:$0x1] =	wrdreg $0xFFFFFFFF  }
0xa7: {  	s28 =	simm.s32 $_size_execute0_lowered;
	s2 =	sadd.s32 s2, s4;
	[dreg:$0x0] =	wrdreg $0x0  }
0xa8: {  	s4 =	sshll.u32 s28, $0x1;
	[dreg:$0x2] =	wrdreg s2  }
0xa9: {  	[dreg:$0x3] =	wrdreg s4  }
0xaa: {  	[dreg:$0x4] =	wrdreg $0xC0  }
0xab: {  	_ =	task [dreg:s6], $0x5FFFF  }
0xac: {  	[dreg:$0x1] =	wrdreg $0xFFFFFFFF  }
0xad: {  	[dreg:$0x0] =	wrdreg $0x60  }
0xae: {  	[dreg:$0x2] =	wrdreg s24  }
0xaf: {  	[dreg:$0x3] =	wrdreg $0x88000  }
0xb0: {  	[dreg:$0x4] =	wrdreg $0x9  }
0xb1: {  	_ =	task.clear_ibuf [dreg:s6], $0x5FFFF;
	_ =	strace $0x9000004C  }
0xb2: {  	s29 =	simm.s32 $0x9;
	_ =	strace $0x8000004E  }
0xb3: {  	_ =	swait.ge [sflag:s29], $0x1  }
0xb4: {  	[sflag:s29] =	ssyncadd.s32 $0xFFFFFFFF  }
0xb5: {  	_ =	strace $0x9000004E  }
0xb6: {  	_ =	sfence  }
0xb7: {  	s30 =	sld [smem:$0x0];
	_ =	sdelay $0x2  }
0xb8: {  	s31 =	sshll.u32 s1, $0xD;
	s1 =	sshrl.u32 s1, $0x2  }
0xb9: {  	s3 =	sand.u32 $0x4000, s31;
	s1 =	sadd.s32 s1, s30  }
0xba: {  	s0 =	sor.u32 s3, s0;
	s1 =	sshll.u32 s1, $0x11  }
0xbb: {  	s0 =	sor.u32 s1, s0  }
0xbc: {  	s0 =	sadd.s32 $0x8F2B, s0  }
0xbd: {  	[sflag:s0] =	ssyncadd.remote.s32 $0x1  }
0xbe: {  	_ =	sfence.sel $0xFFFF  }
0xbf: {  	[dreg:$0x0] =	wrdreg $0xFFFFFFFF;
	(pc) =	sbr.abs _section_cstart, $3  }
0xc0: {  	[dreg:$0x1] =	wrdreg $0xFFFFFFFF  }
0xc1: {  	_ =	task.clear_ibuf [dreg:s6], $0x2FFFF;
	_ =	strace $0x9FFFFFFF  }
0xc2: {  	(tm) =	ssettm $0x7FFFFFFF  }
0xc3: {  	_ =	shalt  }
tec
execute0_lowered:
.L_overlay_start_1:
0x0: {  	(tag) =	ssettag $0x1  }
0x1: {  	s0 =	rddreg [dreg:$0x0]  }
0x2: {  	s2 =	rddreg [dreg:$0x1];
	s11 =	stileid.u32  }
0x3: {  	s4 =	simm.s32 $0x0;
	s3 =	srdreg.scid;
	s29 =	simm.s32 $0xE  }
0x4: {  	s30 =	simm.s32 $0x6;
	s31 =	simm.s32 $0xC;
	s28 =	simm.s32 $0x7  }
0x5: {  	s1 =	smul.u32 $0x14000, s11;
	[smem:$0x7FF] =	sst s4;
	s3 =	sand.u32 $0x1, s3  }
0x6: {  	s4 =	sadd.s32 $0x2B800, s0;
	s7 =	sadd.s32 $0x3800, s0;
	s20 =	smul.u32 $0x50000, s11  }
0x7: {  	s22 =	sshll.u32 s11, $0x6;
	s23 =	smul.u32 $0xA000, s11;
	_ =	strace $0x8000004D  }
0x8: {  	s6 =	smul.u32 $0x140000, s3;
	s8 =	sshll.u32 s3, $0x4;
	s9 =	ssub.s32 $0x2, s3  }
0x9: {  	s3 =	smul.u32 $0xA0000, s3;
	s15 =	sor.u32 $0x1C11, s22;
	s5 =	sshrl.u32 s1, $0x3  }
0xa: {  	s8 =	sor.u32 s11, s8;
	s10 =	sshrl.u32 s9, $0x1;
	[dreg:$0x6] =	wrdreg s15  }
0xb: {  	s5 =	sadd.s32 s5, s0;
	s1 =	sadd.s32 s1, s6;
	s6 =	sshrl.u32 s20, $0x2  }
0xc: {  	s8 =	smul.u32 $0xA000, s8;
	s3 =	sadd.s32 s23, s3;
	s1 =	sshrl.u32 s1, $0x3  }
0xd: {  	s6 =	sadd.s32 s6, s2;
	s5 =	sadd.s32 $0x53800, s5;
	s11 =	sor.u32 $0xE00, s3  }
0xe: {  	s12 =	sor.u32 $0xD00, s3;
	s16 =	sor.u32 $0xC00, s3;
	s17 =	sor.u32 $0xB00, s3  }
0xf: {  	s18 =	sor.u32 $0xA00, s3;
	s22 =	sor.u32 $0x900, s3;
	s23 =	sor.u32 $0x800, s3  }
0x10: {  	s3 =	sor.u32 $0x700, s3;
	s0 =	sadd.s32 s1, s0;
	[dreg:$0x3] =	wrdreg s6  }
0x11: {  	s1 =	ssub.s32 s9, s10;
	[dreg:$0x4] =	wrdreg s5;
	s5 =	sshrl.u32 s11, $0x3  }
0x12: {  	s21 =	sshrl.u32 s8, $0x3;
	s6 =	sshrl.u32 s12, $0x3;
	s5 =	sadd.s32 s5, s7  }
0x13: {  	s20 =	sshrl.u32 s18, $0x3;
	s14 =	sadd.s32 s6, s7;
	[dreg:$0xd] =	wrdreg s5  }
0x14: {  	s9 =	sadd.s32 s7, s21;
	s21 =	sadd.s32 s20, s7;
	[dreg:$0xe] =	wrdreg s14  }
0x15: {  	s19 =	sshrl.u32 s17, $0x3;
	s3 =	sshrl.u32 s3, $0x3;
	[dreg:$0x11] =	wrdreg s21  }
0x16: {  	s12 =	simm.s32 $0x2800;
	s0 =	sadd.s32 $0x7B800, s0;
	[dreg:$0x5] =	wrdreg s9  }
0x17: {  	s11 =	simm.s32 $0xD;
	s24 =	sadd.s32 $0x20, s9;
	[dreg:$0x13] =	wrdreg s0  }
0x18: {  	s17 =	simm.s32 $0x0;
	s25 =	sadd.s32 $0x40, s9;
	[dreg:$0x7] =	wrdreg s24  }
0x19: {  	s26 =	sadd.s32 $0x60, s9;
	s8 =	sadd.s32 $0x80, s9;
	[dreg:$0x8] =	wrdreg s25  }
0x1a: {  	s10 =	sadd.s32 $0xA0, s9;
	s13 =	sadd.s32 $0xC0, s9;
	[dreg:$0x9] =	wrdreg s26  }
0x1b: {  	s5 =	sshrl.u32 s16, $0x3;
	s16 =	simm.s32 $0x11;
	[dreg:$0xa] =	wrdreg s8  }
0x1c: {  	s14 =	simm.s32 $0x4800;
	s0 =	simm.s32 $0x8;
	[dreg:$0xb] =	wrdreg s10  }
0x1d: {  	[dreg:$0xc] =	wrdreg s13;
	s5 =	sadd.s32 s5, s7;
	s24 =	sshrl.u32 s23, $0x3  }
0x1e: {  	s25 =	sadd.s32 $0xE0, s9;
	s26 =	smax.u32 s1, $0x1;
	s1 =	simm.s32 $0x600  }
0x1f: {  	s9 =	simm.s32 $0x40;
	s10 =	simm.s32 $0x800;
	s13 =	simm.s32 $0x3  }
0x20: {  	s23 =	simm.s32 $0x9;
	s8 =	simm.s32 $0x5;
	[dreg:$0xf] =	wrdreg s5  }
.Ltmp0:
0x21: {  	s5 =	sadd.s32 s19, s7;
	[dreg:$0x12] =	wrdreg s25;
	(pc) =	sbr.rel .LBB2_1-.Ltmp0, $4  }
0x22: {  	s21 =	sadd.s32 s24, s7;
	[dreg:$0x14] =	wrdreg s26;
	s24 =	simm.s32 $0x4  }
0x23: {  	s25 =	simm.s32 $0x6800;
	s26 =	simm.s32 $0xB;
	[dreg:$0x10] =	wrdreg s5  }
0x24: {  	s5 =	sshrl.u32 s22, $0x3;
	s22 =	sadd.s32 s3, s7;
	s3 =	simm.s32 $0x10  }
0x25: {  	s20 =	sadd.s32 s5, s7;
	s7 =	simm.s32 $0xA;
	s5 =	simm.s32 $0xF  }
.LBB2_4:
0x26: {  	_ =	swait.ge [sflag:s3], $0x2000  }
0x27: {  	[sflag:s3] =	ssyncset.done $0x0  }
0x28: {  	[sflag:s3] =	ssyncadd.s32 $0xFFFFE000  }
0x29: {  	[bflag:$0x0] =	sbarrier.arrive $0xFFFF  }
0x2a: {  	s15 =	rddreg [dreg:$0x6]  }
0x2b: {  	s6 =	rddreg [dreg:$0x13]  }
0x2c: {  	s16 =	rddreg [dreg:$0x16]  }
0x2d: {  	[hbm:s6], [sflag:s15] =	dma.local [spmem:s16], $0x2800  }
0x2e: {  	s16 =	simm.s32 $0x11  }
0x2f: {  	_ =	swait.ge [sflag:s16], $0x2800  }
0x30: {  	s17 =	rddreg [dreg:$0x15]  }
0x31: {  	s19 =	rddreg [dreg:$0x14];
	s17 =	sadd.s32 $0x1, s17  }
0x32: {  	p0 =	sne.s32 s17, s19  }
.Ltmp1:
0x33: {  	_ = 	snop;
	(pc) =	sbr.rel @!p0 .LBB2_5-.Ltmp1, $3  }
0x34: {  	_ =	sdelay $0x1  }
0x35: {  	[sflag:s16] =	ssyncset.done $0x0  }
0x36: {  	[sflag:s16] =	ssyncadd.s32 $0xFFFFD800  }
.LBB2_1:
0x37: {  	[dreg:$0x15] =	wrdreg s17  }
0x38: {  	s6 =	rddreg [dreg:$0x3]  }
0x39: {  	s19 =	rddreg [dreg:$0x4];
	s18 =	sshrl.u32 s6, $0x3  }
0x3a: {  	[dreg:$0x16] =	wrdreg s18  }
0x3b: {  	[spmem:s18], [sflag:s15] =	dma.local [hbm:s19], $0x2800  }
0x3c: {  	_ =	swait.ge [sflag:s16], $0x2800  }
0x3d: {  	[sflag:s16] =	ssyncset.done $0x0  }
0x3e: {  	s6 =	simm.s32 $0x0;
	[sflag:s16] =	ssyncadd.s32 $0xFFFFD800;
	s16 =	rddreg [dreg:$0x5]  }
0x3f: {  	[tilespmem:s6], [sflag:$0x1] =	stream.linear.gather [hbm4b:s16+s6], $0x100, $0x38;
	[tilespmem:$0x1C800] =	vst v63  }
0x40: {  	s17 =	rddreg [dreg:$0x7];
	s16 =	simm.s32 $0x100  }
0x41: {  	[tilespmem:s16], [sflag:$0x2] =	stream.linear.gather [hbm4b:s17+s6], $0x100, $0x38;
	[tilespmem:$0x1C800] =	vst v63  }
0x42: {  	s18 =	rddreg [dreg:$0x8];
	s17 =	simm.s32 $0x200  }
0x43: {  	[tilespmem:s17], [sflag:$0x3] =	stream.linear.gather [hbm4b:s18+s6], $0x100, $0x38;
	[tilespmem:$0x1C800] =	vst v63  }
0x44: {  	s19 =	rddreg [dreg:$0x9];
	s18 =	simm.s32 $0x300  }
0x45: {  	[tilespmem:s18], [sflag:$0x4] =	stream.linear.gather [hbm4b:s19+s6], $0x100, $0x38;
	[tilespmem:$0x1C800] =	vst v63  }
0x46: {  	s18 =	rddreg [dreg:$0xa];
	s19 =	simm.s32 $0x400  }
0x47: {  	[tilespmem:s19], [sflag:$0x5] =	stream.linear.gather [hbm4b:s18+s6], $0x100, $0x38;
	[tilespmem:$0x1C800] =	vst v63  }
0x48: {  	s18 =	rddreg [dreg:$0xb];
	s19 =	simm.s32 $0x500  }
0x49: {  	[tilespmem:s19], [sflag:$0x6] =	stream.linear.gather [hbm4b:s18+s6], $0x100, $0x38;
	[tilespmem:$0x1C800] =	vst v63  }
0x4a: {  	s19 =	rddreg [dreg:$0xc]  }
0x4b: {  	[tilespmem:s1], [sflag:$0x7] =	stream.linear.gather [hbm4b:s19+s6], $0x100, $0x38;
	[tilespmem:$0x1C800] =	vst v63  }
0x4c: {  	s18 =	rddreg [dreg:$0x12];
	s19 =	simm.s32 $0x700  }
0x4d: {  	[tilespmem:s19], [sflag:$0x8] =	stream.linear.gather [hbm4b:s18+s6], $0x100, $0x38;
	[tilespmem:$0x1C800] =	vst v63  }
0x4e: {  	s18 =	simm.s32 $0x1;
	[bflag:$0x0] =	sbarrier.arrive $0xFFFF  }
0x4f: {  	_ =	swait.ge [sflag:s18], $0x100  }
0x50: {  	[sflag:s18] =	ssyncset.done $0x0  }
0x51: {  	s19 =	simm.s32 $0x2;
	[sflag:s18] =	ssyncadd.s32 $0xFFFFFF00  }
0x52: {  	[tilespmem:s10], [sflag:$0x9] =	stream.indirect.gather [hbm4b:s4+s9], $0x80, s6, s9, $0xb8;
	[tilespmem:$0x1C800] =	vst v63  }
0x53: {  	_ =	swait.ge [sflag:s19], $0x100  }
0x54: {  	[sflag:s19] =	ssyncset.done $0x0  }
0x55: {  	[sflag:s19] =	ssyncadd.s32 $0xFFFFFF00  }
0x56: {  	[tilespmem:s12], [sflag:$0xA] =	stream.indirect.gather [hbm4b:s4+s9], $0x80, s16, s9, $0xb8;
	[tilespmem:$0x1C800] =	vst v63  }
0x57: {  	_ =	swait.ge [sflag:s13], $0x100  }
0x58: {  	[sflag:s13] =	ssyncset.done $0x0  }
0x59: {  	s6 =	simm.s32 $0x0;
	[sflag:s13] =	ssyncadd.s32 $0xFFFFFF00  }
0x5a: {  	[tilespmem:s14], [sflag:$0xB] =	stream.indirect.gather [hbm4b:s4+s9], $0x80, s17, s9, $0xb8;
	[tilespmem:$0x1C800] =	vst v63  }
.LBB2_2:
0x5b: {  	_ =	swait.ge [sflag:s23], $0x2000  }
0x5c: {  	[sflag:s23] =	ssyncset.done $0x0  }
0x5d: {  	s15 =	simm.s32 $0x80;
	p0 =	seq.s32 s6, $0x0;
	[sflag:s23] =	ssyncadd.s32 $0xFFFFE000  }
0x5e: {  	[spmem:s2] =	stream.indirect.scatter.add.f32 [tilespmem:s10], [sflag:$0xD], $0x80, s15, s9, $0xb8;
	[tilespmem:$0x1C800] =	vst v63  }
0x5f: {  	s15 =	simm.s32 @!p0 $0x10  }
0x60: {  	_ =	swait.ge @!p0 [sflag:s15], $0x2000  }
0x61: {  	s16 =	simm.s32 @!p0 $0x0;
	[sflag:s15] =	ssyncset.done @!p0 $0x0  }
0x62: {  	s17 =	simm.s32 @!p0 $0x700;
	[sflag:s15] =	ssyncadd.s32 @!p0 $0xFFFFE000;
	s15 =	sadd.s32 @!p0 s6, s22  }
0x63: {  	[tilespmem:s17], [sflag:$0x8] =	stream.linear.gather @!p0 [hbm4b:s15+s16], $0x100, $0x38;
	[tilespmem:$0x1C800] =	vst v63  }
0x64: {  	_ =	swait.ge [sflag:s24], $0x100  }
0x65: {  	[sflag:s24] =	ssyncset.done $0x0  }
0x66: {  	s17 =	simm.s32 $0x300;
	[sflag:s24] =	ssyncadd.s32 $0xFFFFFF00  }
0x67: {  	[tilespmem:s25], [sflag:$0xC] =	stream.indirect.gather [hbm4b:s4+s9], $0x80, s17, s9, $0xb8;
	[tilespmem:$0x1C800] =	vst v63  }
0x68: {  	_ =	swait.ge [sflag:s7], $0x2000  }
0x69: {  	[sflag:s7] =	ssyncset.done $0x0  }
0x6a: {  	s18 =	simm.s32 $0x180;
	[sflag:s7] =	ssyncadd.s32 $0xFFFFE000  }
0x6b: {  	[spmem:s2] =	stream.indirect.scatter.add.f32 [tilespmem:s12], [sflag:$0xE], $0x80, s18, s9, $0xb8;
	[tilespmem:$0x1C800] =	vst v63  }
0x6c: {  	_ =	swait.ge [sflag:s11], $0x2000  }
0x6d: {  	p0 =	seq.s32 s6, $0x1300;
	[sflag:s11] =	ssyncset.done $0x0  }
0x6e: {  	s16 =	sadd.s32 @!p0 s6, s21;
	s15 =	simm.s32 @!p0 $0x0;
	[sflag:s11] =	ssyncadd.s32 $0xFFFFE000  }
0x6f: {  	[tilespmem:s15], [sflag:$0x1] =	stream.linear.gather @!p0 [hbm4b:s16+s15], $0x100, $0x38;
	[tilespmem:$0x1C800] =	vst v63  }
0x70: {  	_ =	swait.ge [sflag:s8], $0x100  }
0x71: {  	[sflag:s8] =	ssyncset.done $0x0  }
0x72: {  	s19 =	simm.s32 $0x400;
	[sflag:s8] =	ssyncadd.s32 $0xFFFFFF00  }
0x73: {  	[tilespmem:s10], [sflag:$0x9] =	stream.indirect.gather [hbm4b:s4+s9], $0x80, s19, s9, $0xb8;
	[tilespmem:$0x1C800] =	vst v63  }
0x74: {  	_ =	swait.ge [sflag:s26], $0x2000  }
0x75: {  	[sflag:s26] =	ssyncset.done $0x0  }
0x76: {  	s17 =	simm.s32 $0x280;
	[sflag:s26] =	ssyncadd.s32 $0xFFFFE000  }
0x77: {  	[spmem:s2] =	stream.indirect.scatter.add.f32 [tilespmem:s14], [sflag:$0xF], $0x80, s17, s9, $0xb8;
	[tilespmem:$0x1C800] =	vst v63  }
0x78: {  	_ =	swait.ge [sflag:s29], $0x2000  }
0x79: {  	[sflag:s29] =	ssyncset.done $0x0  }
0x7a: {  	s16 =	simm.s32 @!p0 $0x100;
	s17 =	sadd.s32 @!p0 s6, s20;
	[sflag:s29] =	ssyncadd.s32 $0xFFFFE000  }
0x7b: {  	[tilespmem:s16], [sflag:$0x2] =	stream.linear.gather @!p0 [hbm4b:s17+s15], $0x100, $0x38;
	[tilespmem:$0x1C800] =	vst v63  }
0x7c: {  	_ =	swait.ge [sflag:s30], $0x100  }
0x7d: {  	[sflag:s30] =	ssyncset.done $0x0  }
0x7e: {  	s18 =	simm.s32 $0x500;
	[sflag:s30] =	ssyncadd.s32 $0xFFFFFF00  }
0x7f: {  	[tilespmem:s12], [sflag:$0xA] =	stream.indirect.gather [hbm4b:s4+s9], $0x80, s18, s9, $0xb8;
	[tilespmem:$0x1C800] =	vst v63  }
0x80: {  	_ =	swait.ge [sflag:s31], $0x2000  }
0x81: {  	[sflag:s31] =	ssyncset.done $0x0  }
0x82: {  	s19 =	simm.s32 $0x380;
	[sflag:s31] =	ssyncadd.s32 $0xFFFFE000  }
0x83: {  	[spmem:s2] =	stream.indirect.scatter.add.f32 [tilespmem:s25], [sflag:$0x10], $0x80, s19, s9, $0xb8;
	[tilespmem:$0x1C800] =	vst v63  }
0x84: {  	_ =	swait.ge [sflag:s5], $0x2000  }
0x85: {  	[sflag:s5] =	ssyncset.done $0x0;
	s17 =	rddreg [dreg:$0x11]  }
0x86: {  	s18 =	simm.s32 @!p0 $0x200;
	[sflag:s5] =	ssyncadd.s32 $0xFFFFE000;
	s17 =	sadd.s32 @!p0 s6, s17  }
0x87: {  	[tilespmem:s18], [sflag:$0x3] =	stream.linear.gather @!p0 [hbm4b:s17+s15], $0x100, $0x38;
	[tilespmem:$0x1C800] =	vst v63  }
0x88: {  	_ =	swait.ge [sflag:s28], $0x100  }
0x89: {  	[sflag:s28] =	ssyncset.done $0x0  }
0x8a: {  	[sflag:s28] =	ssyncadd.s32 $0xFFFFFF00  }
0x8b: {  	[tilespmem:s14], [sflag:$0xB] =	stream.indirect.gather [hbm4b:s4+s9], $0x80, s1, s9, $0xb8;
	[tilespmem:$0x1C800] =	vst v63  }
0x8c: {  	_ =	swait.ge [sflag:s23], $0x2000  }
0x8d: {  	[sflag:s23] =	ssyncset.done $0x0  }
0x8e: {  	s18 =	simm.s32 $0x480;
	[sflag:s23] =	ssyncadd.s32 $0xFFFFE000  }
0x8f: {  	[spmem:s2] =	stream.indirect.scatter.add.f32 [tilespmem:s10], [sflag:$0xD], $0x80, s18, s9, $0xb8;
	[tilespmem:$0x1C800] =	vst v63  }
0x90: {  	_ =	swait.ge [sflag:s3], $0x2000  }
0x91: {  	[sflag:s3] =	ssyncset.done $0x0;
	s17 =	rddreg [dreg:$0x10]  }
0x92: {  	s18 =	simm.s32 @!p0 $0x300;
	[sflag:s3] =	ssyncadd.s32 $0xFFFFE000;
	s17 =	sadd.s32 @!p0 s6, s17  }
0x93: {  	[tilespmem:s18], [sflag:$0x4] =	stream.linear.gather @!p0 [hbm4b:s17+s15], $0x100, $0x38;
	[tilespmem:$0x1C800] =	vst v63  }
0x94: {  	_ =	swait.ge [sflag:s0], $0x100  }
0x95: {  	[sflag:s0] =	ssyncset.done $0x0  }
0x96: {  	s19 =	simm.s32 $0x700;
	[sflag:s0] =	ssyncadd.s32 $0xFFFFFF00  }
0x97: {  	[tilespmem:s25], [sflag:$0xC] =	stream.indirect.gather [hbm4b:s4+s9], $0x80, s19, s9, $0xb8;
	[tilespmem:$0x1C800] =	vst v63  }
0x98: {  	_ =	swait.ge [sflag:s7], $0x2000  }
0x99: {  	[sflag:s7] =	ssyncset.done $0x0  }
0x9a: {  	s18 =	simm.s32 $0x580;
	[sflag:s7] =	ssyncadd.s32 $0xFFFFE000  }
0x9b: {  	[spmem:s2] =	stream.indirect.scatter.add.f32 [tilespmem:s12], [sflag:$0xE], $0x80, s18, s9, $0xb8;
	[tilespmem:$0x1C800] =	vst v63  }
0x9c: {  	_ =	swait.ge [sflag:s11], $0x2000  }
0x9d: {  	[sflag:s11] =	ssyncset.done $0x0  }
0x9e: {  	s17 =	simm.s32 @p0 $0xB;
	[sflag:s11] =	ssyncadd.s32 $0xFFFFE000  }
0x9f: {  	_ =	swait.ge @p0 [sflag:s17], $0x2000  }
0xa0: {  	s19 =	simm.s32 @p0 $0x4800;
	[sflag:s17] =	ssyncset.done @p0 $0x0  }
0xa1: {  	s18 =	simm.s32 @p0 $0x680;
	[sflag:s17] =	ssyncadd.s32 @p0 $0xFFFFE000;
	s17 =	simm.s32 @p0 $0x40  }
0xa2: {  	[spmem:s2] =	stream.indirect.scatter.add.f32 @p0 [tilespmem:s19], [sflag:$0xF], $0x80, s18, s17, $0xb8;
	[tilespmem:$0x1C800] =	vst v63  }
0xa3: {  	s17 =	simm.s32 @p0 $0xE  }
0xa4: {  	_ =	swait.ge @p0 [sflag:s17], $0x2000  }
0xa5: {  	[sflag:s17] =	ssyncset.done @p0 $0x0  }
0xa6: {  	[sflag:s17] =	ssyncadd.s32 @p0 $0xFFFFE000;
	s17 =	rddreg [dreg:$0xf]  }
0xa7: {  	s18 =	simm.s32 @!p0 $0x400;
	s17 =	sadd.s32 @!p0 s6, s17  }
0xa8: {  	[tilespmem:s18], [sflag:$0x5] =	stream.linear.gather @!p0 [hbm4b:s17+s15], $0x100, $0x38;
	[tilespmem:$0x1C800] =	vst v63  }
0xa9: {  	s17 =	simm.s32 @!p0 $0x1  }
0xaa: {  	_ =	swait.ge @!p0 [sflag:s17], $0x100  }
0xab: {  	[sflag:s17] =	ssyncset.done @!p0 $0x0  }
0xac: {  	s18 =	simm.s32 @!p0 $0x800;
	[sflag:s17] =	ssyncadd.s32 @!p0 $0xFFFFFF00;
	s17 =	simm.s32 @!p0 $0x40  }
0xad: {  	[tilespmem:s18], [sflag:$0x9] =	stream.indirect.gather @!p0 [hbm4b:s4+s17], $0x80, s15, s17, $0xb8;
	[tilespmem:$0x1C800] =	vst v63  }
0xae: {  	s18 =	simm.s32 @!p0 $0xB  }
0xaf: {  	_ =	swait.ge @!p0 [sflag:s18], $0x2000  }
0xb0: {  	[sflag:s18] =	ssyncset.done @!p0 $0x0  }
0xb1: {  	s19 =	simm.s32 @!p0 $0x4800;
	[sflag:s18] =	ssyncadd.s32 @!p0 $0xFFFFE000;
	s18 =	simm.s32 @!p0 $0x680  }
0xb2: {  	[spmem:s2] =	stream.indirect.scatter.add.f32 @!p0 [tilespmem:s19], [sflag:$0xF], $0x80, s18, s17, $0xb8;
	[tilespmem:$0x1C800] =	vst v63  }
0xb3: {  	s18 =	simm.s32 @!p0 $0xE  }
0xb4: {  	_ =	swait.ge @!p0 [sflag:s18], $0x2000  }
0xb5: {  	[sflag:s18] =	ssyncset.done @!p0 $0x0  }
0xb6: {  	[sflag:s18] =	ssyncadd.s32 @!p0 $0xFFFFE000;
	s18 =	rddreg [dreg:$0xe]  }
0xb7: {  	s19 =	simm.s32 @!p0 $0x500;
	s18 =	sadd.s32 @!p0 s6, s18  }
0xb8: {  	[tilespmem:s19], [sflag:$0x6] =	stream.linear.gather @!p0 [hbm4b:s18+s15], $0x100, $0x38;
	[tilespmem:$0x1C800] =	vst v63  }
0xb9: {  	s15 =	simm.s32 @!p0 $0x2  }
0xba: {  	_ =	swait.ge @!p0 [sflag:s15], $0x100  }
0xbb: {  	[sflag:s15] =	ssyncset.done @!p0 $0x0  }
0xbc: {  	[sflag:s15] =	ssyncadd.s32 @!p0 $0xFFFFFF00;
	s15 =	simm.s32 @!p0 $0x2800  }
0xbd: {  	[tilespmem:s15], [sflag:$0xA] =	stream.indirect.gather @!p0 [hbm4b:s4+s17], $0x80, s16, s17, $0xb8;
	[tilespmem:$0x1C800] =	vst v63  }
0xbe: {  	_ =	swait.ge [sflag:s31], $0x2000  }
0xbf: {  	[sflag:s31] =	ssyncset.done $0x0  }
.Ltmp2:
0xc0: {  	s19 =	simm.s32 $0x780;
	[sflag:s31] =	ssyncadd.s32 $0xFFFFE000;
	(pc) =	sbr.rel @p0 .LBB2_4-.Ltmp2, $4  }
0xc1: {  	[spmem:s2] =	stream.indirect.scatter.add.f32 [tilespmem:s25], [sflag:$0x10], $0x80, s19, s9, $0xb8;
	[tilespmem:$0x1C800] =	vst v63  }
0xc2: {  	_ =	swait.ge [sflag:s5], $0x2000  }
0xc3: {  	[sflag:s5] =	ssyncset.done $0x0  }
0xc4: {  	[sflag:s5] =	ssyncadd.s32 $0xFFFFE000  }
0xc5: {  	s15 =	rddreg [dreg:$0xd]  }
0xc6: {  	s16 =	simm.s32 $0x0;
	s15 =	sadd.s32 s6, s15  }
0xc7: {  	[tilespmem:s1], [sflag:$0x7] =	stream.linear.gather [hbm4b:s15+s16], $0x100, $0x38;
	[tilespmem:$0x1C800] =	vst v63  }
.Ltmp3:
0xc8: {  	_ = 	snop;
	(pc) =	sbr.rel .LBB2_2-.Ltmp3, $4  }
0xc9: {  	_ =	swait.ge [sflag:s13], $0x100  }
0xca: {  	[sflag:s13] =	ssyncset.done $0x0  }
0xcb: {  	s19 =	simm.s32 $0x200;
	s6 =	sadd.s32 $0x100, s6;
	[sflag:s13] =	ssyncadd.s32 $0xFFFFFF00  }
0xcc: {  	[tilespmem:s14], [sflag:$0xB] =	stream.indirect.gather [hbm4b:s4+s9], $0x80, s19, s9, $0xb8;
	[tilespmem:$0x1C800] =	vst v63  }
.LBB2_5:
0xcd: {  	_ =	sfence.sel $0x180000  }
0xce: {  	[bflag:$0x0] =	sbarrier.arrive $0xFFFF  }
0xcf: {  	_ =	strace $0x9000004D  }
0xd0: {  	s0 =	stileid.u32;
	[bflag:$0x2] =	sbarrier.arrive $0xFFFF  }
0xd1: {  	p0 =	sne.s32 s0, $0x0;
	s0 =	rddreg [dreg:$0x2]  }
0xd2: {  	s0 =	sadd.s32 @!p0 $0x100000, s0  }
0xd3: {  	[sflag:s0] =	ssyncadd.tile.s32 @!p0 $0x1;
	_ =	shalt  }
.Lfunc_end2:
_tile_overlayer_lowered:
.L_overlay_start_2:
0xd4: {  	(tag) =	ssettag $0x2  }
0xd5: {  	s0 =	rddreg [dreg:$0x0];
	s2 =	stileid.u32  }
0xd6: {  	s1 =	rddreg [dreg:$0x1];
	p0 =	sne.s32 s2, $0x0  }
0xd7: {  	s3 =	rddreg [dreg:$0x2];
	[bflag:$0x3] =	sbarrier.arrive $0xFFFF;
	s2 =	simm.s32 @!p0 $0x1C11  }
0xd8: {  	[timem:s3], [sflag:s2] =	dma.local @!p0 [hbm:s0], s1  }
0xd9: {  	s0 =	simm.s32 @!p0 $0x11  }
0xda: {  	_ =	swait.ge @!p0 [sflag:s0], s1  }
0xdb: {  	s1 =	ssub.s32 @!p0 $0x0, s1;
	[sflag:s0] =	ssyncset.done @!p0 $0x0  }
0xdc: {  	[sflag:s0] =	ssyncadd.s32 @!p0 s1  }
0xdd: {  	[bflag:$0x3] =	sbarrier.arrive $0xFFFF  }
0xde: {  	_ =	shalt  }

// kernel: kernel.8.cloned.1.call-start
scs
__scs_entry_jumppad:
0x0: {  	(pc) =	sbr.rel $0x88, $3  }
0x1: {  	(tag) =	ssettag $0x0;
	lr =	simm.s32 $0x1  }
0x2: {  	[smem:$0x3F97] =	sst lr;
	_ =	strace $0xD0000000  }
0x3: {  	_ = 	snop  }
0x4: {  	_ = 	snop  }
0x5: {  	_ = 	snop  }
0x6: {  	_ = 	snop  }
0x7: {  	_ = 	snop  }
__scs_overlays_trampoline_lowered:
0x8: {  	[smem:$0x3FA6] =	sst s0  }
0x9: {  	[smem:$0x3FA7] =	sst s1  }
0xa: {  	[smem:$0x3FA8] =	sst s2  }
0xb: {  	[smem:$0x3FA9] =	sst s3  }
0xc: {  	[smem:$0x3FAA] =	sst s4  }
0xd: {  	[smem:$0x3FAB] =	sst s5  }
0xe: {  	[smem:$0x3FAC] =	sst s6  }
0xf: {  	[smem:$0x3FAD] =	sst s7  }
0x10: {  	[smem:$0x3FAE] =	sst s8  }
0x11: {  	[smem:$0x3FAF] =	sst s9;
	s0 =	simm.s32 @!p0 $0x0  }
0x12: {  	s1 =	sld [smem:$0x3F95];
	s0 =	simm.s32 @p0 $0x1  }
0x13: {  	[smem:$0x3FB0] =	sst s0;
	s0 =	simm.s32 @!p1 $0x0  }
0x14: {  	s2 =	sld [smem:$0x3F94];
	s0 =	simm.s32 @p1 $0x1  }
0x15: {  	[smem:$0x3FB1] =	sst s0;
	s0 =	simm.s32 @!p2 $0x0  }
0x16: {  	s3 =	sld [smem:$0x3FDB];
	s0 =	simm.s32 @p2 $0x1  }
0x17: {  	s4 =	simm.s32 $0x1BF5;
	[smem:$0x3FB3] =	sst s0  }
0x18: {  	s0 =	sld [smem:$0x3F96];
	_ =	swait.ge [sflag:s4], $0x0  }
0x19: {  	s7 =	sld [smem:$0x3F97]  }
0x1a: {  	s8 =	sadd.s32 $0xFFFFE003, lr  }
0x1b: {  	s9 =	sadd.s32 $0xFFFFFEF7, lr;
	s5 =	simm.s32 $0xFFFFFFFF;
	p2 =	slt.u32 s8, $0xFFFFF086  }
0x1c: {  	p1 =	slt.u32 s9, $0xF7A;
	s5 =	simm.s32 @!p2 $0x0  }
0x1d: {  	s5 =	simm.s32 @p1 $0x1;
	p0 =	seq.s32 s7, s2  }
0x1e: {  	s7 =	smul.u32 @!p0 $0xF7A, s2;
	p2 =	seq.s32 @!p0 s5, $0x0  }
0x1f: {  	s9 =	smul.u32 $0xF7A, s1;
	s8 =	simm.s32 @!p0 $0x1BF5;
	p2 =	por !p2, p0  }
0x20: {  	[sflag:s8] =	ssyncset.s32 @!p0 $0xFFFFF086;
	s6 =	sadd.s32 @!p0 s3, s7;
	s7 =	simm.s32 @!p0 $0x108  }
0x21: {  	s3 =	sadd.s32 s3, s9;
	s6 =	sadd.s32 @!p0 $0x88, s6;
	s7 =	simm.s32 @p2 $0x1082  }
0x22: {  	[simem:s7], [sflag:s8] =	dma.local @!p0 [hbm:s6], $0xF7A  }
0x23: {  	s9 =	sor.u32 $0xD0000000, s2;
	s6 =	simm.s32 $0x108;
	_ =	swait.ge @!p0 [sflag:s8], $0x0  }
0x24: {  	s3 =	sadd.s32 $0x88, s3;
	s6 =	simm.s32 @!p1 $0x1082;
	[sflag:s4] =	ssyncset.s32 $0xFFFFF086  }
0x25: {  	[simem:s6], [sflag:s4] =	dma.local [hbm:s3], $0xF7A  }
0x26: {  	[smem:$0x3F97] =	sst s1;
	(tag) =	ssettag s2;
	_ =	strace s9  }
0x27: {  	s1 =	sld [smem:$0x3FA7]  }
0x28: {  	s2 =	sld [smem:$0x3FA8]  }
0x29: {  	s4 =	sld [smem:$0x3FAA]  }
0x2a: {  	p0 =	seq.s32 s5, $0x0;
	s5 =	sld [smem:$0x3FAB]  }
0x2b: {  	s6 =	sld [smem:$0x3FAC]  }
0x2c: {  	s7 =	sld [smem:$0x3FAD]  }
0x2d: {  	s3 =	simm.s32 $0x108;
	s8 =	sld [smem:$0x3FAE]  }
0x2e: {  	s3 =	simm.s32 @!p0 $0x1082;
	s9 =	sld [smem:$0x3FAF]  }
0x2f: {  	lr =	sadd.s32 s0, s3;
	s0 =	sld [smem:$0x3FA6]  }
0x30: {  	s3 =	sld [smem:$0x3FA9]  }
0x31: {  	[smem:$0x3FB2] =	sst s10  }
0x32: {  	s10 =	sld [smem:$0x3FB0];
	_ =	sdelay $0x3  }
0x33: {  	p0 =	seq.s32 s10, $0x1;
	s10 =	sld [smem:$0x3FB2];
	_ =	sdelay $0x3  }
0x34: {  	[smem:$0x3FB2] =	sst s10  }
0x35: {  	s10 =	sld [smem:$0x3FB1];
	_ =	sdelay $0x3  }
0x36: {  	p1 =	seq.s32 s10, $0x1;
	s10 =	sld [smem:$0x3FB2];
	_ =	sdelay $0x3  }
0x37: {  	[smem:$0x3FB2] =	sst s10  }
0x38: {  	s10 =	sld [smem:$0x3FB3]  }
0x39: {  	_ = 	snop;
	(pc) =	sbr.ind lr, $3  }
0x3a: {  	_ = 	snop  }
0x3b: {  	_ = 	snop  }
0x3c: {  	p2 =	seq.s32 s10, $0x1;
	s10 =	sld [smem:$0x3FB2]  }
0x3d: {  	_ =	shalt  }
0x3e: {  	_ =	shalt  }
0x3f: {  	_ =	shalt  }
0x40: {  	_ =	shalt  }
0x41: {  	_ =	shalt  }
0x42: {  	_ =	shalt  }
0x43: {  	_ =	shalt  }
0x44: {  	_ =	shalt  }
0x45: {  	_ =	shalt  }
0x46: {  	_ =	shalt  }
0x47: {  	_ =	shalt  }
0x48: {  	_ =	shalt  }
0x49: {  	_ =	shalt  }
0x4a: {  	_ =	shalt  }
0x4b: {  	_ =	shalt  }
0x4c: {  	_ =	shalt  }
0x4d: {  	_ =	shalt  }
0x4e: {  	_ =	shalt  }
0x4f: {  	_ =	shalt  }
0x50: {  	_ =	shalt  }
0x51: {  	_ =	shalt  }
0x52: {  	_ =	shalt  }
0x53: {  	_ =	shalt  }
0x54: {  	_ =	shalt  }
0x55: {  	_ =	shalt  }
0x56: {  	_ =	shalt  }
0x57: {  	_ =	shalt  }
0x58: {  	_ =	shalt  }
0x59: {  	_ =	shalt  }
0x5a: {  	_ =	shalt  }
0x5b: {  	_ =	shalt  }
0x5c: {  	_ =	shalt  }
0x5d: {  	_ =	shalt  }
0x5e: {  	_ =	shalt  }
0x5f: {  	_ =	shalt  }
0x60: {  	_ =	shalt  }
0x61: {  	_ =	shalt  }
0x62: {  	_ =	shalt  }
0x63: {  	_ =	shalt  }
0x64: {  	_ =	shalt  }
0x65: {  	_ =	shalt  }
0x66: {  	_ =	shalt  }
0x67: {  	_ =	shalt  }
0x68: {  	_ =	shalt  }
0x69: {  	_ =	shalt  }
0x6a: {  	_ =	shalt  }
0x6b: {  	_ =	shalt  }
0x6c: {  	_ =	shalt  }
0x6d: {  	_ =	shalt  }
0x6e: {  	_ =	shalt  }
0x6f: {  	_ =	shalt  }
0x70: {  	_ =	shalt  }
0x71: {  	_ =	shalt  }
0x72: {  	_ =	shalt  }
0x73: {  	_ =	shalt  }
0x74: {  	_ =	shalt  }
0x75: {  	_ =	shalt  }
0x76: {  	_ =	shalt  }
0x77: {  	_ =	shalt  }
0x78: {  	_ =	shalt  }
0x79: {  	_ =	shalt  }
0x7a: {  	_ =	shalt  }
0x7b: {  	_ =	shalt  }
0x7c: {  	_ =	shalt  }
0x7d: {  	_ =	shalt  }
0x7e: {  	_ =	shalt  }
0x7f: {  	_ =	shalt  }
0x80: {  	_ =	shalt  }
0x81: {  	_ =	shalt  }
0x82: {  	_ =	shalt  }
0x83: {  	_ =	shalt  }
0x84: {  	_ =	shalt  }
0x85: {  	_ =	shalt  }
0x86: {  	_ =	shalt  }
0x87: {  	_ =	shalt  }
.Lfunc_end0:
.L_simem_size_0:
called_computation_lowered:
.L_overlay_start_0:
0x88: {  	s2 =	sld [smem:$0x3FD9]  }
0x89: {  	s3 =	sld [smem:$0x3FFE];
	_ =	sdelay $0x1  }
0x8a: {  	s1 =	srdreg.scid  }
0x8b: {  	s0 =	sand.u32 $0x1, s1  }
0x8c: {  	s17 =	sshll.u32 s0, $0xA;
	s2 =	sadd.s32 s3, s2  }
0x8d: {  	s2 =	sadd.s32 s2, s17  }
0x8e: {  	[smem:$0x3FBE] =	sst s2  }
0x8f: {  	_ = 	snop  }
0x90: {  	s2 =	sld [smem:$0x3FD0];
	(tm) =	ssettm $0x1  }
0x91: {  	s18 =	sld [smem:$0x3FFB];
	_ =	sdelay $0x3  }
0x92: {  	_ =	strace s18  }
0x93: {  	s3 =	sld [smem:$0x3FFC];
	_ =	sdelay $0x3  }
0x94: {  	_ =	strace s3  }
0x95: {  	s3 =	sld [smem:$0x3FFD];
	_ =	sdelay $0x3  }
0x96: {  	_ =	strace s3  }
0x97: {  	_ =	strace $0x8FFFFFFF  }
0x98: {  	s19 =	sld [smem:$0x3FDB];
	_ =	sdelay $0x1  }
0x99: {  	s4 =	simm.s32 $_scs_section_size  }
0x9a: {  	s5 =	simm.s32 $_size__tile_overlayer_lowered;
	s6 =	simm.s32 $_tile_overlayer_lowered  }
0x9b: {  	s22 =	simm.s32 $0x1BFF;
	s21 =	sshll.u32 s6, $0x1;
	s3 =	sadd.s32 s4, s19  }
0x9c: {  	s7 =	simm.s32 $0x0;
	s20 =	sshll.u32 s5, $0x1;
	s5 =	sadd.s32 s21, s3  }
0x9d: {  	[timem:s7], [sflag:s22] =	dma.local [hbm:s5], s20  }
0x9e: {  	_ =	swait.ge [sflag:s22], s20  }
0x9f: {  	s4 =	ssub.s32 $0x0, s20;
	[sflag:s22] =	ssyncset.done $0x0  }
0xa0: {  	[sflag:s22] =	ssyncadd.s32 s4;
	_ =	sdelay $0x1  }
0xa1: {  	s23 =	simm.s32 $0x1B8B  }
0xa2: {  	_ =	swait.ge [sflag:s23], $0x1  }
0xa3: {  	[sflag:s23] =	ssyncset.done $0x0  }
0xa4: {  	s25 =	simm.s32 $0x1B8E;
	s24 =	sld [smem:$0x3FFE];
	[sflag:s23] =	ssyncadd.s32 $0xFFFFFFFF  }
0xa5: {  	s26 =	simm.s32 $execute0_lowered;
	[smem:$0x3FD2] =	sst s25  }
0xa6: {  	s5 =	sshll.u32 s26, $0x1;
	_ =	strace $0x80000046;
	[dreg:$0x1] =	wrdreg $0xFFFFFFFF  }
0xa7: {  	s28 =	simm.s32 $_size_execute0_lowered;
	s3 =	sadd.s32 s3, s5;
	[dreg:$0x0] =	wrdreg $0x0  }
0xa8: {  	s5 =	sshll.u32 s28, $0x1;
	[dreg:$0x2] =	wrdreg s3  }
0xa9: {  	[dreg:$0x3] =	wrdreg s5  }
0xaa: {  	[dreg:$0x4] =	wrdreg $0xC0  }
0xab: {  	_ =	task [dreg:s7], $0x5FFFF  }
0xac: {  	[dreg:$0x1] =	wrdreg $0xFFFFFFFF  }
0xad: {  	[dreg:$0x0] =	wrdreg $0x60  }
0xae: {  	[dreg:$0x2] =	wrdreg s2  }
0xaf: {  	[dreg:$0x3] =	wrdreg s24  }
0xb0: {  	[dreg:$0x4] =	wrdreg $0x50800  }
0xb1: {  	[dreg:$0x5] =	wrdreg $0x9  }
0xb2: {  	_ =	task.clear_ibuf [dreg:s7], $0x6FFFF;
	_ =	strace $0x90000046  }
0xb3: {  	s29 =	simm.s32 $0x9;
	_ =	strace $0x80000048  }
0xb4: {  	_ =	swait.ge [sflag:s29], $0x1  }
0xb5: {  	[sflag:s29] =	ssyncadd.s32 $0xFFFFFFFF  }
0xb6: {  	_ =	strace $0x90000048  }
0xb7: {  	_ =	sfence  }
0xb8: {  	s30 =	sld [smem:$0x0];
	_ =	sdelay $0x2  }
0xb9: {  	s31 =	sshll.u32 s1, $0xD;
	s1 =	sshrl.u32 s1, $0x2  }
0xba: {  	s3 =	sand.u32 $0x4000, s31;
	s1 =	sadd.s32 s1, s30  }
0xbb: {  	s0 =	sor.u32 s3, s0;
	s1 =	sshll.u32 s1, $0x11  }
0xbc: {  	s0 =	sor.u32 s1, s0  }
0xbd: {  	s0 =	sadd.s32 $0x8F2B, s0  }
0xbe: {  	[sflag:s0] =	ssyncadd.remote.s32 $0x1  }
0xbf: {  	_ =	sfence.sel $0xFFFF  }
0xc0: {  	[dreg:$0x0] =	wrdreg $0xFFFFFFFF;
	(pc) =	sbr.abs _section_cstart, $3  }
0xc1: {  	[dreg:$0x1] =	wrdreg $0xFFFFFFFF  }
0xc2: {  	_ =	task.clear_ibuf [dreg:s7], $0x2FFFF;
	_ =	strace $0x9FFFFFFF  }
0xc3: {  	(tm) =	ssettm $0x7FFFFFFF  }
tec
execute0_lowered:
.L_overlay_start_1:
0x0: {  	(tag) =	ssettag $0x1  }
0x1: {  	s5 =	rddreg [dreg:$0x0]  }
0x2: {  	s6 =	rddreg [dreg:$0x1]  }
0x3: {  	s2 =	rddreg [dreg:$0x2]  }
0x4: {  	s0 =	rddreg [dreg:$0x3];
	s3 =	simm.s32 $0x0;
	s1 =	stileid.u32  }
0x5: {  	s4 =	srdreg.scid;
	s13 =	simm.s32 $0x40;
	s14 =	simm.s32 $0x20  }
0x6: {  	s15 =	simm.s32 $0x10;
	s16 =	simm.s32 $0x0;
	s7 =	smul.u32 $0x280, s1  }
0x7: {  	[smem:$0x7FF] =	sst s3;
	s8 =	sand.u32 $0x1, s4;
	s9 =	smul.u32 $0x500, s1  }
0x8: {  	s4 =	sadd.s32 $0x2C00, s6;
	s31 =	sshll.u32 s1, $0x6;
	_ =	strace $0x80000047  }
0x9: {  	s10 =	sshll.u32 s8, $0x7;
	s11 =	sshll.u32 s8, $0x4;
	s8 =	ssub.s32 $0x2, s8  }
0xa: {  	s12 =	sshrl.u32 s7, $0x3;
	s9 =	sor.u32 s10, s9;
	s26 =	sor.u32 s1, s11  }
0xb: {  	s29 =	sshrl.u32 s8, $0x1;
	s30 =	sadd.s32 s7, s2;
	s11 =	sor.u32 $0x1C01, s31  }
0xc: {  	s9 =	sshrl.u32 s9, $0x3;
	s10 =	smul.u32 $0xA00, s26;
	s28 =	sadd.s32 s12, s6  }
0xd: {  	s8 =	ssub.s32 s8, s29;
	s12 =	sshrl.u32 s30, $0x3;
	s9 =	sadd.s32 s9, s6  }
0xe: {  	s6 =	sadd.s32 $0x2600, s28;
	s8 =	smax.u32 s8, $0x1;
	s5 =	sadd.s32 s5, s10  }
0xf: {  	s7 =	sadd.s32 $0x2E00, s9;
	s9 =	simm.s32 $0x1;
	s10 =	simm.s32 $0x5000  }
.LBB2_1:
0x10: {  	[tilespmem:s3], [sflag:$0x1] =	stream.linear.gather [hbm4b:s5+s3], $0x5000, $0x38;
	[tilespmem:$0x5300] =	vst v63  }
0x11: {  	_ =	swait.ge [sflag:s9], $0x5000  }
0x12: {  	[sflag:s9] =	ssyncset.done $0x0  }
0x13: {  	[sflag:s9] =	ssyncadd.s32 $0xFFFFB000  }
0x14: {  	[tilespmem:s10], [sflag:$0x1] =	stream.linear.gather [hbm4b:s4+s3], $0x80, $0x38;
	[tilespmem:$0x5300] =	vst v63  }
0x15: {  	_ =	swait.ge [sflag:s9], $0x80  }
0x16: {  	[sflag:s9] =	ssyncset.done $0x0  }
0x17: {  	[sflag:s9] =	ssyncadd.s32 $0xFFFFFF80  }
0x18: {  	[spmem:s12], [sflag:s11] =	dma.local [hbm:s6], $0x50  }
0x19: {  	_ =	swait.ge [sflag:s9], $0x50  }
0x1a: {  	[sflag:s9] =	ssyncset.done $0x0  }
0x1b: {  	[sflag:s9] =	ssyncadd.s32 $0xFFFFFFB0  }
0x1c: {  	s17 =	simm.s32 $0x0;
	[bflag:$0x0] =	sbarrier.arrive $0xFFFF  }
0x1d: {  	[spmem:s2] =	stream.indirect.scatter.add.f32 [tilespmem:s10], [sflag:$0x1], $0x1, s17, s13, $0xb8;
	[tilespmem:$0x5300] =	vst v63  }
0x1e: {  	_ =	swait.ge [sflag:s9], $0x40  }
0x1f: {  	s17 =	simm.s32 $0x200;
	[sflag:s9] =	ssyncset.done $0x0  }
.LBB2_2:
0x20: {  	s18 =	sshra.s32 s17, $0x2;
	[sflag:s9] =	ssyncadd.s32 $0xFFFFFFC0;
	p0 =	sne.s32 s17, $0x13E00  }
0x21: {  	[spmem:s2] =	stream.indirect.scatter.add.f32 [tilespmem:s10], [sflag:$0x1], $0x1, s18, s13, $0xb8;
	[tilespmem:$0x5300] =	vst v63  }
.Ltmp0:
0x22: {  	_ = 	snop;
	(pc) =	sbr.rel @p0 .LBB2_2-.Ltmp0, $4  }
0x23: {  	_ = 	snop  }
0x24: {  	s17 =	sadd.s32 $0x200, s17  }
0x25: {  	_ =	swait.ge [sflag:s9], $0x40  }
0x26: {  	[sflag:s9] =	ssyncset.done $0x0  }
0x27: {  	s16 =	sadd.s32 $0x1, s16  }
0x28: {  	[sflag:s9] =	ssyncadd.s32 $0xFFFFFFC0;
	p0 =	sne.s32 s16, s8  }
.Ltmp1:
0x29: {  	[bflag:$0x0] =	sbarrier.arrive $0xFFFF;
	(pc) =	sbr.rel @p0 .LBB2_1-.Ltmp1, $4  }
0x2a: {  	[hbm:s7@s14], [sflag:s11] =	dma.strided [spmem:s12@s15], $0x50, s9, $0x10   }
0x2b: {  	_ =	swait.ge [sflag:s9], $0x50  }
0x2c: {  	[sflag:s9] =	ssyncset.done $0x0  }
0x2d: {  	[sflag:s9] =	ssyncadd.s32 $0xFFFFFFB0  }
0x2e: {  	_ =	sfence.sel $0x180000  }
0x2f: {  	[bflag:$0x0] =	sbarrier.arrive $0xFFFF  }
0x30: {  	p0 =	sne.s32 s1, $0x0;
	_ =	strace $0x90000047  }
0x31: {  	s0 =	sadd.s32 @!p0 $0x100000, s0;
	[bflag:$0x2] =	sbarrier.arrive $0xFFFF  }
0x32: {  	[sflag:s0] =	ssyncadd.tile.s32 @!p0 $0x1;
	_ =	shalt  }
.Lfunc_end2:
_tile_overlayer_lowered:
.L_overlay_start_2:
0x33: {  	(tag) =	ssettag $0x2  }
0x34: {  	s0 =	rddreg [dreg:$0x0];
	s2 =	stileid.u32  }
0x35: {  	s1 =	rddreg [dreg:$0x1];
	p0 =	sne.s32 s2, $0x0  }
0x36: {  	s3 =	rddreg [dreg:$0x2];
	[bflag:$0x3] =	sbarrier.arrive $0xFFFF;
	s2 =	simm.s32 @!p0 $0x1C01  }
0x37: {  	[timem:s3], [sflag:s2] =	dma.local @!p0 [hbm:s0], s1  }
0x38: {  	s0 =	simm.s32 @!p0 $0x1  }
0x39: {  	_ =	swait.ge @!p0 [sflag:s0], s1  }
0x3a: {  	s1 =	ssub.s32 @!p0 $0x0, s1;
	[sflag:s0] =	ssyncset.done @!p0 $0x0  }
0x3b: {  	[sflag:s0] =	ssyncadd.s32 @!p0 s1  }
0x3c: {  	[bflag:$0x3] =	sbarrier.arrive $0xFFFF  }
0x3d: {  	_ =	shalt  }

</sc_bundles>
